<compile_context>
chip_gen: v7x
topology: tpu7x:2x2x1
jax: 0.10.2.dev20260603
libtpu: 0.0.44.dev20260713+nightly
codegen_flags: <defaults>
</compile_context>

<pallas_src>
import functools

import jax
import jax.numpy as jnp
from jax import lax
from jax.experimental import pallas as pl
from jax.experimental.pallas import tpu as pltpu
from jax.experimental.pallas import tpu_sc as plsc

NUM_USERS = 25000
NUM_ITEMS = 25000
DIM = 64
NUM_LAYERS = 3
E = 800000
N = NUM_USERS + NUM_ITEMS

NC = 2
NS = 16
L = 16

K = 128
CHUNKS = -(-E // (NS * K))
EPT = CHUNKS * K
EP = EPT * NS
NPT = N // NS
RW = 125
HD = DIM // 2


def _layer_body(mult, table, rowp, colp, valp, fin, zrows, newt, fout,
                acc, ridx, cidx, vals_v, rows, abuf, fbuf, gsem):
    c = lax.axis_index("c")
    s = lax.axis_index("s")
    cn = c * N
    r0 = s * NPT

    pltpu.sync_copy(zrows, acc.at[pl.ds(r0, NPT)])
    plsc.subcore_barrier()

    base = s * EPT

    def chunk(g, carry):
        off = base + g * K
        pltpu.sync_copy(rowp.at[pl.ds(off, K)], ridx)
        pltpu.sync_copy(colp.at[pl.ds(off, K)], cidx)
        pltpu.sync_copy(valp.at[pl.ds(off, K)], vals_v)

        def adj(i, _):
            cidx[pl.ds(i * L, L)] = cidx[pl.ds(i * L, L)] + cn
            return 0
        lax.fori_loop(0, K // L, adj, 0, unroll=True)

        pltpu.async_copy(table.at[cidx], rows, gsem).wait()

        def scale(g, _):
            v = vals_v[pl.ds(g * L, L)]
            for i in range(L):
                e = g * L + i
                b = v[i]
                rows[e, pl.ds(0, L)] = rows[e, pl.ds(0, L)] * b
                rows[e, pl.ds(L, L)] = rows[e, pl.ds(L, L)] * b
            return 0
        lax.fori_loop(0, K // L, scale, 0)

        pltpu.sync_copy(rows, acc.at[ridx], add=True)
        return carry

    lax.fori_loop(0, CHUNKS, chunk, 0)
    plsc.subcore_barrier()

    def wb(b, _):
        rb = r0 + b * RW
        pltpu.sync_copy(acc.at[pl.ds(rb, RW)], abuf)
        pltpu.sync_copy(fin.at[pl.ds(cn + rb, RW)], fbuf)

        def addrow(i, _):
            for j in (0, L):
                fbuf[i, pl.ds(j, L)] = (
                    fbuf[i, pl.ds(j, L)] + abuf[i, pl.ds(j, L)]) * mult
            return 0
        lax.fori_loop(0, RW, addrow, 0)

        pltpu.sync_copy(abuf, newt.at[pl.ds(cn + rb, RW)])
        pltpu.sync_copy(fbuf, fout.at[pl.ds(cn + rb, RW)])
        return 0
    lax.fori_loop(0, NPT // RW, wb, 0)


def _make_layer(mult):
    mesh = plsc.VectorSubcoreMesh(core_axis_name="c", subcore_axis_name="s")
    return pl.kernel(
        functools.partial(_layer_body, mult),
        out_type=(
            jax.ShapeDtypeStruct((NC * N, HD), jnp.float32),
            jax.ShapeDtypeStruct((NC * N, HD), jnp.float32),
        ),
        mesh=mesh,
        compiler_params=pltpu.CompilerParams(use_tc_tiling_on_sc=False),
        scratch_types=[
            pltpu.VMEM_SHARED((N, HD), jnp.float32),
            pltpu.VMEM((K,), jnp.int32),
            pltpu.VMEM((K,), jnp.int32),
            pltpu.VMEM((K,), jnp.float32),
            pltpu.VMEM((K, HD), jnp.float32),
            pltpu.VMEM((RW, HD), jnp.float32),
            pltpu.VMEM((RW, HD), jnp.float32),
            pltpu.SemaphoreType.DMA,
        ],
        name=f"lightgcn_layer_m{int(mult * 100)}",
    )


def kernel(adj_indices, adj_values, user_emb, item_emb):
    alpha = 1.0 / (NUM_LAYERS + 1)
    all_embs = jnp.concatenate([user_emb, item_emb], axis=0)
    t0 = all_embs.reshape(N, NC, HD).transpose(1, 0, 2).reshape(NC * N, HD)

    pad = EP - E
    rowp = jnp.concatenate([adj_indices[0], jnp.zeros((pad,), jnp.int32)])
    colp = jnp.concatenate([adj_indices[1], jnp.zeros((pad,), jnp.int32)])
    valp = jnp.concatenate([adj_values, jnp.zeros((pad,), jnp.float32)])
    zrows = jnp.zeros((NPT, HD), jnp.float32)

    step1 = _make_layer(1.0)
    step3 = _make_layer(alpha)

    t1, f1 = step1(t0, rowp, colp, valp, t0, zrows)
    t2, f2 = step1(t1, rowp, colp, valp, f1, zrows)
    _, f3 = step3(t2, rowp, colp, valp, f2, zrows)

    final = f3.reshape(NC, N, HD).transpose(1, 0, 2).reshape(N, DIM)
    return final[:NUM_USERS], final[NUM_USERS:]

# --- scband reference (transcript-rebuilt; emitter-appended) ---
"""Pipeline reference for scband-light-gcn-64733747085811 (READ-ONLY COPY).

The authoritative reference and input builder live on the scoring server;
editing this copy changes nothing except your own understanding.
"""

import jax, jax.numpy as jnp
import numpy as np

NUM_USERS = 25000
NUM_ITEMS = 25000
DIM = 64
NUM_LAYERS = 3
E = 800000
N = NUM_USERS + NUM_ITEMS


def setup_inputs(seed: int = 0) -> dict:
    key = jax.random.key(seed)
    k1, k2, k3, k4 = jax.random.split(key, 4)
    # sparse normalized adjacency in COO form: rows, cols in [0, N), positive values
    adj_indices = jax.random.randint(k1, (2, E), 0, N, dtype=jnp.int32)
    adj_values = jax.random.uniform(k2, (E,), dtype=jnp.float32)
    # learned parameters (nn.Embedding weights, init std=0.1)
    user_emb = jax.random.normal(k3, (NUM_USERS, DIM), dtype=jnp.float32) * 0.1
    item_emb = jax.random.normal(k4, (NUM_ITEMS, DIM), dtype=jnp.float32) * 0.1
    return {"adj_indices": adj_indices, "adj_values": adj_values,
            "user_emb": user_emb, "item_emb": item_emb}


def reference(adj_indices, adj_values, user_emb, item_emb):
    # LightGCN forward: propagate concatenated embeddings through
    # num_layers rounds of sparse matmul, averaging all layer outputs.
    all_embs = jnp.concatenate([user_emb, item_emb], axis=0)  # [N, DIM]
    alpha = 1.0 / (NUM_LAYERS + 1)
    final_embs = all_embs * alpha
    row = adj_indices[0]
    col = adj_indices[1]
    for _ in range(NUM_LAYERS):
        # torch.sparse.mm(norm_adj, all_embs): gather by col, scale, scatter-add by row
        msgs = adj_values[:, None] * jnp.take(all_embs, col, axis=0)  # [E, DIM]
        all_embs = jax.ops.segment_sum(msgs, row, num_segments=N)     # [N, DIM]
        final_embs = final_embs + all_embs * alpha
    user_final = final_embs[:NUM_USERS]
    item_final = final_embs[NUM_USERS:]
    return (user_final, item_final)

if __name__ == "__main__":
    import jax
    _d = setup_inputs()
    print(jax.jit(kernel)(*tuple(_d.values())))

</pallas_src>

<mosaic_0001>
#map = affine_map<(d0, d1) -> (0, 0)>
#map1 = affine_map<(d0, d1) -> (0)>
module attributes {stable_mosaic.version = 14 : i64} {
  func.func @lightgcn_layer_m100(%arg0: i32, %arg1: i32, %arg2: memref<100000x32xf32, #tpu.memory_space<hbm>>, %arg3: memref<800768xi32, #tpu.memory_space<hbm>>, %arg4: memref<800768xi32, #tpu.memory_space<hbm>>, %arg5: memref<800768xf32, #tpu.memory_space<hbm>>, %arg6: memref<100000x32xf32, #tpu.memory_space<hbm>>, %arg7: memref<3125x32xf32, #tpu.memory_space<hbm>>, %arg8: memref<100000x32xf32, #tpu.memory_space<hbm>>, %arg9: memref<100000x32xf32, #tpu.memory_space<hbm>>, %arg10: memref<50000x32xf32, #tpu.memory_space<vmem_shared>>, %arg11: memref<128xi32, #tpu.memory_space<vmem>>, %arg12: memref<128xi32, #tpu.memory_space<vmem>>, %arg13: memref<128xf32, #tpu.memory_space<vmem>>, %arg14: memref<128x32xf32, #tpu.memory_space<vmem>>, %arg15: memref<125x32xf32, #tpu.memory_space<vmem>>, %arg16: memref<125x32xf32, #tpu.memory_space<vmem>>, %arg17: memref<!tpu.dma_semaphore, #tpu.memory_space<semaphore_mem>>) attributes {dimension_semantics = [#tpu.dimension_semantics<core_parallel>, #tpu.dimension_semantics<subcore_parallel>], iteration_bounds = array<i64: 2, 16>, scalar_prefetch = 0 : i64, scratch_operands = 8 : i64, tpu.core_type = #tpu.core_type<sc_vector_subcore>, window_params = [{transform_indices = #map}, {transform_indices = #map1}, {transform_indices = #map1}, {transform_indices = #map1}, {transform_indices = #map}, {transform_indices = #map}, {transform_indices = #map}, {transform_indices = #map}]} {
    %mul3A = arith.constant 50000 : i32
    %mul3A_0 = arith.muli %arg0, %mul3A : i32
    %mul3A_1 = arith.constant 3125 : i32
    %mul3A_2 = arith.muli %arg1, %mul3A_1 : i32
    "tpu.region"() ({
      %run_scoped3A = tpu.sem_alloc : memref<!tpu.dma_semaphore, #tpu.memory_space<semaphore_mem>>
      %dma_start3A = arith.constant 0 : i32
      %dma_start3A_18 = tpu.memref_slice %arg10[%mul3A_2, %dma_start3A] : memref<50000x32xf32, #tpu.memory_space<vmem_shared>> -> memref<3125x32xf32, #tpu.memory_space<vmem_shared>>
      tpu.enqueue_dma source(%arg7 : memref<3125x32xf32, #tpu.memory_space<hbm>>) target(%dma_start3A_18 : memref<3125x32xf32, #tpu.memory_space<vmem_shared>>) target_semaphore(%run_scoped3A : memref<!tpu.dma_semaphore, #tpu.memory_space<semaphore_mem>>)
      %dma_wait3A = arith.constant 0 : i32
      %dma_wait3A_19 = tpu.memref_slice %arg10[%mul3A_2, %dma_wait3A] : memref<50000x32xf32, #tpu.memory_space<vmem_shared>> -> memref<3125x32xf32, #tpu.memory_space<vmem_shared>>
      tpu.wait_dma2 semaphore(%run_scoped3A : memref<!tpu.dma_semaphore, #tpu.memory_space<semaphore_mem>>) src(%arg7 : memref<3125x32xf32, #tpu.memory_space<hbm>>) dst(%dma_wait3A_19 : memref<3125x32xf32, #tpu.memory_space<vmem_shared>>)
      tpu.yield
    }) : () -> ()
    %barrier3A = arith.constant 0 : index
    tpu.barrier barrier_id(%barrier3A)
    %mul3A_3 = arith.constant 50048 : i32
    %mul3A_4 = arith.muli %arg1, %mul3A_3 : i32
    %scan3A = arith.constant 0 : i32
    %scan3A_5 = arith.constant 0 : i32
    %scan3A_6 = arith.constant 391 : i32
    %scan3A_7 = arith.addi %scan3A_5, %scan3A_6 : i32
    %scan3A_8 = arith.constant 1 : i32
    scf.for %scan3A_18 = %scan3A_5 to %scan3A_7 step %scan3A_8  : i32 {
      %mul3A_19 = arith.constant 128 : i32
      %mul3A_20 = arith.muli %scan3A_18, %mul3A_19 : i32
      %add3A = arith.addi %mul3A_4, %mul3A_20 : i32
      "tpu.region"() ({
        %run_scoped3A = tpu.sem_alloc : memref<!tpu.dma_semaphore, #tpu.memory_space<semaphore_mem>>
        %dma_start3A_152 = tpu.memref_slice %arg3[%add3A] : memref<800768xi32, #tpu.memory_space<hbm>> -> memref<128xi32, #tpu.memory_space<hbm>>
        %dma_start3A_153 = tpu.memref_slice %arg3[%add3A] : memref<800768xi32, #tpu.memory_space<hbm>> -> memref<128xi32, #tpu.memory_space<hbm>>
        tpu.enqueue_dma source(%dma_start3A_153 : memref<128xi32, #tpu.memory_space<hbm>>) target(%arg11 : memref<128xi32, #tpu.memory_space<vmem>>) target_semaphore(%run_scoped3A : memref<!tpu.dma_semaphore, #tpu.memory_space<semaphore_mem>>)
        %dma_wait3A_154 = tpu.memref_slice %arg3[%add3A] : memref<800768xi32, #tpu.memory_space<hbm>> -> memref<128xi32, #tpu.memory_space<hbm>>
        %dma_wait3A_155 = tpu.memref_slice %arg3[%add3A] : memref<800768xi32, #tpu.memory_space<hbm>> -> memref<128xi32, #tpu.memory_space<hbm>>
        tpu.wait_dma2 semaphore(%run_scoped3A : memref<!tpu.dma_semaphore, #tpu.memory_space<semaphore_mem>>) src(%dma_wait3A_155 : memref<128xi32, #tpu.memory_space<hbm>>) dst(%arg11 : memref<128xi32, #tpu.memory_space<vmem>>)
        tpu.yield
      }) : () -> ()
      "tpu.region"() ({
        %run_scoped3A = tpu.sem_alloc : memref<!tpu.dma_semaphore, #tpu.memory_space<semaphore_mem>>
        %dma_start3A_152 = tpu.memref_slice %arg4[%add3A] : memref<800768xi32, #tpu.memory_space<hbm>> -> memref<128xi32, #tpu.memory_space<hbm>>
        %dma_start3A_153 = tpu.memref_slice %arg4[%add3A] : memref<800768xi32, #tpu.memory_space<hbm>> -> memref<128xi32, #tpu.memory_space<hbm>>
        tpu.enqueue_dma source(%dma_start3A_153 : memref<128xi32, #tpu.memory_space<hbm>>) target(%arg12 : memref<128xi32, #tpu.memory_space<vmem>>) target_semaphore(%run_scoped3A : memref<!tpu.dma_semaphore, #tpu.memory_space<semaphore_mem>>)
        %dma_wait3A_154 = tpu.memref_slice %arg4[%add3A] : memref<800768xi32, #tpu.memory_space<hbm>> -> memref<128xi32, #tpu.memory_space<hbm>>
        %dma_wait3A_155 = tpu.memref_slice %arg4[%add3A] : memref<800768xi32, #tpu.memory_space<hbm>> -> memref<128xi32, #tpu.memory_space<hbm>>
        tpu.wait_dma2 semaphore(%run_scoped3A : memref<!tpu.dma_semaphore, #tpu.memory_space<semaphore_mem>>) src(%dma_wait3A_155 : memref<128xi32, #tpu.memory_space<hbm>>) dst(%arg12 : memref<128xi32, #tpu.memory_space<vmem>>)
        tpu.yield
      }) : () -> ()
      "tpu.region"() ({
        %run_scoped3A = tpu.sem_alloc : memref<!tpu.dma_semaphore, #tpu.memory_space<semaphore_mem>>
        %dma_start3A_152 = tpu.memref_slice %arg5[%add3A] : memref<800768xf32, #tpu.memory_space<hbm>> -> memref<128xf32, #tpu.memory_space<hbm>>
        %dma_start3A_153 = tpu.memref_slice %arg5[%add3A] : memref<800768xf32, #tpu.memory_space<hbm>> -> memref<128xf32, #tpu.memory_space<hbm>>
        tpu.enqueue_dma source(%dma_start3A_153 : memref<128xf32, #tpu.memory_space<hbm>>) target(%arg13 : memref<128xf32, #tpu.memory_space<vmem>>) target_semaphore(%run_scoped3A : memref<!tpu.dma_semaphore, #tpu.memory_space<semaphore_mem>>)
        %dma_wait3A_154 = tpu.memref_slice %arg5[%add3A] : memref<800768xf32, #tpu.memory_space<hbm>> -> memref<128xf32, #tpu.memory_space<hbm>>
        %dma_wait3A_155 = tpu.memref_slice %arg5[%add3A] : memref<800768xf32, #tpu.memory_space<hbm>> -> memref<128xf32, #tpu.memory_space<hbm>>
        tpu.wait_dma2 semaphore(%run_scoped3A : memref<!tpu.dma_semaphore, #tpu.memory_space<semaphore_mem>>) src(%dma_wait3A_155 : memref<128xf32, #tpu.memory_space<hbm>>) dst(%arg13 : memref<128xf32, #tpu.memory_space<vmem>>)
        tpu.yield
      }) : () -> ()
      %scan3A_21 = arith.constant 0 : i32
      %scan3A_22 = arith.constant 0 : i32
      %mul3A_23 = arith.constant 16 : i32
      %mul3A_24 = arith.muli %scan3A_22, %mul3A_23 : i32
      %get3A = arith.index_cast %mul3A_24 : i32 to index
      %get3A_25 = tpu.vector_load %arg12[%get3A] {strides = array<i32>} : memref<128xi32, #tpu.memory_space<vmem>>, vector<16xi32>,
      %get3A_26 = vector.shape_cast %get3A_25 : vector<16xi32> to vector<16xi32>
      %add3A_27 = vector.broadcast %mul3A_0 : i32 to vector<16xi32>
      %add3A_28 = arith.addi %get3A_26, %add3A_27 : vector<16xi32>
      %mul3A_29 = arith.constant 16 : i32
      %mul3A_30 = arith.muli %scan3A_22, %mul3A_29 : i32
      %swap3A = arith.index_cast %mul3A_30 : i32 to index
      %swap3A_31 = tpu.vector_load %arg12[%swap3A] {strides = array<i32>} : memref<128xi32, #tpu.memory_space<vmem>>, vector<16xi32>,
      %swap3A_32 = vector.shape_cast %swap3A_31 : vector<16xi32> to vector<16xi32>
      %swap3A_33 = vector.shape_cast %add3A_28 : vector<16xi32> to vector<16xi32>
      tpu.vector_store %arg12[%swap3A], %swap3A_33 {strides = array<i32>} : memref<128xi32, #tpu.memory_space<vmem>>, vector<16xi32>,
      %scan3A_34 = arith.constant 0 : i32
      %scan3A_35 = arith.constant 1 : i32
      %mul3A_36 = arith.constant 16 : i32
      %mul3A_37 = arith.muli %scan3A_35, %mul3A_36 : i32
      %get3A_38 = arith.index_cast %mul3A_37 : i32 to index
      %get3A_39 = tpu.vector_load %arg12[%get3A_38] {strides = array<i32>} : memref<128xi32, #tpu.memory_space<vmem>>, vector<16xi32>,
      %get3A_40 = vector.shape_cast %get3A_39 : vector<16xi32> to vector<16xi32>
      %add3A_41 = vector.broadcast %mul3A_0 : i32 to vector<16xi32>
      %add3A_42 = arith.addi %get3A_40, %add3A_41 : vector<16xi32>
      %mul3A_43 = arith.constant 16 : i32
      %mul3A_44 = arith.muli %scan3A_35, %mul3A_43 : i32
      %swap3A_45 = arith.index_cast %mul3A_44 : i32 to index
      %swap3A_46 = tpu.vector_load %arg12[%swap3A_45] {strides = array<i32>} : memref<128xi32, #tpu.memory_space<vmem>>, vector<16xi32>,
      %swap3A_47 = vector.shape_cast %swap3A_46 : vector<16xi32> to vector<16xi32>
      %swap3A_48 = vector.shape_cast %add3A_42 : vector<16xi32> to vector<16xi32>
      tpu.vector_store %arg12[%swap3A_45], %swap3A_48 {strides = array<i32>} : memref<128xi32, #tpu.memory_space<vmem>>, vector<16xi32>,
      %scan3A_49 = arith.constant 0 : i32
      %scan3A_50 = arith.constant 2 : i32
      %mul3A_51 = arith.constant 16 : i32
      %mul3A_52 = arith.muli %scan3A_50, %mul3A_51 : i32
      %get3A_53 = arith.index_cast %mul3A_52 : i32 to index
      %get3A_54 = tpu.vector_load %arg12[%get3A_53] {strides = array<i32>} : memref<128xi32, #tpu.memory_space<vmem>>, vector<16xi32>,
      %get3A_55 = vector.shape_cast %get3A_54 : vector<16xi32> to vector<16xi32>
      %add3A_56 = vector.broadcast %mul3A_0 : i32 to vector<16xi32>
      %add3A_57 = arith.addi %get3A_55, %add3A_56 : vector<16xi32>
      %mul3A_58 = arith.constant 16 : i32
      %mul3A_59 = arith.muli %scan3A_50, %mul3A_58 : i32
      %swap3A_60 = arith.index_cast %mul3A_59 : i32 to index
      %swap3A_61 = tpu.vector_load %arg12[%swap3A_60] {strides = array<i32>} : memref<128xi32, #tpu.memory_space<vmem>>, vector<16xi32>,
      %swap3A_62 = vector.shape_cast %swap3A_61 : vector<16xi32> to vector<16xi32>
      %swap3A_63 = vector.shape_cast %add3A_57 : vector<16xi32> to vector<16xi32>
      tpu.vector_store %arg12[%swap3A_60], %swap3A_63 {strides = array<i32>} : memref<128xi32, #tpu.memory_space<vmem>>, vector<16xi32>,
      %scan3A_64 = arith.constant 0 : i32
      %scan3A_65 = arith.constant 3 : i32
      %mul3A_66 = arith.constant 16 : i32
      %mul3A_67 = arith.muli %scan3A_65, %mul3A_66 : i32
      %get3A_68 = arith.index_cast %mul3A_67 : i32 to index
      %get3A_69 = tpu.vector_load %arg12[%get3A_68] {strides = array<i32>} : memref<128xi32, #tpu.memory_space<vmem>>, vector<16xi32>,
      %get3A_70 = vector.shape_cast %get3A_69 : vector<16xi32> to vector<16xi32>
      %add3A_71 = vector.broadcast %mul3A_0 : i32 to vector<16xi32>
      %add3A_72 = arith.addi %get3A_70, %add3A_71 : vector<16xi32>
      %mul3A_73 = arith.constant 16 : i32
      %mul3A_74 = arith.muli %scan3A_65, %mul3A_73 : i32
      %swap3A_75 = arith.index_cast %mul3A_74 : i32 to index
      %swap3A_76 = tpu.vector_load %arg12[%swap3A_75] {strides = array<i32>} : memref<128xi32, #tpu.memory_space<vmem>>, vector<16xi32>,
      %swap3A_77 = vector.shape_cast %swap3A_76 : vector<16xi32> to vector<16xi32>
      %swap3A_78 = vector.shape_cast %add3A_72 : vector<16xi32> to vector<16xi32>
      tpu.vector_store %arg12[%swap3A_75], %swap3A_78 {strides = array<i32>} : memref<128xi32, #tpu.memory_space<vmem>>, vector<16xi32>,
      %scan3A_79 = arith.constant 0 : i32
      %scan3A_80 = arith.constant 4 : i32
      %mul3A_81 = arith.constant 16 : i32
      %mul3A_82 = arith.muli %scan3A_80, %mul3A_81 : i32
      %get3A_83 = arith.index_cast %mul3A_82 : i32 to index
      %get3A_84 = tpu.vector_load %arg12[%get3A_83] {strides = array<i32>} : memref<128xi32, #tpu.memory_space<vmem>>, vector<16xi32>,
      %get3A_85 = vector.shape_cast %get3A_84 : vector<16xi32> to vector<16xi32>
      %add3A_86 = vector.broadcast %mul3A_0 : i32 to vector<16xi32>
      %add3A_87 = arith.addi %get3A_85, %add3A_86 : vector<16xi32>
      %mul3A_88 = arith.constant 16 : i32
      %mul3A_89 = arith.muli %scan3A_80, %mul3A_88 : i32
      %swap3A_90 = arith.index_cast %mul3A_89 : i32 to index
      %swap3A_91 = tpu.vector_load %arg12[%swap3A_90] {strides = array<i32>} : memref<128xi32, #tpu.memory_space<vmem>>, vector<16xi32>,
      %swap3A_92 = vector.shape_cast %swap3A_91 : vector<16xi32> to vector<16xi32>
      %swap3A_93 = vector.shape_cast %add3A_87 : vector<16xi32> to vector<16xi32>
      tpu.vector_store %arg12[%swap3A_90], %swap3A_93 {strides = array<i32>} : memref<128xi32, #tpu.memory_space<vmem>>, vector<16xi32>,
      %scan3A_94 = arith.constant 0 : i32
      %scan3A_95 = arith.constant 5 : i32
      %mul3A_96 = arith.constant 16 : i32
      %mul3A_97 = arith.muli %scan3A_95, %mul3A_96 : i32
      %get3A_98 = arith.index_cast %mul3A_97 : i32 to index
      %get3A_99 = tpu.vector_load %arg12[%get3A_98] {strides = array<i32>} : memref<128xi32, #tpu.memory_space<vmem>>, vector<16xi32>,
      %get3A_100 = vector.shape_cast %get3A_99 : vector<16xi32> to vector<16xi32>
      %add3A_101 = vector.broadcast %mul3A_0 : i32 to vector<16xi32>
      %add3A_102 = arith.addi %get3A_100, %add3A_101 : vector<16xi32>
      %mul3A_103 = arith.constant 16 : i32
      %mul3A_104 = arith.muli %scan3A_95, %mul3A_103 : i32
      %swap3A_105 = arith.index_cast %mul3A_104 : i32 to index
      %swap3A_106 = tpu.vector_load %arg12[%swap3A_105] {strides = array<i32>} : memref<128xi32, #tpu.memory_space<vmem>>, vector<16xi32>,
      %swap3A_107 = vector.shape_cast %swap3A_106 : vector<16xi32> to vector<16xi32>
      %swap3A_108 = vector.shape_cast %add3A_102 : vector<16xi32> to vector<16xi32>
      tpu.vector_store %arg12[%swap3A_105], %swap3A_108 {strides = array<i32>} : memref<128xi32, #tpu.memory_space<vmem>>, vector<16xi32>,
      %scan3A_109 = arith.constant 0 : i32
      %scan3A_110 = arith.constant 6 : i32
      %mul3A_111 = arith.constant 16 : i32
      %mul3A_112 = arith.muli %scan3A_110, %mul3A_111 : i32
      %get3A_113 = arith.index_cast %mul3A_112 : i32 to index
      %get3A_114 = tpu.vector_load %arg12[%get3A_113] {strides = array<i32>} : memref<128xi32, #tpu.memory_space<vmem>>, vector<16xi32>,
      %get3A_115 = vector.shape_cast %get3A_114 : vector<16xi32> to vector<16xi32>
      %add3A_116 = vector.broadcast %mul3A_0 : i32 to vector<16xi32>
      %add3A_117 = arith.addi %get3A_115, %add3A_116 : vector<16xi32>
      %mul3A_118 = arith.constant 16 : i32
      %mul3A_119 = arith.muli %scan3A_110, %mul3A_118 : i32
      %swap3A_120 = arith.index_cast %mul3A_119 : i32 to index
      %swap3A_121 = tpu.vector_load %arg12[%swap3A_120] {strides = array<i32>} : memref<128xi32, #tpu.memory_space<vmem>>, vector<16xi32>,
      %swap3A_122 = vector.shape_cast %swap3A_121 : vector<16xi32> to vector<16xi32>
      %swap3A_123 = vector.shape_cast %add3A_117 : vector<16xi32> to vector<16xi32>
      tpu.vector_store %arg12[%swap3A_120], %swap3A_123 {strides = array<i32>} : memref<128xi32, #tpu.memory_space<vmem>>, vector<16xi32>,
      %scan3A_124 = arith.constant 0 : i32
      %scan3A_125 = arith.constant 7 : i32
      %mul3A_126 = arith.constant 16 : i32
      %mul3A_127 = arith.muli %scan3A_125, %mul3A_126 : i32
      %get3A_128 = arith.index_cast %mul3A_127 : i32 to index
      %get3A_129 = tpu.vector_load %arg12[%get3A_128] {strides = array<i32>} : memref<128xi32, #tpu.memory_space<vmem>>, vector<16xi32>,
      %get3A_130 = vector.shape_cast %get3A_129 : vector<16xi32> to vector<16xi32>
      %add3A_131 = vector.broadcast %mul3A_0 : i32 to vector<16xi32>
      %add3A_132 = arith.addi %get3A_130, %add3A_131 : vector<16xi32>
      %mul3A_133 = arith.constant 16 : i32
      %mul3A_134 = arith.muli %scan3A_125, %mul3A_133 : i32
      %swap3A_135 = arith.index_cast %mul3A_134 : i32 to index
      %swap3A_136 = tpu.vector_load %arg12[%swap3A_135] {strides = array<i32>} : memref<128xi32, #tpu.memory_space<vmem>>, vector<16xi32>,
      %swap3A_137 = vector.shape_cast %swap3A_136 : vector<16xi32> to vector<16xi32>
      %swap3A_138 = vector.shape_cast %add3A_132 : vector<16xi32> to vector<16xi32>
      tpu.vector_store %arg12[%swap3A_135], %swap3A_138 {strides = array<i32>} : memref<128xi32, #tpu.memory_space<vmem>>, vector<16xi32>,
      %scan3A_139 = arith.constant 0 : i32
      %scan3A_140 = arith.constant 8 : i32
      %dma_start3A = arith.constant 0 : i32
      %dma_start3A_141 = arith.constant 0 : i32
      %dma_start3A_142 = tpu.memref_slice %arg2[%dma_start3A, %dma_start3A_141] : memref<100000x32xf32, #tpu.memory_space<hbm>> -> memref<100000x32xf32, #tpu.memory_space<hbm>>
      tpu.enqueue_indirect_dma source(%dma_start3A_142 : memref<100000x32xf32, #tpu.memory_space<hbm>>) target(%arg14 : memref<128x32xf32, #tpu.memory_space<vmem>>) offsets(%arg12 : memref<128xi32, #tpu.memory_space<vmem>>) semaphore(%arg17 : memref<!tpu.dma_semaphore, #tpu.memory_space<semaphore_mem>>)
      %dma_wait3A = arith.constant 0 : i32
      %dma_wait3A_143 = arith.constant 0 : i32
      %dma_wait3A_144 = tpu.memref_slice %arg2[%dma_wait3A, %dma_wait3A_143] : memref<100000x32xf32, #tpu.memory_space<hbm>> -> memref<100000x32xf32, #tpu.memory_space<hbm>>
      tpu.wait_indirect_dma semaphore(%arg17 : memref<!tpu.dma_semaphore, #tpu.memory_space<semaphore_mem>>) src(%dma_wait3A_144 : memref<100000x32xf32, #tpu.memory_space<hbm>>) dst(%arg14 : memref<128x32xf32, #tpu.memory_space<vmem>>)
      %scan3A_145 = arith.constant 0 : i32
      %scan3A_146 = arith.constant 0 : i32
      %scan3A_147 = arith.constant 8 : i32
      %scan3A_148 = arith.addi %scan3A_146, %scan3A_147 : i32
      %scan3A_149 = arith.constant 1 : i32
      %scan3A_150 = scf.for %scan3A_152 = %scan3A_146 to %scan3A_148 step %scan3A_149 iter_args(%scan3A_153 = %scan3A_145) -> (i32)  : i32 {
        %mul3A_154 = arith.constant 16 : i32
        %mul3A_155 = arith.muli %scan3A_152, %mul3A_154 : i32
        %get3A_156 = arith.index_cast %mul3A_155 : i32 to index
        %get3A_157 = tpu.vector_load %arg13[%get3A_156] {strides = array<i32>} : memref<128xf32, #tpu.memory_space<vmem>>, vector<16xf32>,
        %get3A_158 = vector.shape_cast %get3A_157 : vector<16xf32> to vector<16xf32>
        %mul3A_159 = arith.constant 16 : i32
        %mul3A_160 = arith.muli %scan3A_152, %mul3A_159 : i32
        %add3A_161 = arith.constant 0 : i32
        %add3A_162 = arith.addi %mul3A_160, %add3A_161 : i32
        %slice3A = vector.extract_strided_slice %get3A_158 {offsets = [0], sizes = [1], strides = [1]} : vector<16xf32> to vector<1xf32>
        %squeeze3A = vector.extract %slice3A[0] : f32 from vector<1xf32>
        %get3A_163 = arith.index_cast %add3A_162 : i32 to index
        %get3A_164 = arith.constant 0 : index
        %get3A_165 = tpu.vector_load %arg14[%get3A_163, %get3A_164] {strides = array<i32>} : memref<128x32xf32, #tpu.memory_space<vmem>>, vector<1x16xf32>,
        %get3A_166 = vector.shape_cast %get3A_165 : vector<1x16xf32> to vector<16xf32>
        %mul3A_167 = vector.broadcast %squeeze3A : f32 to vector<16xf32>
        %mul3A_168 = arith.mulf %get3A_166, %mul3A_167 : vector<16xf32>
        %swap3A_169 = arith.index_cast %add3A_162 : i32 to index
        %swap3A_170 = arith.constant 0 : index
        %swap3A_171 = tpu.vector_load %arg14[%swap3A_169, %swap3A_170] {strides = array<i32>} : memref<128x32xf32, #tpu.memory_space<vmem>>, vector<1x16xf32>,
        %swap3A_172 = vector.shape_cast %swap3A_171 : vector<1x16xf32> to vector<16xf32>
        %swap3A_173 = vector.shape_cast %mul3A_168 : vector<16xf32> to vector<1x16xf32>
        tpu.vector_store %arg14[%swap3A_169, %swap3A_170], %swap3A_173 {strides = array<i32>} : memref<128x32xf32, #tpu.memory_space<vmem>>, vector<1x16xf32>,
        %get3A_174 = arith.index_cast %add3A_162 : i32 to index
        %get3A_175 = arith.constant 16 : index
        %get3A_176 = tpu.vector_load %arg14[%get3A_174, %get3A_175] {strides = array<i32>} : memref<128x32xf32, #tpu.memory_space<vmem>>, vector<1x16xf32>,
        %get3A_177 = vector.shape_cast %get3A_176 : vector<1x16xf32> to vector<16xf32>
        %mul3A_178 = vector.broadcast %squeeze3A : f32 to vector<16xf32>
        %mul3A_179 = arith.mulf %get3A_177, %mul3A_178 : vector<16xf32>
        %swap3A_180 = arith.index_cast %add3A_162 : i32 to index
        %swap3A_181 = arith.constant 16 : index
        %swap3A_182 = tpu.vector_load %arg14[%swap3A_180, %swap3A_181] {strides = array<i32>} : memref<128x32xf32, #tpu.memory_space<vmem>>, vector<1x16xf32>,
        %swap3A_183 = vector.shape_cast %swap3A_182 : vector<1x16xf32> to vector<16xf32>
        %swap3A_184 = vector.shape_cast %mul3A_179 : vector<16xf32> to vector<1x16xf32>
        tpu.vector_store %arg14[%swap3A_180, %swap3A_181], %swap3A_184 {strides = array<i32>} : memref<128x32xf32, #tpu.memory_space<vmem>>, vector<1x16xf32>,
        %mul3A_185 = arith.constant 16 : i32
        %mul3A_186 = arith.muli %scan3A_152, %mul3A_185 : i32
        %add3A_187 = arith.constant 1 : i32
        %add3A_188 = arith.addi %mul3A_186, %add3A_187 : i32
        %slice3A_189 = vector.extract_strided_slice %get3A_158 {offsets = [1], sizes = [1], strides = [1]} : vector<16xf32> to vector<1xf32>
        %squeeze3A_190 = vector.extract %slice3A_189[0] : f32 from vector<1xf32>
        %get3A_191 = arith.index_cast %add3A_188 : i32 to index
        %get3A_192 = arith.constant 0 : index
        %get3A_193 = tpu.vector_load %arg14[%get3A_191, %get3A_192] {strides = array<i32>} : memref<128x32xf32, #tpu.memory_space<vmem>>, vector<1x16xf32>,
        %get3A_194 = vector.shape_cast %get3A_193 : vector<1x16xf32> to vector<16xf32>
        %mul3A_195 = vector.broadcast %squeeze3A_190 : f32 to vector<16xf32>
        %mul3A_196 = arith.mulf %get3A_194, %mul3A_195 : vector<16xf32>
        %swap3A_197 = arith.index_cast %add3A_188 : i32 to index
        %swap3A_198 = arith.constant 0 : index
        %swap3A_199 = tpu.vector_load %arg14[%swap3A_197, %swap3A_198] {strides = array<i32>} : memref<128x32xf32, #tpu.memory_space<vmem>>, vector<1x16xf32>,
        %swap3A_200 = vector.shape_cast %swap3A_199 : vector<1x16xf32> to vector<16xf32>
        %swap3A_201 = vector.shape_cast %mul3A_196 : vector<16xf32> to vector<1x16xf32>
        tpu.vector_store %arg14[%swap3A_197, %swap3A_198], %swap3A_201 {strides = array<i32>} : memref<128x32xf32, #tpu.memory_space<vmem>>, vector<1x16xf32>,
        %get3A_202 = arith.index_cast %add3A_188 : i32 to index
        %get3A_203 = arith.constant 16 : index
        %get3A_204 = tpu.vector_load %arg14[%get3A_202, %get3A_203] {strides = array<i32>} : memref<128x32xf32, #tpu.memory_space<vmem>>, vector<1x16xf32>,
        %get3A_205 = vector.shape_cast %get3A_204 : vector<1x16xf32> to vector<16xf32>
        %mul3A_206 = vector.broadcast %squeeze3A_190 : f32 to vector<16xf32>
        %mul3A_207 = arith.mulf %get3A_205, %mul3A_206 : vector<16xf32>
        %swap3A_208 = arith.index_cast %add3A_188 : i32 to index
        %swap3A_209 = arith.constant 16 : index
        %swap3A_210 = tpu.vector_load %arg14[%swap3A_208, %swap3A_209] {strides = array<i32>} : memref<128x32xf32, #tpu.memory_space<vmem>>, vector<1x16xf32>,
        %swap3A_211 = vector.shape_cast %swap3A_210 : vector<1x16xf32> to vector<16xf32>
        %swap3A_212 = vector.shape_cast %mul3A_207 : vector<16xf32> to vector<1x16xf32>
        tpu.vector_store %arg14[%swap3A_208, %swap3A_209], %swap3A_212 {strides = array<i32>} : memref<128x32xf32, #tpu.memory_space<vmem>>, vector<1x16xf32>,
        %mul3A_213 = arith.constant 16 : i32
        %mul3A_214 = arith.muli %scan3A_152, %mul3A_213 : i32
        %add3A_215 = arith.constant 2 : i32
        %add3A_216 = arith.addi %mul3A_214, %add3A_215 : i32
        %slice3A_217 = vector.extract_strided_slice %get3A_158 {offsets = [2], sizes = [1], strides = [1]} : vector<16xf32> to vector<1xf32>
        %squeeze3A_218 = vector.extract %slice3A_217[0] : f32 from vector<1xf32>
        %get3A_219 = arith.index_cast %add3A_216 : i32 to index
        %get3A_220 = arith.constant 0 : index
        %get3A_221 = tpu.vector_load %arg14[%get3A_219, %get3A_220] {strides = array<i32>} : memref<128x32xf32, #tpu.memory_space<vmem>>, vector<1x16xf32>,
        %get3A_222 = vector.shape_cast %get3A_221 : vector<1x16xf32> to vector<16xf32>
        %mul3A_223 = vector.broadcast %squeeze3A_218 : f32 to vector<16xf32>
        %mul3A_224 = arith.mulf %get3A_222, %mul3A_223 : vector<16xf32>
        %swap3A_225 = arith.index_cast %add3A_216 : i32 to index
        %swap3A_226 = arith.constant 0 : index
        %swap3A_227 = tpu.vector_load %arg14[%swap3A_225, %swap3A_226] {strides = array<i32>} : memref<128x32xf32, #tpu.memory_space<vmem>>, vector<1x16xf32>,
        %swap3A_228 = vector.shape_cast %swap3A_227 : vector<1x16xf32> to vector<16xf32>
        %swap3A_229 = vector.shape_cast %mul3A_224 : vector<16xf32> to vector<1x16xf32>
        tpu.vector_store %arg14[%swap3A_225, %swap3A_226], %swap3A_229 {strides = array<i32>} : memref<128x32xf32, #tpu.memory_space<vmem>>, vector<1x16xf32>,
        %get3A_230 = arith.index_cast %add3A_216 : i32 to index
        %get3A_231 = arith.constant 16 : index
        %get3A_232 = tpu.vector_load %arg14[%get3A_230, %get3A_231] {strides = array<i32>} : memref<128x32xf32, #tpu.memory_space<vmem>>, vector<1x16xf32>,
        %get3A_233 = vector.shape_cast %get3A_232 : vector<1x16xf32> to vector<16xf32>
        %mul3A_234 = vector.broadcast %squeeze3A_218 : f32 to vector<16xf32>
        %mul3A_235 = arith.mulf %get3A_233, %mul3A_234 : vector<16xf32>
        %swap3A_236 = arith.index_cast %add3A_216 : i32 to index
        %swap3A_237 = arith.constant 16 : index
        %swap3A_238 = tpu.vector_load %arg14[%swap3A_236, %swap3A_237] {strides = array<i32>} : memref<128x32xf32, #tpu.memory_space<vmem>>, vector<1x16xf32>,
        %swap3A_239 = vector.shape_cast %swap3A_238 : vector<1x16xf32> to vector<16xf32>
        %swap3A_240 = vector.shape_cast %mul3A_235 : vector<16xf32> to vector<1x16xf32>
        tpu.vector_store %arg14[%swap3A_236, %swap3A_237], %swap3A_240 {strides = array<i32>} : memref<128x32xf32, #tpu.memory_space<vmem>>, vector<1x16xf32>,
        %mul3A_241 = arith.constant 16 : i32
        %mul3A_242 = arith.muli %scan3A_152, %mul3A_241 : i32
        %add3A_243 = arith.constant 3 : i32
        %add3A_244 = arith.addi %mul3A_242, %add3A_243 : i32
        %slice3A_245 = vector.extract_strided_slice %get3A_158 {offsets = [3], sizes = [1], strides = [1]} : vector<16xf32> to vector<1xf32>
        %squeeze3A_246 = vector.extract %slice3A_245[0] : f32 from vector<1xf32>
        %get3A_247 = arith.index_cast %add3A_244 : i32 to index
        %get3A_248 = arith.constant 0 : index
        %get3A_249 = tpu.vector_load %arg14[%get3A_247, %get3A_248] {strides = array<i32>} : memref<128x32xf32, #tpu.memory_space<vmem>>, vector<1x16xf32>,
        %get3A_250 = vector.shape_cast %get3A_249 : vector<1x16xf32> to vector<16xf32>
        %mul3A_251 = vector.broadcast %squeeze3A_246 : f32 to vector<16xf32>
        %mul3A_252 = arith.mulf %get3A_250, %mul3A_251 : vector<16xf32>
        %swap3A_253 = arith.index_cast %add3A_244 : i32 to index
        %swap3A_254 = arith.constant 0 : index
        %swap3A_255 = tpu.vector_load %arg14[%swap3A_253, %swap3A_254] {strides = array<i32>} : memref<128x32xf32, #tpu.memory_space<vmem>>, vector<1x16xf32>,
        %swap3A_256 = vector.shape_cast %swap3A_255 : vector<1x16xf32> to vector<16xf32>
        %swap3A_257 = vector.shape_cast %mul3A_252 : vector<16xf32> to vector<1x16xf32>
        tpu.vector_store %arg14[%swap3A_253, %swap3A_254], %swap3A_257 {strides = array<i32>} : memref<128x32xf32, #tpu.memory_space<vmem>>, vector<1x16xf32>,
        %get3A_258 = arith.index_cast %add3A_244 : i32 to index
        %get3A_259 = arith.constant 16 : index
        %get3A_260 = tpu.vector_load %arg14[%get3A_258, %get3A_259] {strides = array<i32>} : memref<128x32xf32, #tpu.memory_space<vmem>>, vector<1x16xf32>,
        %get3A_261 = vector.shape_cast %get3A_260 : vector<1x16xf32> to vector<16xf32>
        %mul3A_262 = vector.broadcast %squeeze3A_246 : f32 to vector<16xf32>
        %mul3A_263 = arith.mulf %get3A_261, %mul3A_262 : vector<16xf32>
        %swap3A_264 = arith.index_cast %add3A_244 : i32 to index
        %swap3A_265 = arith.constant 16 : index
        %swap3A_266 = tpu.vector_load %arg14[%swap3A_264, %swap3A_265] {strides = array<i32>} : memref<128x32xf32, #tpu.memory_space<vmem>>, vector<1x16xf32>,
        %swap3A_267 = vector.shape_cast %swap3A_266 : vector<1x16xf32> to vector<16xf32>
        %swap3A_268 = vector.shape_cast %mul3A_263 : vector<16xf32> to vector<1x16xf32>
        tpu.vector_store %arg14[%swap3A_264, %swap3A_265], %swap3A_268 {strides = array<i32>} : memref<128x32xf32, #tpu.memory_space<vmem>>, vector<1x16xf32>,
        %mul3A_269 = arith.constant 16 : i32
        %mul3A_270 = arith.muli %scan3A_152, %mul3A_269 : i32
        %add3A_271 = arith.constant 4 : i32
        %add3A_272 = arith.addi %mul3A_270, %add3A_271 : i32
        %slice3A_273 = vector.extract_strided_slice %get3A_158 {offsets = [4], sizes = [1], strides = [1]} : vector<16xf32> to vector<1xf32>
        %squeeze3A_274 = vector.extract %slice3A_273[0] : f32 from vector<1xf32>
        %get3A_275 = arith.index_cast %add3A_272 : i32 to index
        %get3A_276 = arith.constant 0 : index
        %get3A_277 = tpu.vector_load %arg14[%get3A_275, %get3A_276] {strides = array<i32>} : memref<128x32xf32, #tpu.memory_space<vmem>>, vector<1x16xf32>,
        %get3A_278 = vector.shape_cast %get3A_277 : vector<1x16xf32> to vector<16xf32>
        %mul3A_279 = vector.broadcast %squeeze3A_274 : f32 to vector<16xf32>
        %mul3A_280 = arith.mulf %get3A_278, %mul3A_279 : vector<16xf32>
        %swap3A_281 = arith.index_cast %add3A_272 : i32 to index
        %swap3A_282 = arith.constant 0 : index
        %swap3A_283 = tpu.vector_load %arg14[%swap3A_281, %swap3A_282] {strides = array<i32>} : memref<128x32xf32, #tpu.memory_space<vmem>>, vector<1x16xf32>,
        %swap3A_284 = vector.shape_cast %swap3A_283 : vector<1x16xf32> to vector<16xf32>
        %swap3A_285 = vector.shape_cast %mul3A_280 : vector<16xf32> to vector<1x16xf32>
        tpu.vector_store %arg14[%swap3A_281, %swap3A_282], %swap3A_285 {strides = array<i32>} : memref<128x32xf32, #tpu.memory_space<vmem>>, vector<1x16xf32>,
        %get3A_286 = arith.index_cast %add3A_272 : i32 to index
        %get3A_287 = arith.constant 16 : index
        %get3A_288 = tpu.vector_load %arg14[%get3A_286, %get3A_287] {strides = array<i32>} : memref<128x32xf32, #tpu.memory_space<vmem>>, vector<1x16xf32>,
        %get3A_289 = vector.shape_cast %get3A_288 : vector<1x16xf32> to vector<16xf32>
        %mul3A_290 = vector.broadcast %squeeze3A_274 : f32 to vector<16xf32>
        %mul3A_291 = arith.mulf %get3A_289, %mul3A_290 : vector<16xf32>
        %swap3A_292 = arith.index_cast %add3A_272 : i32 to index
        %swap3A_293 = arith.constant 16 : index
        %swap3A_294 = tpu.vector_load %arg14[%swap3A_292, %swap3A_293] {strides = array<i32>} : memref<128x32xf32, #tpu.memory_space<vmem>>, vector<1x16xf32>,
        %swap3A_295 = vector.shape_cast %swap3A_294 : vector<1x16xf32> to vector<16xf32>
        %swap3A_296 = vector.shape_cast %mul3A_291 : vector<16xf32> to vector<1x16xf32>
        tpu.vector_store %arg14[%swap3A_292, %swap3A_293], %swap3A_296 {strides = array<i32>} : memref<128x32xf32, #tpu.memory_space<vmem>>, vector<1x16xf32>,
        %mul3A_297 = arith.constant 16 : i32
        %mul3A_298 = arith.muli %scan3A_152, %mul3A_297 : i32
        %add3A_299 = arith.constant 5 : i32
        %add3A_300 = arith.addi %mul3A_298, %add3A_299 : i32
        %slice3A_301 = vector.extract_strided_slice %get3A_158 {offsets = [5], sizes = [1], strides = [1]} : vector<16xf32> to vector<1xf32>
        %squeeze3A_302 = vector.extract %slice3A_301[0] : f32 from vector<1xf32>
        %get3A_303 = arith.index_cast %add3A_300 : i32 to index
        %get3A_304 = arith.constant 0 : index
        %get3A_305 = tpu.vector_load %arg14[%get3A_303, %get3A_304] {strides = array<i32>} : memref<128x32xf32, #tpu.memory_space<vmem>>, vector<1x16xf32>,
        %get3A_306 = vector.shape_cast %get3A_305 : vector<1x16xf32> to vector<16xf32>
        %mul3A_307 = vector.broadcast %squeeze3A_302 : f32 to vector<16xf32>
        %mul3A_308 = arith.mulf %get3A_306, %mul3A_307 : vector<16xf32>
        %swap3A_309 = arith.index_cast %add3A_300 : i32 to index
        %swap3A_310 = arith.constant 0 : index
        %swap3A_311 = tpu.vector_load %arg14[%swap3A_309, %swap3A_310] {strides = array<i32>} : memref<128x32xf32, #tpu.memory_space<vmem>>, vector<1x16xf32>,
        %swap3A_312 = vector.shape_cast %swap3A_311 : vector<1x16xf32> to vector<16xf32>
        %swap3A_313 = vector.shape_cast %mul3A_308 : vector<16xf32> to vector<1x16xf32>
        tpu.vector_store %arg14[%swap3A_309, %swap3A_310], %swap3A_313 {strides = array<i32>} : memref<128x32xf32, #tpu.memory_space<vmem>>, vector<1x16xf32>,
        %get3A_314 = arith.index_cast %add3A_300 : i32 to index
        %get3A_315 = arith.constant 16 : index
        %get3A_316 = tpu.vector_load %arg14[%get3A_314, %get3A_315] {strides = array<i32>} : memref<128x32xf32, #tpu.memory_space<vmem>>, vector<1x16xf32>,
        %get3A_317 = vector.shape_cast %get3A_316 : vector<1x16xf32> to vector<16xf32>
        %mul3A_318 = vector.broadcast %squeeze3A_302 : f32 to vector<16xf32>
        %mul3A_319 = arith.mulf %get3A_317, %mul3A_318 : vector<16xf32>
        %swap3A_320 = arith.index_cast %add3A_300 : i32 to index
        %swap3A_321 = arith.constant 16 : index
        %swap3A_322 = tpu.vector_load %arg14[%swap3A_320, %swap3A_321] {strides = array<i32>} : memref<128x32xf32, #tpu.memory_space<vmem>>, vector<1x16xf32>,
        %swap3A_323 = vector.shape_cast %swap3A_322 : vector<1x16xf32> to vector<16xf32>
        %swap3A_324 = vector.shape_cast %mul3A_319 : vector<16xf32> to vector<1x16xf32>
        tpu.vector_store %arg14[%swap3A_320, %swap3A_321], %swap3A_324 {strides = array<i32>} : memref<128x32xf32, #tpu.memory_space<vmem>>, vector<1x16xf32>,
        %mul3A_325 = arith.constant 16 : i32
        %mul3A_326 = arith.muli %scan3A_152, %mul3A_325 : i32
        %add3A_327 = arith.constant 6 : i32
        %add3A_328 = arith.addi %mul3A_326, %add3A_327 : i32
        %slice3A_329 = vector.extract_strided_slice %get3A_158 {offsets = [6], sizes = [1], strides = [1]} : vector<16xf32> to vector<1xf32>
        %squeeze3A_330 = vector.extract %slice3A_329[0] : f32 from vector<1xf32>
        %get3A_331 = arith.index_cast %add3A_328 : i32 to index
        %get3A_332 = arith.constant 0 : index
        %get3A_333 = tpu.vector_load %arg14[%get3A_331, %get3A_332] {strides = array<i32>} : memref<128x32xf32, #tpu.memory_space<vmem>>, vector<1x16xf32>,
        %get3A_334 = vector.shape_cast %get3A_333 : vector<1x16xf32> to vector<16xf32>
        %mul3A_335 = vector.broadcast %squeeze3A_330 : f32 to vector<16xf32>
        %mul3A_336 = arith.mulf %get3A_334, %mul3A_335 : vector<16xf32>
        %swap3A_337 = arith.index_cast %add3A_328 : i32 to index
        %swap3A_338 = arith.constant 0 : index
        %swap3A_339 = tpu.vector_load %arg14[%swap3A_337, %swap3A_338] {strides = array<i32>} : memref<128x32xf32, #tpu.memory_space<vmem>>, vector<1x16xf32>,
        %swap3A_340 = vector.shape_cast %swap3A_339 : vector<1x16xf32> to vector<16xf32>
        %swap3A_341 = vector.shape_cast %mul3A_336 : vector<16xf32> to vector<1x16xf32>
        tpu.vector_store %arg14[%swap3A_337, %swap3A_338], %swap3A_341 {strides = array<i32>} : memref<128x32xf32, #tpu.memory_space<vmem>>, vector<1x16xf32>,
        %get3A_342 = arith.index_cast %add3A_328 : i32 to index
        %get3A_343 = arith.constant 16 : index
        %get3A_344 = tpu.vector_load %arg14[%get3A_342, %get3A_343] {strides = array<i32>} : memref<128x32xf32, #tpu.memory_space<vmem>>, vector<1x16xf32>,
        %get3A_345 = vector.shape_cast %get3A_344 : vector<1x16xf32> to vector<16xf32>
        %mul3A_346 = vector.broadcast %squeeze3A_330 : f32 to vector<16xf32>
        %mul3A_347 = arith.mulf %get3A_345, %mul3A_346 : vector<16xf32>
        %swap3A_348 = arith.index_cast %add3A_328 : i32 to index
        %swap3A_349 = arith.constant 16 : index
        %swap3A_350 = tpu.vector_load %arg14[%swap3A_348, %swap3A_349] {strides = array<i32>} : memref<128x32xf32, #tpu.memory_space<vmem>>, vector<1x16xf32>,
        %swap3A_351 = vector.shape_cast %swap3A_350 : vector<1x16xf32> to vector<16xf32>
        %swap3A_352 = vector.shape_cast %mul3A_347 : vector<16xf32> to vector<1x16xf32>
        tpu.vector_store %arg14[%swap3A_348, %swap3A_349], %swap3A_352 {strides = array<i32>} : memref<128x32xf32, #tpu.memory_space<vmem>>, vector<1x16xf32>,
        %mul3A_353 = arith.constant 16 : i32
        %mul3A_354 = arith.muli %scan3A_152, %mul3A_353 : i32
        %add3A_355 = arith.constant 7 : i32
        %add3A_356 = arith.addi %mul3A_354, %add3A_355 : i32
        %slice3A_357 = vector.extract_strided_slice %get3A_158 {offsets = [7], sizes = [1], strides = [1]} : vector<16xf32> to vector<1xf32>
        %squeeze3A_358 = vector.extract %slice3A_357[0] : f32 from vector<1xf32>
        %get3A_359 = arith.index_cast %add3A_356 : i32 to index
        %get3A_360 = arith.constant 0 : index
        %get3A_361 = tpu.vector_load %arg14[%get3A_359, %get3A_360] {strides = array<i32>} : memref<128x32xf32, #tpu.memory_space<vmem>>, vector<1x16xf32>,
        %get3A_362 = vector.shape_cast %get3A_361 : vector<1x16xf32> to vector<16xf32>
        %mul3A_363 = vector.broadcast %squeeze3A_358 : f32 to vector<16xf32>
        %mul3A_364 = arith.mulf %get3A_362, %mul3A_363 : vector<16xf32>
        %swap3A_365 = arith.index_cast %add3A_356 : i32 to index
        %swap3A_366 = arith.constant 0 : index
        %swap3A_367 = tpu.vector_load %arg14[%swap3A_365, %swap3A_366] {strides = array<i32>} : memref<128x32xf32, #tpu.memory_space<vmem>>, vector<1x16xf32>,
        %swap3A_368 = vector.shape_cast %swap3A_367 : vector<1x16xf32> to vector<16xf32>
        %swap3A_369 = vector.shape_cast %mul3A_364 : vector<16xf32> to vector<1x16xf32>
        tpu.vector_store %arg14[%swap3A_365, %swap3A_366], %swap3A_369 {strides = array<i32>} : memref<128x32xf32, #tpu.memory_space<vmem>>, vector<1x16xf32>,
        %get3A_370 = arith.index_cast %add3A_356 : i32 to index
        %get3A_371 = arith.constant 16 : index
        %get3A_372 = tpu.vector_load %arg14[%get3A_370, %get3A_371] {strides = array<i32>} : memref<128x32xf32, #tpu.memory_space<vmem>>, vector<1x16xf32>,
        %get3A_373 = vector.shape_cast %get3A_372 : vector<1x16xf32> to vector<16xf32>
        %mul3A_374 = vector.broadcast %squeeze3A_358 : f32 to vector<16xf32>
        %mul3A_375 = arith.mulf %get3A_373, %mul3A_374 : vector<16xf32>
        %swap3A_376 = arith.index_cast %add3A_356 : i32 to index
        %swap3A_377 = arith.constant 16 : index
        %swap3A_378 = tpu.vector_load %arg14[%swap3A_376, %swap3A_377] {strides = array<i32>} : memref<128x32xf32, #tpu.memory_space<vmem>>, vector<1x16xf32>,
        %swap3A_379 = vector.shape_cast %swap3A_378 : vector<1x16xf32> to vector<16xf32>
        %swap3A_380 = vector.shape_cast %mul3A_375 : vector<16xf32> to vector<1x16xf32>
        tpu.vector_store %arg14[%swap3A_376, %swap3A_377], %swap3A_380 {strides = array<i32>} : memref<128x32xf32, #tpu.memory_space<vmem>>, vector<1x16xf32>,
        %mul3A_381 = arith.constant 16 : i32
        %mul3A_382 = arith.muli %scan3A_152, %mul3A_381 : i32
        %add3A_383 = arith.constant 8 : i32
        %add3A_384 = arith.addi %mul3A_382, %add3A_383 : i32
        %slice3A_385 = vector.extract_strided_slice %get3A_158 {offsets = [8], sizes = [1], strides = [1]} : vector<16xf32> to vector<1xf32>
        %squeeze3A_386 = vector.extract %slice3A_385[0] : f32 from vector<1xf32>
        %get3A_387 = arith.index_cast %add3A_384 : i32 to index
        %get3A_388 = arith.constant 0 : index
        %get3A_389 = tpu.vector_load %arg14[%get3A_387, %get3A_388] {strides = array<i32>} : memref<128x32xf32, #tpu.memory_space<vmem>>, vector<1x16xf32>,
        %get3A_390 = vector.shape_cast %get3A_389 : vector<1x16xf32> to vector<16xf32>
        %mul3A_391 = vector.broadcast %squeeze3A_386 : f32 to vector<16xf32>
        %mul3A_392 = arith.mulf %get3A_390, %mul3A_391 : vector<16xf32>
        %swap3A_393 = arith.index_cast %add3A_384 : i32 to index
        %swap3A_394 = arith.constant 0 : index
        %swap3A_395 = tpu.vector_load %arg14[%swap3A_393, %swap3A_394] {strides = array<i32>} : memref<128x32xf32, #tpu.memory_space<vmem>>, vector<1x16xf32>,
        %swap3A_396 = vector.shape_cast %swap3A_395 : vector<1x16xf32> to vector<16xf32>
        %swap3A_397 = vector.shape_cast %mul3A_392 : vector<16xf32> to vector<1x16xf32>
        tpu.vector_store %arg14[%swap3A_393, %swap3A_394], %swap3A_397 {strides = array<i32>} : memref<128x32xf32, #tpu.memory_space<vmem>>, vector<1x16xf32>,
        %get3A_398 = arith.index_cast %add3A_384 : i32 to index
        %get3A_399 = arith.constant 16 : index
        %get3A_400 = tpu.vector_load %arg14[%get3A_398, %get3A_399] {strides = array<i32>} : memref<128x32xf32, #tpu.memory_space<vmem>>, vector<1x16xf32>,
        %get3A_401 = vector.shape_cast %get3A_400 : vector<1x16xf32> to vector<16xf32>
        %mul3A_402 = vector.broadcast %squeeze3A_386 : f32 to vector<16xf32>
        %mul3A_403 = arith.mulf %get3A_401, %mul3A_402 : vector<16xf32>
        %swap3A_404 = arith.index_cast %add3A_384 : i32 to index
        %swap3A_405 = arith.constant 16 : index
        %swap3A_406 = tpu.vector_load %arg14[%swap3A_404, %swap3A_405] {strides = array<i32>} : memref<128x32xf32, #tpu.memory_space<vmem>>, vector<1x16xf32>,
        %swap3A_407 = vector.shape_cast %swap3A_406 : vector<1x16xf32> to vector<16xf32>
        %swap3A_408 = vector.shape_cast %mul3A_403 : vector<16xf32> to vector<1x16xf32>
        tpu.vector_store %arg14[%swap3A_404, %swap3A_405], %swap3A_408 {strides = array<i32>} : memref<128x32xf32, #tpu.memory_space<vmem>>, vector<1x16xf32>,
        %mul3A_409 = arith.constant 16 : i32
        %mul3A_410 = arith.muli %scan3A_152, %mul3A_409 : i32
        %add3A_411 = arith.constant 9 : i32
        %add3A_412 = arith.addi %mul3A_410, %add3A_411 : i32
        %slice3A_413 = vector.extract_strided_slice %get3A_158 {offsets = [9], sizes = [1], strides = [1]} : vector<16xf32> to vector<1xf32>
        %squeeze3A_414 = vector.extract %slice3A_413[0] : f32 from vector<1xf32>
        %get3A_415 = arith.index_cast %add3A_412 : i32 to index
        %get3A_416 = arith.constant 0 : index
        %get3A_417 = tpu.vector_load %arg14[%get3A_415, %get3A_416] {strides = array<i32>} : memref<128x32xf32, #tpu.memory_space<vmem>>, vector<1x16xf32>,
        %get3A_418 = vector.shape_cast %get3A_417 : vector<1x16xf32> to vector<16xf32>
        %mul3A_419 = vector.broadcast %squeeze3A_414 : f32 to vector<16xf32>
        %mul3A_420 = arith.mulf %get3A_418, %mul3A_419 : vector<16xf32>
        %swap3A_421 = arith.index_cast %add3A_412 : i32 to index
        %swap3A_422 = arith.constant 0 : index
        %swap3A_423 = tpu.vector_load %arg14[%swap3A_421, %swap3A_422] {strides = array<i32>} : memref<128x32xf32, #tpu.memory_space<vmem>>, vector<1x16xf32>,
        %swap3A_424 = vector.shape_cast %swap3A_423 : vector<1x16xf32> to vector<16xf32>
        %swap3A_425 = vector.shape_cast %mul3A_420 : vector<16xf32> to vector<1x16xf32>
        tpu.vector_store %arg14[%swap3A_421, %swap3A_422], %swap3A_425 {strides = array<i32>} : memref<128x32xf32, #tpu.memory_space<vmem>>, vector<1x16xf32>,
        %get3A_426 = arith.index_cast %add3A_412 : i32 to index
        %get3A_427 = arith.constant 16 : index
        %get3A_428 = tpu.vector_load %arg14[%get3A_426, %get3A_427] {strides = array<i32>} : memref<128x32xf32, #tpu.memory_space<vmem>>, vector<1x16xf32>,
        %get3A_429 = vector.shape_cast %get3A_428 : vector<1x16xf32> to vector<16xf32>
        %mul3A_430 = vector.broadcast %squeeze3A_414 : f32 to vector<16xf32>
        %mul3A_431 = arith.mulf %get3A_429, %mul3A_430 : vector<16xf32>
        %swap3A_432 = arith.index_cast %add3A_412 : i32 to index
        %swap3A_433 = arith.constant 16 : index
        %swap3A_434 = tpu.vector_load %arg14[%swap3A_432, %swap3A_433] {strides = array<i32>} : memref<128x32xf32, #tpu.memory_space<vmem>>, vector<1x16xf32>,
        %swap3A_435 = vector.shape_cast %swap3A_434 : vector<1x16xf32> to vector<16xf32>
        %swap3A_436 = vector.shape_cast %mul3A_431 : vector<16xf32> to vector<1x16xf32>
        tpu.vector_store %arg14[%swap3A_432, %swap3A_433], %swap3A_436 {strides = array<i32>} : memref<128x32xf32, #tpu.memory_space<vmem>>, vector<1x16xf32>,
        %mul3A_437 = arith.constant 16 : i32
        %mul3A_438 = arith.muli %scan3A_152, %mul3A_437 : i32
        %add3A_439 = arith.constant 10 : i32
        %add3A_440 = arith.addi %mul3A_438, %add3A_439 : i32
        %slice3A_441 = vector.extract_strided_slice %get3A_158 {offsets = [10], sizes = [1], strides = [1]} : vector<16xf32> to vector<1xf32>
        %squeeze3A_442 = vector.extract %slice3A_441[0] : f32 from vector<1xf32>
        %get3A_443 = arith.index_cast %add3A_440 : i32 to index
        %get3A_444 = arith.constant 0 : index
        %get3A_445 = tpu.vector_load %arg14[%get3A_443, %get3A_444] {strides = array<i32>} : memref<128x32xf32, #tpu.memory_space<vmem>>, vector<1x16xf32>,
        %get3A_446 = vector.shape_cast %get3A_445 : vector<1x16xf32> to vector<16xf32>
        %mul3A_447 = vector.broadcast %squeeze3A_442 : f32 to vector<16xf32>
        %mul3A_448 = arith.mulf %get3A_446, %mul3A_447 : vector<16xf32>
        %swap3A_449 = arith.index_cast %add3A_440 : i32 to index
        %swap3A_450 = arith.constant 0 : index
        %swap3A_451 = tpu.vector_load %arg14[%swap3A_449, %swap3A_450] {strides = array<i32>} : memref<128x32xf32, #tpu.memory_space<vmem>>, vector<1x16xf32>,
        %swap3A_452 = vector.shape_cast %swap3A_451 : vector<1x16xf32> to vector<16xf32>
        %swap3A_453 = vector.shape_cast %mul3A_448 : vector<16xf32> to vector<1x16xf32>
        tpu.vector_store %arg14[%swap3A_449, %swap3A_450], %swap3A_453 {strides = array<i32>} : memref<128x32xf32, #tpu.memory_space<vmem>>, vector<1x16xf32>,
        %get3A_454 = arith.index_cast %add3A_440 : i32 to index
        %get3A_455 = arith.constant 16 : index
        %get3A_456 = tpu.vector_load %arg14[%get3A_454, %get3A_455] {strides = array<i32>} : memref<128x32xf32, #tpu.memory_space<vmem>>, vector<1x16xf32>,
        %get3A_457 = vector.shape_cast %get3A_456 : vector<1x16xf32> to vector<16xf32>
        %mul3A_458 = vector.broadcast %squeeze3A_442 : f32 to vector<16xf32>
        %mul3A_459 = arith.mulf %get3A_457, %mul3A_458 : vector<16xf32>
        %swap3A_460 = arith.index_cast %add3A_440 : i32 to index
        %swap3A_461 = arith.constant 16 : index
        %swap3A_462 = tpu.vector_load %arg14[%swap3A_460, %swap3A_461] {strides = array<i32>} : memref<128x32xf32, #tpu.memory_space<vmem>>, vector<1x16xf32>,
        %swap3A_463 = vector.shape_cast %swap3A_462 : vector<1x16xf32> to vector<16xf32>
        %swap3A_464 = vector.shape_cast %mul3A_459 : vector<16xf32> to vector<1x16xf32>
        tpu.vector_store %arg14[%swap3A_460, %swap3A_461], %swap3A_464 {strides = array<i32>} : memref<128x32xf32, #tpu.memory_space<vmem>>, vector<1x16xf32>,
        %mul3A_465 = arith.constant 16 : i32
        %mul3A_466 = arith.muli %scan3A_152, %mul3A_465 : i32
        %add3A_467 = arith.constant 11 : i32
        %add3A_468 = arith.addi %mul3A_466, %add3A_467 : i32
        %slice3A_469 = vector.extract_strided_slice %get3A_158 {offsets = [11], sizes = [1], strides = [1]} : vector<16xf32> to vector<1xf32>
        %squeeze3A_470 = vector.extract %slice3A_469[0] : f32 from vector<1xf32>
        %get3A_471 = arith.index_cast %add3A_468 : i32 to index
        %get3A_472 = arith.constant 0 : index
        %get3A_473 = tpu.vector_load %arg14[%get3A_471, %get3A_472] {strides = array<i32>} : memref<128x32xf32, #tpu.memory_space<vmem>>, vector<1x16xf32>,
        %get3A_474 = vector.shape_cast %get3A_473 : vector<1x16xf32> to vector<16xf32>
        %mul3A_475 = vector.broadcast %squeeze3A_470 : f32 to vector<16xf32>
        %mul3A_476 = arith.mulf %get3A_474, %mul3A_475 : vector<16xf32>
        %swap3A_477 = arith.index_cast %add3A_468 : i32 to index
        %swap3A_478 = arith.constant 0 : index
        %swap3A_479 = tpu.vector_load %arg14[%swap3A_477, %swap3A_478] {strides = array<i32>} : memref<128x32xf32, #tpu.memory_space<vmem>>, vector<1x16xf32>,
        %swap3A_480 = vector.shape_cast %swap3A_479 : vector<1x16xf32> to vector<16xf32>
        %swap3A_481 = vector.shape_cast %mul3A_476 : vector<16xf32> to vector<1x16xf32>
        tpu.vector_store %arg14[%swap3A_477, %swap3A_478], %swap3A_481 {strides = array<i32>} : memref<128x32xf32, #tpu.memory_space<vmem>>, vector<1x16xf32>,
        %get3A_482 = arith.index_cast %add3A_468 : i32 to index
        %get3A_483 = arith.constant 16 : index
        %get3A_484 = tpu.vector_load %arg14[%get3A_482, %get3A_483] {strides = array<i32>} : memref<128x32xf32, #tpu.memory_space<vmem>>, vector<1x16xf32>,
        %get3A_485 = vector.shape_cast %get3A_484 : vector<1x16xf32> to vector<16xf32>
        %mul3A_486 = vector.broadcast %squeeze3A_470 : f32 to vector<16xf32>
        %mul3A_487 = arith.mulf %get3A_485, %mul3A_486 : vector<16xf32>
        %swap3A_488 = arith.index_cast %add3A_468 : i32 to index
        %swap3A_489 = arith.constant 16 : index
        %swap3A_490 = tpu.vector_load %arg14[%swap3A_488, %swap3A_489] {strides = array<i32>} : memref<128x32xf32, #tpu.memory_space<vmem>>, vector<1x16xf32>,
        %swap3A_491 = vector.shape_cast %swap3A_490 : vector<1x16xf32> to vector<16xf32>
        %swap3A_492 = vector.shape_cast %mul3A_487 : vector<16xf32> to vector<1x16xf32>
        tpu.vector_store %arg14[%swap3A_488, %swap3A_489], %swap3A_492 {strides = array<i32>} : memref<128x32xf32, #tpu.memory_space<vmem>>, vector<1x16xf32>,
        %mul3A_493 = arith.constant 16 : i32
        %mul3A_494 = arith.muli %scan3A_152, %mul3A_493 : i32
        %add3A_495 = arith.constant 12 : i32
        %add3A_496 = arith.addi %mul3A_494, %add3A_495 : i32
        %slice3A_497 = vector.extract_strided_slice %get3A_158 {offsets = [12], sizes = [1], strides = [1]} : vector<16xf32> to vector<1xf32>
        %squeeze3A_498 = vector.extract %slice3A_497[0] : f32 from vector<1xf32>
        %get3A_499 = arith.index_cast %add3A_496 : i32 to index
        %get3A_500 = arith.constant 0 : index
        %get3A_501 = tpu.vector_load %arg14[%get3A_499, %get3A_500] {strides = array<i32>} : memref<128x32xf32, #tpu.memory_space<vmem>>, vector<1x16xf32>,
        %get3A_502 = vector.shape_cast %get3A_501 : vector<1x16xf32> to vector<16xf32>
        %mul3A_503 = vector.broadcast %squeeze3A_498 : f32 to vector<16xf32>
        %mul3A_504 = arith.mulf %get3A_502, %mul3A_503 : vector<16xf32>
        %swap3A_505 = arith.index_cast %add3A_496 : i32 to index
        %swap3A_506 = arith.constant 0 : index
        %swap3A_507 = tpu.vector_load %arg14[%swap3A_505, %swap3A_506] {strides = array<i32>} : memref<128x32xf32, #tpu.memory_space<vmem>>, vector<1x16xf32>,
        %swap3A_508 = vector.shape_cast %swap3A_507 : vector<1x16xf32> to vector<16xf32>
        %swap3A_509 = vector.shape_cast %mul3A_504 : vector<16xf32> to vector<1x16xf32>
        tpu.vector_store %arg14[%swap3A_505, %swap3A_506], %swap3A_509 {strides = array<i32>} : memref<128x32xf32, #tpu.memory_space<vmem>>, vector<1x16xf32>,
        %get3A_510 = arith.index_cast %add3A_496 : i32 to index
        %get3A_511 = arith.constant 16 : index
        %get3A_512 = tpu.vector_load %arg14[%get3A_510, %get3A_511] {strides = array<i32>} : memref<128x32xf32, #tpu.memory_space<vmem>>, vector<1x16xf32>,
        %get3A_513 = vector.shape_cast %get3A_512 : vector<1x16xf32> to vector<16xf32>
        %mul3A_514 = vector.broadcast %squeeze3A_498 : f32 to vector<16xf32>
        %mul3A_515 = arith.mulf %get3A_513, %mul3A_514 : vector<16xf32>
        %swap3A_516 = arith.index_cast %add3A_496 : i32 to index
        %swap3A_517 = arith.constant 16 : index
        %swap3A_518 = tpu.vector_load %arg14[%swap3A_516, %swap3A_517] {strides = array<i32>} : memref<128x32xf32, #tpu.memory_space<vmem>>, vector<1x16xf32>,
        %swap3A_519 = vector.shape_cast %swap3A_518 : vector<1x16xf32> to vector<16xf32>
        %swap3A_520 = vector.shape_cast %mul3A_515 : vector<16xf32> to vector<1x16xf32>
        tpu.vector_store %arg14[%swap3A_516, %swap3A_517], %swap3A_520 {strides = array<i32>} : memref<128x32xf32, #tpu.memory_space<vmem>>, vector<1x16xf32>,
        %mul3A_521 = arith.constant 16 : i32
        %mul3A_522 = arith.muli %scan3A_152, %mul3A_521 : i32
        %add3A_523 = arith.constant 13 : i32
        %add3A_524 = arith.addi %mul3A_522, %add3A_523 : i32
        %slice3A_525 = vector.extract_strided_slice %get3A_158 {offsets = [13], sizes = [1], strides = [1]} : vector<16xf32> to vector<1xf32>
        %squeeze3A_526 = vector.extract %slice3A_525[0] : f32 from vector<1xf32>
        %get3A_527 = arith.index_cast %add3A_524 : i32 to index
        %get3A_528 = arith.constant 0 : index
        %get3A_529 = tpu.vector_load %arg14[%get3A_527, %get3A_528] {strides = array<i32>} : memref<128x32xf32, #tpu.memory_space<vmem>>, vector<1x16xf32>,
        %get3A_530 = vector.shape_cast %get3A_529 : vector<1x16xf32> to vector<16xf32>
        %mul3A_531 = vector.broadcast %squeeze3A_526 : f32 to vector<16xf32>
        %mul3A_532 = arith.mulf %get3A_530, %mul3A_531 : vector<16xf32>
        %swap3A_533 = arith.index_cast %add3A_524 : i32 to index
        %swap3A_534 = arith.constant 0 : index
        %swap3A_535 = tpu.vector_load %arg14[%swap3A_533, %swap3A_534] {strides = array<i32>} : memref<128x32xf32, #tpu.memory_space<vmem>>, vector<1x16xf32>,
        %swap3A_536 = vector.shape_cast %swap3A_535 : vector<1x16xf32> to vector<16xf32>
        %swap3A_537 = vector.shape_cast %mul3A_532 : vector<16xf32> to vector<1x16xf32>
        tpu.vector_store %arg14[%swap3A_533, %swap3A_534], %swap3A_537 {strides = array<i32>} : memref<128x32xf32, #tpu.memory_space<vmem>>, vector<1x16xf32>,
        %get3A_538 = arith.index_cast %add3A_524 : i32 to index
        %get3A_539 = arith.constant 16 : index
        %get3A_540 = tpu.vector_load %arg14[%get3A_538, %get3A_539] {strides = array<i32>} : memref<128x32xf32, #tpu.memory_space<vmem>>, vector<1x16xf32>,
        %get3A_541 = vector.shape_cast %get3A_540 : vector<1x16xf32> to vector<16xf32>
        %mul3A_542 = vector.broadcast %squeeze3A_526 : f32 to vector<16xf32>
        %mul3A_543 = arith.mulf %get3A_541, %mul3A_542 : vector<16xf32>
        %swap3A_544 = arith.index_cast %add3A_524 : i32 to index
        %swap3A_545 = arith.constant 16 : index
        %swap3A_546 = tpu.vector_load %arg14[%swap3A_544, %swap3A_545] {strides = array<i32>} : memref<128x32xf32, #tpu.memory_space<vmem>>, vector<1x16xf32>,
        %swap3A_547 = vector.shape_cast %swap3A_546 : vector<1x16xf32> to vector<16xf32>
        %swap3A_548 = vector.shape_cast %mul3A_543 : vector<16xf32> to vector<1x16xf32>
        tpu.vector_store %arg14[%swap3A_544, %swap3A_545], %swap3A_548 {strides = array<i32>} : memref<128x32xf32, #tpu.memory_space<vmem>>, vector<1x16xf32>,
        %mul3A_549 = arith.constant 16 : i32
        %mul3A_550 = arith.muli %scan3A_152, %mul3A_549 : i32
        %add3A_551 = arith.constant 14 : i32
        %add3A_552 = arith.addi %mul3A_550, %add3A_551 : i32
        %slice3A_553 = vector.extract_strided_slice %get3A_158 {offsets = [14], sizes = [1], strides = [1]} : vector<16xf32> to vector<1xf32>
        %squeeze3A_554 = vector.extract %slice3A_553[0] : f32 from vector<1xf32>
        %get3A_555 = arith.index_cast %add3A_552 : i32 to index
        %get3A_556 = arith.constant 0 : index
        %get3A_557 = tpu.vector_load %arg14[%get3A_555, %get3A_556] {strides = array<i32>} : memref<128x32xf32, #tpu.memory_space<vmem>>, vector<1x16xf32>,
        %get3A_558 = vector.shape_cast %get3A_557 : vector<1x16xf32> to vector<16xf32>
        %mul3A_559 = vector.broadcast %squeeze3A_554 : f32 to vector<16xf32>
        %mul3A_560 = arith.mulf %get3A_558, %mul3A_559 : vector<16xf32>
        %swap3A_561 = arith.index_cast %add3A_552 : i32 to index
        %swap3A_562 = arith.constant 0 : index
        %swap3A_563 = tpu.vector_load %arg14[%swap3A_561, %swap3A_562] {strides = array<i32>} : memref<128x32xf32, #tpu.memory_space<vmem>>, vector<1x16xf32>,
        %swap3A_564 = vector.shape_cast %swap3A_563 : vector<1x16xf32> to vector<16xf32>
        %swap3A_565 = vector.shape_cast %mul3A_560 : vector<16xf32> to vector<1x16xf32>
        tpu.vector_store %arg14[%swap3A_561, %swap3A_562], %swap3A_565 {strides = array<i32>} : memref<128x32xf32, #tpu.memory_space<vmem>>, vector<1x16xf32>,
        %get3A_566 = arith.index_cast %add3A_552 : i32 to index
        %get3A_567 = arith.constant 16 : index
        %get3A_568 = tpu.vector_load %arg14[%get3A_566, %get3A_567] {strides = array<i32>} : memref<128x32xf32, #tpu.memory_space<vmem>>, vector<1x16xf32>,
        %get3A_569 = vector.shape_cast %get3A_568 : vector<1x16xf32> to vector<16xf32>
        %mul3A_570 = vector.broadcast %squeeze3A_554 : f32 to vector<16xf32>
        %mul3A_571 = arith.mulf %get3A_569, %mul3A_570 : vector<16xf32>
        %swap3A_572 = arith.index_cast %add3A_552 : i32 to index
        %swap3A_573 = arith.constant 16 : index
        %swap3A_574 = tpu.vector_load %arg14[%swap3A_572, %swap3A_573] {strides = array<i32>} : memref<128x32xf32, #tpu.memory_space<vmem>>, vector<1x16xf32>,
        %swap3A_575 = vector.shape_cast %swap3A_574 : vector<1x16xf32> to vector<16xf32>
        %swap3A_576 = vector.shape_cast %mul3A_571 : vector<16xf32> to vector<1x16xf32>
        tpu.vector_store %arg14[%swap3A_572, %swap3A_573], %swap3A_576 {strides = array<i32>} : memref<128x32xf32, #tpu.memory_space<vmem>>, vector<1x16xf32>,
        %mul3A_577 = arith.constant 16 : i32
        %mul3A_578 = arith.muli %scan3A_152, %mul3A_577 : i32
        %add3A_579 = arith.constant 15 : i32
        %add3A_580 = arith.addi %mul3A_578, %add3A_579 : i32
        %slice3A_581 = vector.extract_strided_slice %get3A_158 {offsets = [15], sizes = [1], strides = [1]} : vector<16xf32> to vector<1xf32>
        %squeeze3A_582 = vector.extract %slice3A_581[0] : f32 from vector<1xf32>
        %get3A_583 = arith.index_cast %add3A_580 : i32 to index
        %get3A_584 = arith.constant 0 : index
        %get3A_585 = tpu.vector_load %arg14[%get3A_583, %get3A_584] {strides = array<i32>} : memref<128x32xf32, #tpu.memory_space<vmem>>, vector<1x16xf32>,
        %get3A_586 = vector.shape_cast %get3A_585 : vector<1x16xf32> to vector<16xf32>
        %mul3A_587 = vector.broadcast %squeeze3A_582 : f32 to vector<16xf32>
        %mul3A_588 = arith.mulf %get3A_586, %mul3A_587 : vector<16xf32>
        %swap3A_589 = arith.index_cast %add3A_580 : i32 to index
        %swap3A_590 = arith.constant 0 : index
        %swap3A_591 = tpu.vector_load %arg14[%swap3A_589, %swap3A_590] {strides = array<i32>} : memref<128x32xf32, #tpu.memory_space<vmem>>, vector<1x16xf32>,
        %swap3A_592 = vector.shape_cast %swap3A_591 : vector<1x16xf32> to vector<16xf32>
        %swap3A_593 = vector.shape_cast %mul3A_588 : vector<16xf32> to vector<1x16xf32>
        tpu.vector_store %arg14[%swap3A_589, %swap3A_590], %swap3A_593 {strides = array<i32>} : memref<128x32xf32, #tpu.memory_space<vmem>>, vector<1x16xf32>,
        %get3A_594 = arith.index_cast %add3A_580 : i32 to index
        %get3A_595 = arith.constant 16 : index
        %get3A_596 = tpu.vector_load %arg14[%get3A_594, %get3A_595] {strides = array<i32>} : memref<128x32xf32, #tpu.memory_space<vmem>>, vector<1x16xf32>,
        %get3A_597 = vector.shape_cast %get3A_596 : vector<1x16xf32> to vector<16xf32>
        %mul3A_598 = vector.broadcast %squeeze3A_582 : f32 to vector<16xf32>
        %mul3A_599 = arith.mulf %get3A_597, %mul3A_598 : vector<16xf32>
        %swap3A_600 = arith.index_cast %add3A_580 : i32 to index
        %swap3A_601 = arith.constant 16 : index
        %swap3A_602 = tpu.vector_load %arg14[%swap3A_600, %swap3A_601] {strides = array<i32>} : memref<128x32xf32, #tpu.memory_space<vmem>>, vector<1x16xf32>,
        %swap3A_603 = vector.shape_cast %swap3A_602 : vector<1x16xf32> to vector<16xf32>
        %swap3A_604 = vector.shape_cast %mul3A_599 : vector<16xf32> to vector<1x16xf32>
        tpu.vector_store %arg14[%swap3A_600, %swap3A_601], %swap3A_604 {strides = array<i32>} : memref<128x32xf32, #tpu.memory_space<vmem>>, vector<1x16xf32>,
        %scan3A_605 = arith.constant 0 : i32
        scf.yield %scan3A_605 : i32
      }
      %scan3A_151 = arith.constant 8 : i32
      "tpu.region"() ({
        %run_scoped3A = tpu.sem_alloc : memref<!tpu.dma_semaphore, #tpu.memory_space<semaphore_mem>>
        %dma_start3A_152 = arith.constant 0 : i32
        %dma_start3A_153 = arith.constant 0 : i32
        %dma_start3A_154 = tpu.memref_slice %arg10[%dma_start3A_152, %dma_start3A_153] : memref<50000x32xf32, #tpu.memory_space<vmem_shared>> -> memref<50000x32xf32, #tpu.memory_space<vmem_shared>>
        tpu.enqueue_indirect_dma source(%arg14 : memref<128x32xf32, #tpu.memory_space<vmem>>) target(%dma_start3A_154 : memref<50000x32xf32, #tpu.memory_space<vmem_shared>>) offsets(%arg11 : memref<128xi32, #tpu.memory_space<vmem>>) semaphore(%run_scoped3A : memref<!tpu.dma_semaphore, #tpu.memory_space<semaphore_mem>>) {add = true}
        %dma_wait3A_155 = arith.constant 0 : i32
        %dma_wait3A_156 = arith.constant 0 : i32
        %dma_wait3A_157 = tpu.memref_slice %arg10[%dma_wait3A_155, %dma_wait3A_156] : memref<50000x32xf32, #tpu.memory_space<vmem_shared>> -> memref<50000x32xf32, #tpu.memory_space<vmem_shared>>
        tpu.wait_indirect_dma semaphore(%run_scoped3A : memref<!tpu.dma_semaphore, #tpu.memory_space<semaphore_mem>>) src(%arg14 : memref<128x32xf32, #tpu.memory_space<vmem>>) dst(%dma_wait3A_157 : memref<50000x32xf32, #tpu.memory_space<vmem_shared>>)
        tpu.yield
      }) : () -> ()
    }
    %scan3A_9 = arith.constant 391 : i32
    %barrier3A_10 = arith.constant 0 : index
    tpu.barrier barrier_id(%barrier3A_10)
    %scan3A_11 = arith.constant 0 : i32
    %scan3A_12 = arith.constant 0 : i32
    %scan3A_13 = arith.constant 25 : i32
    %scan3A_14 = arith.addi %scan3A_12, %scan3A_13 : i32
    %scan3A_15 = arith.constant 1 : i32
    %scan3A_16 = scf.for %scan3A_18 = %scan3A_12 to %scan3A_14 step %scan3A_15 iter_args(%scan3A_19 = %scan3A_11) -> (i32)  : i32 {
      %mul3A_20 = arith.constant 125 : i32
      %mul3A_21 = arith.muli %scan3A_18, %mul3A_20 : i32
      %add3A = arith.addi %mul3A_2, %mul3A_21 : i32
      "tpu.region"() ({
        %run_scoped3A = tpu.sem_alloc : memref<!tpu.dma_semaphore, #tpu.memory_space<semaphore_mem>>
        %dma_start3A = arith.constant 0 : i32
        %dma_start3A_33 = tpu.memref_slice %arg10[%add3A, %dma_start3A] : memref<50000x32xf32, #tpu.memory_space<vmem_shared>> -> memref<125x32xf32, #tpu.memory_space<vmem_shared>>
        %dma_start3A_34 = arith.constant 0 : i32
        %dma_start3A_35 = tpu.memref_slice %arg10[%add3A, %dma_start3A_34] : memref<50000x32xf32, #tpu.memory_space<vmem_shared>> -> memref<125x32xf32, #tpu.memory_space<vmem_shared>>
        tpu.enqueue_dma source(%dma_start3A_35 : memref<125x32xf32, #tpu.memory_space<vmem_shared>>) target(%arg15 : memref<125x32xf32, #tpu.memory_space<vmem>>) target_semaphore(%run_scoped3A : memref<!tpu.dma_semaphore, #tpu.memory_space<semaphore_mem>>)
        %dma_wait3A = arith.constant 0 : i32
        %dma_wait3A_36 = tpu.memref_slice %arg10[%add3A, %dma_wait3A] : memref<50000x32xf32, #tpu.memory_space<vmem_shared>> -> memref<125x32xf32, #tpu.memory_space<vmem_shared>>
        %dma_wait3A_37 = arith.constant 0 : i32
        %dma_wait3A_38 = tpu.memref_slice %arg10[%add3A, %dma_wait3A_37] : memref<50000x32xf32, #tpu.memory_space<vmem_shared>> -> memref<125x32xf32, #tpu.memory_space<vmem_shared>>
        tpu.wait_dma2 semaphore(%run_scoped3A : memref<!tpu.dma_semaphore, #tpu.memory_space<semaphore_mem>>) src(%dma_wait3A_38 : memref<125x32xf32, #tpu.memory_space<vmem_shared>>) dst(%arg15 : memref<125x32xf32, #tpu.memory_space<vmem>>)
        tpu.yield
      }) : () -> ()
      %add3A_22 = arith.addi %mul3A_0, %add3A : i32
      "tpu.region"() ({
        %run_scoped3A = tpu.sem_alloc : memref<!tpu.dma_semaphore, #tpu.memory_space<semaphore_mem>>
        %dma_start3A = arith.constant 0 : i32
        %dma_start3A_33 = tpu.memref_slice %arg6[%add3A_22, %dma_start3A] : memref<100000x32xf32, #tpu.memory_space<hbm>> -> memref<125x32xf32, #tpu.memory_space<hbm>>
        %dma_start3A_34 = arith.constant 0 : i32
        %dma_start3A_35 = tpu.memref_slice %arg6[%add3A_22, %dma_start3A_34] : memref<100000x32xf32, #tpu.memory_space<hbm>> -> memref<125x32xf32, #tpu.memory_space<hbm>>
        tpu.enqueue_dma source(%dma_start3A_35 : memref<125x32xf32, #tpu.memory_space<hbm>>) target(%arg16 : memref<125x32xf32, #tpu.memory_space<vmem>>) target_semaphore(%run_scoped3A : memref<!tpu.dma_semaphore, #tpu.memory_space<semaphore_mem>>)
        %dma_wait3A = arith.constant 0 : i32
        %dma_wait3A_36 = tpu.memref_slice %arg6[%add3A_22, %dma_wait3A] : memref<100000x32xf32, #tpu.memory_space<hbm>> -> memref<125x32xf32, #tpu.memory_space<hbm>>
        %dma_wait3A_37 = arith.constant 0 : i32
        %dma_wait3A_38 = tpu.memref_slice %arg6[%add3A_22, %dma_wait3A_37] : memref<100000x32xf32, #tpu.memory_space<hbm>> -> memref<125x32xf32, #tpu.memory_space<hbm>>
        tpu.wait_dma2 semaphore(%run_scoped3A : memref<!tpu.dma_semaphore, #tpu.memory_space<semaphore_mem>>) src(%dma_wait3A_38 : memref<125x32xf32, #tpu.memory_space<hbm>>) dst(%arg16 : memref<125x32xf32, #tpu.memory_space<vmem>>)
        tpu.yield
      }) : () -> ()
      %scan3A_23 = arith.constant 0 : i32
      %scan3A_24 = arith.constant 0 : i32
      %scan3A_25 = arith.constant 125 : i32
      %scan3A_26 = arith.addi %scan3A_24, %scan3A_25 : i32
      %scan3A_27 = arith.constant 1 : i32
      %scan3A_28 = scf.for %scan3A_33 = %scan3A_24 to %scan3A_26 step %scan3A_27 iter_args(%scan3A_34 = %scan3A_23) -> (i32)  : i32 {
        %get3A = arith.index_cast %scan3A_33 : i32 to index
        %get3A_35 = arith.constant 0 : index
        %get3A_36 = tpu.vector_load %arg16[%get3A, %get3A_35] {strides = array<i32>} : memref<125x32xf32, #tpu.memory_space<vmem>>, vector<1x16xf32>,
        %get3A_37 = vector.shape_cast %get3A_36 : vector<1x16xf32> to vector<16xf32>
        %get3A_38 = arith.index_cast %scan3A_33 : i32 to index
        %get3A_39 = arith.constant 0 : index
        %get3A_40 = tpu.vector_load %arg15[%get3A_38, %get3A_39] {strides = array<i32>} : memref<125x32xf32, #tpu.memory_space<vmem>>, vector<1x16xf32>,
        %get3A_41 = vector.shape_cast %get3A_40 : vector<1x16xf32> to vector<16xf32>
        %add3A_42 = arith.addf %get3A_37, %get3A_41 : vector<16xf32>
        %mul3A_43 = arith.constant 1.000000e+00 : f32
        %mul3A_44 = vector.broadcast %mul3A_43 : f32 to vector<16xf32>
        %mul3A_45 = arith.mulf %add3A_42, %mul3A_44 : vector<16xf32>
        %swap3A = arith.index_cast %scan3A_33 : i32 to index
        %swap3A_46 = arith.constant 0 : index
        %swap3A_47 = tpu.vector_load %arg16[%swap3A, %swap3A_46] {strides = array<i32>} : memref<125x32xf32, #tpu.memory_space<vmem>>, vector<1x16xf32>,
        %swap3A_48 = vector.shape_cast %swap3A_47 : vector<1x16xf32> to vector<16xf32>
        %swap3A_49 = vector.shape_cast %mul3A_45 : vector<16xf32> to vector<1x16xf32>
        tpu.vector_store %arg16[%swap3A, %swap3A_46], %swap3A_49 {strides = array<i32>} : memref<125x32xf32, #tpu.memory_space<vmem>>, vector<1x16xf32>,
        %get3A_50 = arith.index_cast %scan3A_33 : i32 to index
        %get3A_51 = arith.constant 16 : index
        %get3A_52 = tpu.vector_load %arg16[%get3A_50, %get3A_51] {strides = array<i32>} : memref<125x32xf32, #tpu.memory_space<vmem>>, vector<1x16xf32>,
        %get3A_53 = vector.shape_cast %get3A_52 : vector<1x16xf32> to vector<16xf32>
        %get3A_54 = arith.index_cast %scan3A_33 : i32 to index
        %get3A_55 = arith.constant 16 : index
        %get3A_56 = tpu.vector_load %arg15[%get3A_54, %get3A_55] {strides = array<i32>} : memref<125x32xf32, #tpu.memory_space<vmem>>, vector<1x16xf32>,
        %get3A_57 = vector.shape_cast %get3A_56 : vector<1x16xf32> to vector<16xf32>
        %add3A_58 = arith.addf %get3A_53, %get3A_57 : vector<16xf32>
        %mul3A_59 = arith.constant 1.000000e+00 : f32
        %mul3A_60 = vector.broadcast %mul3A_59 : f32 to vector<16xf32>
        %mul3A_61 = arith.mulf %add3A_58, %mul3A_60 : vector<16xf32>
        %swap3A_62 = arith.index_cast %scan3A_33 : i32 to index
        %swap3A_63 = arith.constant 16 : index
        %swap3A_64 = tpu.vector_load %arg16[%swap3A_62, %swap3A_63] {strides = array<i32>} : memref<125x32xf32, #tpu.memory_space<vmem>>, vector<1x16xf32>,
        %swap3A_65 = vector.shape_cast %swap3A_64 : vector<1x16xf32> to vector<16xf32>
        %swap3A_66 = vector.shape_cast %mul3A_61 : vector<16xf32> to vector<1x16xf32>
        tpu.vector_store %arg16[%swap3A_62, %swap3A_63], %swap3A_66 {strides = array<i32>} : memref<125x32xf32, #tpu.memory_space<vmem>>, vector<1x16xf32>,
        %scan3A_67 = arith.constant 0 : i32
        scf.yield %scan3A_67 : i32
      }
      %scan3A_29 = arith.constant 125 : i32
      %add3A_30 = arith.addi %mul3A_0, %add3A : i32
      "tpu.region"() ({
        %run_scoped3A = tpu.sem_alloc : memref<!tpu.dma_semaphore, #tpu.memory_space<semaphore_mem>>
        %dma_start3A = arith.constant 0 : i32
        %dma_start3A_33 = tpu.memref_slice %arg8[%add3A_30, %dma_start3A] : memref<100000x32xf32, #tpu.memory_space<hbm>> -> memref<125x32xf32, #tpu.memory_space<hbm>>
        %dma_start3A_34 = arith.constant 0 : i32
        %dma_start3A_35 = tpu.memref_slice %arg8[%add3A_30, %dma_start3A_34] : memref<100000x32xf32, #tpu.memory_space<hbm>> -> memref<125x32xf32, #tpu.memory_space<hbm>>
        tpu.enqueue_dma source(%arg15 : memref<125x32xf32, #tpu.memory_space<vmem>>) target(%dma_start3A_35 : memref<125x32xf32, #tpu.memory_space<hbm>>) target_semaphore(%run_scoped3A : memref<!tpu.dma_semaphore, #tpu.memory_space<semaphore_mem>>)
        %dma_wait3A = arith.constant 0 : i32
        %dma_wait3A_36 = tpu.memref_slice %arg8[%add3A_30, %dma_wait3A] : memref<100000x32xf32, #tpu.memory_space<hbm>> -> memref<125x32xf32, #tpu.memory_space<hbm>>
        %dma_wait3A_37 = arith.constant 0 : i32
        %dma_wait3A_38 = tpu.memref_slice %arg8[%add3A_30, %dma_wait3A_37] : memref<100000x32xf32, #tpu.memory_space<hbm>> -> memref<125x32xf32, #tpu.memory_space<hbm>>
        tpu.wait_dma2 semaphore(%run_scoped3A : memref<!tpu.dma_semaphore, #tpu.memory_space<semaphore_mem>>) src(%arg15 : memref<125x32xf32, #tpu.memory_space<vmem>>) dst(%dma_wait3A_38 : memref<125x32xf32, #tpu.memory_space<hbm>>)
        tpu.yield
      }) : () -> ()
      %add3A_31 = arith.addi %mul3A_0, %add3A : i32
      "tpu.region"() ({
        %run_scoped3A = tpu.sem_alloc : memref<!tpu.dma_semaphore, #tpu.memory_space<semaphore_mem>>
        %dma_start3A = arith.constant 0 : i32
        %dma_start3A_33 = tpu.memref_slice %arg9[%add3A_31, %dma_start3A] : memref<100000x32xf32, #tpu.memory_space<hbm>> -> memref<125x32xf32, #tpu.memory_space<hbm>>
        %dma_start3A_34 = arith.constant 0 : i32
        %dma_start3A_35 = tpu.memref_slice %arg9[%add3A_31, %dma_start3A_34] : memref<100000x32xf32, #tpu.memory_space<hbm>> -> memref<125x32xf32, #tpu.memory_space<hbm>>
        tpu.enqueue_dma source(%arg16 : memref<125x32xf32, #tpu.memory_space<vmem>>) target(%dma_start3A_35 : memref<125x32xf32, #tpu.memory_space<hbm>>) target_semaphore(%run_scoped3A : memref<!tpu.dma_semaphore, #tpu.memory_space<semaphore_mem>>)
        %dma_wait3A = arith.constant 0 : i32
        %dma_wait3A_36 = tpu.memref_slice %arg9[%add3A_31, %dma_wait3A] : memref<100000x32xf32, #tpu.memory_space<hbm>> -> memref<125x32xf32, #tpu.memory_space<hbm>>
        %dma_wait3A_37 = arith.constant 0 : i32
        %dma_wait3A_38 = tpu.memref_slice %arg9[%add3A_31, %dma_wait3A_37] : memref<100000x32xf32, #tpu.memory_space<hbm>> -> memref<125x32xf32, #tpu.memory_space<hbm>>
        tpu.wait_dma2 semaphore(%run_scoped3A : memref<!tpu.dma_semaphore, #tpu.memory_space<semaphore_mem>>) src(%arg16 : memref<125x32xf32, #tpu.memory_space<vmem>>) dst(%dma_wait3A_38 : memref<125x32xf32, #tpu.memory_space<hbm>>)
        tpu.yield
      }) : () -> ()
      %scan3A_32 = arith.constant 0 : i32
      scf.yield %scan3A_32 : i32
    }
    %scan3A_17 = arith.constant 25 : i32
    return
  }
}

#map = affine_map<(d0, d1) -> (0, 0)>
#map1 = affine_map<(d0, d1) -> (0)>
module attributes {stable_mosaic.version = 14 : i64} {
  func.func @lightgcn_layer_m100(%arg0: i32, %arg1: i32, %arg2: memref<100000x32xf32, #tpu.memory_space<hbm>>, %arg3: memref<800768xi32, #tpu.memory_space<hbm>>, %arg4: memref<800768xi32, #tpu.memory_space<hbm>>, %arg5: memref<800768xf32, #tpu.memory_space<hbm>>, %arg6: memref<100000x32xf32, #tpu.memory_space<hbm>>, %arg7: memref<3125x32xf32, #tpu.memory_space<hbm>>, %arg8: memref<100000x32xf32, #tpu.memory_space<hbm>>, %arg9: memref<100000x32xf32, #tpu.memory_space<hbm>>, %arg10: memref<50000x32xf32, #tpu.memory_space<vmem_shared>>, %arg11: memref<128xi32, #tpu.memory_space<vmem>>, %arg12: memref<128xi32, #tpu.memory_space<vmem>>, %arg13: memref<128xf32, #tpu.memory_space<vmem>>, %arg14: memref<128x32xf32, #tpu.memory_space<vmem>>, %arg15: memref<125x32xf32, #tpu.memory_space<vmem>>, %arg16: memref<125x32xf32, #tpu.memory_space<vmem>>, %arg17: memref<!tpu.dma_semaphore, #tpu.memory_space<semaphore_mem>>) attributes {dimension_semantics = [#tpu.dimension_semantics<core_parallel>, #tpu.dimension_semantics<subcore_parallel>], iteration_bounds = array<i64: 2, 16>, scalar_prefetch = 0 : i64, scratch_operands = 8 : i64, tpu.core_type = #tpu.core_type<sc_vector_subcore>, window_params = [{transform_indices = #map}, {transform_indices = #map1}, {transform_indices = #map1}, {transform_indices = #map1}, {transform_indices = #map}, {transform_indices = #map}, {transform_indices = #map}, {transform_indices = #map}]} {
    %mul3A = arith.constant 50000 : i32
    %mul3A_0 = arith.muli %arg0, %mul3A : i32
    %mul3A_1 = arith.constant 3125 : i32
    %mul3A_2 = arith.muli %arg1, %mul3A_1 : i32
    "tpu.region"() ({
      %run_scoped3A = tpu.sem_alloc : memref<!tpu.dma_semaphore, #tpu.memory_space<semaphore_mem>>
      %dma_start3A = arith.constant 0 : i32
      %dma_start3A_18 = tpu.memref_slice %arg10[%mul3A_2, %dma_start3A] : memref<50000x32xf32, #tpu.memory_space<vmem_shared>> -> memref<3125x32xf32, #tpu.memory_space<vmem_shared>>
      tpu.enqueue_dma source(%arg7 : memref<3125x32xf32, #tpu.memory_space<hbm>>) target(%dma_start3A_18 : memref<3125x32xf32, #tpu.memory_space<vmem_shared>>) target_semaphore(%run_scoped3A : memref<!tpu.dma_semaphore, #tpu.memory_space<semaphore_mem>>)
      %dma_wait3A = arith.constant 0 : i32
      %dma_wait3A_19 = tpu.memref_slice %arg10[%mul3A_2, %dma_wait3A] : memref<50000x32xf32, #tpu.memory_space<vmem_shared>> -> memref<3125x32xf32, #tpu.memory_space<vmem_shared>>
      tpu.wait_dma2 semaphore(%run_scoped3A : memref<!tpu.dma_semaphore, #tpu.memory_space<semaphore_mem>>) src(%arg7 : memref<3125x32xf32, #tpu.memory_space<hbm>>) dst(%dma_wait3A_19 : memref<3125x32xf32, #tpu.memory_space<vmem_shared>>)
      tpu.yield
    }) : () -> ()
    %barrier3A = arith.constant 0 : index
    tpu.barrier barrier_id(%barrier3A)
    %mul3A_3 = arith.constant 50048 : i32
    %mul3A_4 = arith.muli %arg1, %mul3A_3 : i32
    %scan3A = arith.constant 0 : i32
    %scan3A_5 = arith.constant 0 : i32
    %scan3A_6 = arith.constant 391 : i32
    %scan3A_7 = arith.addi %scan3A_5, %scan3A_6 : i32
    %scan3A_8 = arith.constant 1 : i32
    scf.for %scan3A_18 = %scan3A_5 to %scan3A_7 step %scan3A_8  : i32 {
      %mul3A_19 = arith.constant 128 : i32
      %mul3A_20 = arith.muli %scan3A_18, %mul3A_19 : i32
      %add3A = arith.addi %mul3A_4, %mul3A_20 : i32
      "tpu.region"() ({
        %run_scoped3A = tpu.sem_alloc : memref<!tpu.dma_semaphore, #tpu.memory_space<semaphore_mem>>
        %dma_start3A_152 = tpu.memref_slice %arg3[%add3A] : memref<800768xi32, #tpu.memory_space<hbm>> -> memref<128xi32, #tpu.memory_space<hbm>>
        %dma_start3A_153 = tpu.memref_slice %arg3[%add3A] : memref<800768xi32, #tpu.memory_space<hbm>> -> memref<128xi32, #tpu.memory_space<hbm>>
        tpu.enqueue_dma source(%dma_start3A_153 : memref<128xi32, #tpu.memory_space<hbm>>) target(%arg11 : memref<128xi32, #tpu.memory_space<vmem>>) target_semaphore(%run_scoped3A : memref<!tpu.dma_semaphore, #tpu.memory_space<semaphore_mem>>)
        %dma_wait3A_154 = tpu.memref_slice %arg3[%add3A] : memref<800768xi32, #tpu.memory_space<hbm>> -> memref<128xi32, #tpu.memory_space<hbm>>
        %dma_wait3A_155 = tpu.memref_slice %arg3[%add3A] : memref<800768xi32, #tpu.memory_space<hbm>> -> memref<128xi32, #tpu.memory_space<hbm>>
        tpu.wait_dma2 semaphore(%run_scoped3A : memref<!tpu.dma_semaphore, #tpu.memory_space<semaphore_mem>>) src(%dma_wait3A_155 : memref<128xi32, #tpu.memory_space<hbm>>) dst(%arg11 : memref<128xi32, #tpu.memory_space<vmem>>)
        tpu.yield
      }) : () -> ()
      "tpu.region"() ({
        %run_scoped3A = tpu.sem_alloc : memref<!tpu.dma_semaphore, #tpu.memory_space<semaphore_mem>>
        %dma_start3A_152 = tpu.memref_slice %arg4[%add3A] : memref<800768xi32, #tpu.memory_space<hbm>> -> memref<128xi32, #tpu.memory_space<hbm>>
        %dma_start3A_153 = tpu.memref_slice %arg4[%add3A] : memref<800768xi32, #tpu.memory_space<hbm>> -> memref<128xi32, #tpu.memory_space<hbm>>
        tpu.enqueue_dma source(%dma_start3A_153 : memref<128xi32, #tpu.memory_space<hbm>>) target(%arg12 : memref<128xi32, #tpu.memory_space<vmem>>) target_semaphore(%run_scoped3A : memref<!tpu.dma_semaphore, #tpu.memory_space<semaphore_mem>>)
        %dma_wait3A_154 = tpu.memref_slice %arg4[%add3A] : memref<800768xi32, #tpu.memory_space<hbm>> -> memref<128xi32, #tpu.memory_space<hbm>>
        %dma_wait3A_155 = tpu.memref_slice %arg4[%add3A] : memref<800768xi32, #tpu.memory_space<hbm>> -> memref<128xi32, #tpu.memory_space<hbm>>
        tpu.wait_dma2 semaphore(%run_scoped3A : memref<!tpu.dma_semaphore, #tpu.memory_space<semaphore_mem>>) src(%dma_wait3A_155 : memref<128xi32, #tpu.memory_space<hbm>>) dst(%arg12 : memref<128xi32, #tpu.memory_space<vmem>>)
        tpu.yield
      }) : () -> ()
      "tpu.region"() ({
        %run_scoped3A = tpu.sem_alloc : memref<!tpu.dma_semaphore, #tpu.memory_space<semaphore_mem>>
        %dma_start3A_152 = tpu.memref_slice %arg5[%add3A] : memref<800768xf32, #tpu.memory_space<hbm>> -> memref<128xf32, #tpu.memory_space<hbm>>
        %dma_start3A_153 = tpu.memref_slice %arg5[%add3A] : memref<800768xf32, #tpu.memory_space<hbm>> -> memref<128xf32, #tpu.memory_space<hbm>>
        tpu.enqueue_dma source(%dma_start3A_153 : memref<128xf32, #tpu.memory_space<hbm>>) target(%arg13 : memref<128xf32, #tpu.memory_space<vmem>>) target_semaphore(%run_scoped3A : memref<!tpu.dma_semaphore, #tpu.memory_space<semaphore_mem>>)
        %dma_wait3A_154 = tpu.memref_slice %arg5[%add3A] : memref<800768xf32, #tpu.memory_space<hbm>> -> memref<128xf32, #tpu.memory_space<hbm>>
        %dma_wait3A_155 = tpu.memref_slice %arg5[%add3A] : memref<800768xf32, #tpu.memory_space<hbm>> -> memref<128xf32, #tpu.memory_space<hbm>>
        tpu.wait_dma2 semaphore(%run_scoped3A : memref<!tpu.dma_semaphore, #tpu.memory_space<semaphore_mem>>) src(%dma_wait3A_155 : memref<128xf32, #tpu.memory_space<hbm>>) dst(%arg13 : memref<128xf32, #tpu.memory_space<vmem>>)
        tpu.yield
      }) : () -> ()
      %scan3A_21 = arith.constant 0 : i32
      %scan3A_22 = arith.constant 0 : i32
      %mul3A_23 = arith.constant 16 : i32
      %mul3A_24 = arith.muli %scan3A_22, %mul3A_23 : i32
      %get3A = arith.index_cast %mul3A_24 : i32 to index
      %get3A_25 = tpu.vector_load %arg12[%get3A] {strides = array<i32>} : memref<128xi32, #tpu.memory_space<vmem>>, vector<16xi32>,
      %get3A_26 = vector.shape_cast %get3A_25 : vector<16xi32> to vector<16xi32>
      %add3A_27 = vector.broadcast %mul3A_0 : i32 to vector<16xi32>
      %add3A_28 = arith.addi %get3A_26, %add3A_27 : vector<16xi32>
      %mul3A_29 = arith.constant 16 : i32
      %mul3A_30 = arith.muli %scan3A_22, %mul3A_29 : i32
      %swap3A = arith.index_cast %mul3A_30 : i32 to index
      %swap3A_31 = tpu.vector_load %arg12[%swap3A] {strides = array<i32>} : memref<128xi32, #tpu.memory_space<vmem>>, vector<16xi32>,
      %swap3A_32 = vector.shape_cast %swap3A_31 : vector<16xi32> to vector<16xi32>
      %swap3A_33 = vector.shape_cast %add3A_28 : vector<16xi32> to vector<16xi32>
      tpu.vector_store %arg12[%swap3A], %swap3A_33 {strides = array<i32>} : memref<128xi32, #tpu.memory_space<vmem>>, vector<16xi32>,
      %scan3A_34 = arith.constant 0 : i32
      %scan3A_35 = arith.constant 1 : i32
      %mul3A_36 = arith.constant 16 : i32
      %mul3A_37 = arith.muli %scan3A_35, %mul3A_36 : i32
      %get3A_38 = arith.index_cast %mul3A_37 : i32 to index
      %get3A_39 = tpu.vector_load %arg12[%get3A_38] {strides = array<i32>} : memref<128xi32, #tpu.memory_space<vmem>>, vector<16xi32>,
      %get3A_40 = vector.shape_cast %get3A_39 : vector<16xi32> to vector<16xi32>
      %add3A_41 = vector.broadcast %mul3A_0 : i32 to vector<16xi32>
      %add3A_42 = arith.addi %get3A_40, %add3A_41 : vector<16xi32>
      %mul3A_43 = arith.constant 16 : i32
      %mul3A_44 = arith.muli %scan3A_35, %mul3A_43 : i32
      %swap3A_45 = arith.index_cast %mul3A_44 : i32 to index
      %swap3A_46 = tpu.vector_load %arg12[%swap3A_45] {strides = array<i32>} : memref<128xi32, #tpu.memory_space<vmem>>, vector<16xi32>,
      %swap3A_47 = vector.shape_cast %swap3A_46 : vector<16xi32> to vector<16xi32>
      %swap3A_48 = vector.shape_cast %add3A_42 : vector<16xi32> to vector<16xi32>
      tpu.vector_store %arg12[%swap3A_45], %swap3A_48 {strides = array<i32>} : memref<128xi32, #tpu.memory_space<vmem>>, vector<16xi32>,
      %scan3A_49 = arith.constant 0 : i32
      %scan3A_50 = arith.constant 2 : i32
      %mul3A_51 = arith.constant 16 : i32
      %mul3A_52 = arith.muli %scan3A_50, %mul3A_51 : i32
      %get3A_53 = arith.index_cast %mul3A_52 : i32 to index
      %get3A_54 = tpu.vector_load %arg12[%get3A_53] {strides = array<i32>} : memref<128xi32, #tpu.memory_space<vmem>>, vector<16xi32>,
      %get3A_55 = vector.shape_cast %get3A_54 : vector<16xi32> to vector<16xi32>
      %add3A_56 = vector.broadcast %mul3A_0 : i32 to vector<16xi32>
      %add3A_57 = arith.addi %get3A_55, %add3A_56 : vector<16xi32>
      %mul3A_58 = arith.constant 16 : i32
      %mul3A_59 = arith.muli %scan3A_50, %mul3A_58 : i32
      %swap3A_60 = arith.index_cast %mul3A_59 : i32 to index
      %swap3A_61 = tpu.vector_load %arg12[%swap3A_60] {strides = array<i32>} : memref<128xi32, #tpu.memory_space<vmem>>, vector<16xi32>,
      %swap3A_62 = vector.shape_cast %swap3A_61 : vector<16xi32> to vector<16xi32>
      %swap3A_63 = vector.shape_cast %add3A_57 : vector<16xi32> to vector<16xi32>
      tpu.vector_store %arg12[%swap3A_60], %swap3A_63 {strides = array<i32>} : memref<128xi32, #tpu.memory_space<vmem>>, vector<16xi32>,
      %scan3A_64 = arith.constant 0 : i32
      %scan3A_65 = arith.constant 3 : i32
      %mul3A_66 = arith.constant 16 : i32
      %mul3A_67 = arith.muli %scan3A_65, %mul3A_66 : i32
      %get3A_68 = arith.index_cast %mul3A_67 : i32 to index
      %get3A_69 = tpu.vector_load %arg12[%get3A_68] {strides = array<i32>} : memref<128xi32, #tpu.memory_space<vmem>>, vector<16xi32>,
      %get3A_70 = vector.shape_cast %get3A_69 : vector<16xi32> to vector<16xi32>
      %add3A_71 = vector.broadcast %mul3A_0 : i32 to vector<16xi32>
      %add3A_72 = arith.addi %get3A_70, %add3A_71 : vector<16xi32>
      %mul3A_73 = arith.constant 16 : i32
      %mul3A_74 = arith.muli %scan3A_65, %mul3A_73 : i32
      %swap3A_75 = arith.index_cast %mul3A_74 : i32 to index
      %swap3A_76 = tpu.vector_load %arg12[%swap3A_75] {strides = array<i32>} : memref<128xi32, #tpu.memory_space<vmem>>, vector<16xi32>,
      %swap3A_77 = vector.shape_cast %swap3A_76 : vector<16xi32> to vector<16xi32>
      %swap3A_78 = vector.shape_cast %add3A_72 : vector<16xi32> to vector<16xi32>
      tpu.vector_store %arg12[%swap3A_75], %swap3A_78 {strides = array<i32>} : memref<128xi32, #tpu.memory_space<vmem>>, vector<16xi32>,
      %scan3A_79 = arith.constant 0 : i32
      %scan3A_80 = arith.constant 4 : i32
      %mul3A_81 = arith.constant 16 : i32
      %mul3A_82 = arith.muli %scan3A_80, %mul3A_81 : i32
      %get3A_83 = arith.index_cast %mul3A_82 : i32 to index
      %get3A_84 = tpu.vector_load %arg12[%get3A_83] {strides = array<i32>} : memref<128xi32, #tpu.memory_space<vmem>>, vector<16xi32>,
      %get3A_85 = vector.shape_cast %get3A_84 : vector<16xi32> to vector<16xi32>
      %add3A_86 = vector.broadcast %mul3A_0 : i32 to vector<16xi32>
      %add3A_87 = arith.addi %get3A_85, %add3A_86 : vector<16xi32>
      %mul3A_88 = arith.constant 16 : i32
      %mul3A_89 = arith.muli %scan3A_80, %mul3A_88 : i32
      %swap3A_90 = arith.index_cast %mul3A_89 : i32 to index
      %swap3A_91 = tpu.vector_load %arg12[%swap3A_90] {strides = array<i32>} : memref<128xi32, #tpu.memory_space<vmem>>, vector<16xi32>,
      %swap3A_92 = vector.shape_cast %swap3A_91 : vector<16xi32> to vector<16xi32>
      %swap3A_93 = vector.shape_cast %add3A_87 : vector<16xi32> to vector<16xi32>
      tpu.vector_store %arg12[%swap3A_90], %swap3A_93 {strides = array<i32>} : memref<128xi32, #tpu.memory_space<vmem>>, vector<16xi32>,
      %scan3A_94 = arith.constant 0 : i32
      %scan3A_95 = arith.constant 5 : i32
      %mul3A_96 = arith.constant 16 : i32
      %mul3A_97 = arith.muli %scan3A_95, %mul3A_96 : i32
      %get3A_98 = arith.index_cast %mul3A_97 : i32 to index
      %get3A_99 = tpu.vector_load %arg12[%get3A_98] {strides = array<i32>} : memref<128xi32, #tpu.memory_space<vmem>>, vector<16xi32>,
      %get3A_100 = vector.shape_cast %get3A_99 : vector<16xi32> to vector<16xi32>
      %add3A_101 = vector.broadcast %mul3A_0 : i32 to vector<16xi32>
      %add3A_102 = arith.addi %get3A_100, %add3A_101 : vector<16xi32>
      %mul3A_103 = arith.constant 16 : i32
      %mul3A_104 = arith.muli %scan3A_95, %mul3A_103 : i32
      %swap3A_105 = arith.index_cast %mul3A_104 : i32 to index
      %swap3A_106 = tpu.vector_load %arg12[%swap3A_105] {strides = array<i32>} : memref<128xi32, #tpu.memory_space<vmem>>, vector<16xi32>,
      %swap3A_107 = vector.shape_cast %swap3A_106 : vector<16xi32> to vector<16xi32>
      %swap3A_108 = vector.shape_cast %add3A_102 : vector<16xi32> to vector<16xi32>
      tpu.vector_store %arg12[%swap3A_105], %swap3A_108 {strides = array<i32>} : memref<128xi32, #tpu.memory_space<vmem>>, vector<16xi32>,
      %scan3A_109 = arith.constant 0 : i32
      %scan3A_110 = arith.constant 6 : i32
      %mul3A_111 = arith.constant 16 : i32
      %mul3A_112 = arith.muli %scan3A_110, %mul3A_111 : i32
      %get3A_113 = arith.index_cast %mul3A_112 : i32 to index
      %get3A_114 = tpu.vector_load %arg12[%get3A_113] {strides = array<i32>} : memref<128xi32, #tpu.memory_space<vmem>>, vector<16xi32>,
      %get3A_115 = vector.shape_cast %get3A_114 : vector<16xi32> to vector<16xi32>
      %add3A_116 = vector.broadcast %mul3A_0 : i32 to vector<16xi32>
      %add3A_117 = arith.addi %get3A_115, %add3A_116 : vector<16xi32>
      %mul3A_118 = arith.constant 16 : i32
      %mul3A_119 = arith.muli %scan3A_110, %mul3A_118 : i32
      %swap3A_120 = arith.index_cast %mul3A_119 : i32 to index
      %swap3A_121 = tpu.vector_load %arg12[%swap3A_120] {strides = array<i32>} : memref<128xi32, #tpu.memory_space<vmem>>, vector<16xi32>,
      %swap3A_122 = vector.shape_cast %swap3A_121 : vector<16xi32> to vector<16xi32>
      %swap3A_123 = vector.shape_cast %add3A_117 : vector<16xi32> to vector<16xi32>
      tpu.vector_store %arg12[%swap3A_120], %swap3A_123 {strides = array<i32>} : memref<128xi32, #tpu.memory_space<vmem>>, vector<16xi32>,
      %scan3A_124 = arith.constant 0 : i32
      %scan3A_125 = arith.constant 7 : i32
      %mul3A_126 = arith.constant 16 : i32
      %mul3A_127 = arith.muli %scan3A_125, %mul3A_126 : i32
      %get3A_128 = arith.index_cast %mul3A_127 : i32 to index
      %get3A_129 = tpu.vector_load %arg12[%get3A_128] {strides = array<i32>} : memref<128xi32, #tpu.memory_space<vmem>>, vector<16xi32>,
      %get3A_130 = vector.shape_cast %get3A_129 : vector<16xi32> to vector<16xi32>
      %add3A_131 = vector.broadcast %mul3A_0 : i32 to vector<16xi32>
      %add3A_132 = arith.addi %get3A_130, %add3A_131 : vector<16xi32>
      %mul3A_133 = arith.constant 16 : i32
      %mul3A_134 = arith.muli %scan3A_125, %mul3A_133 : i32
      %swap3A_135 = arith.index_cast %mul3A_134 : i32 to index
      %swap3A_136 = tpu.vector_load %arg12[%swap3A_135] {strides = array<i32>} : memref<128xi32, #tpu.memory_space<vmem>>, vector<16xi32>,
      %swap3A_137 = vector.shape_cast %swap3A_136 : vector<16xi32> to vector<16xi32>
      %swap3A_138 = vector.shape_cast %add3A_132 : vector<16xi32> to vector<16xi32>
      tpu.vector_store %arg12[%swap3A_135], %swap3A_138 {strides = array<i32>} : memref<128xi32, #tpu.memory_space<vmem>>, vector<16xi32>,
      %scan3A_139 = arith.constant 0 : i32
      %scan3A_140 = arith.constant 8 : i32
      %dma_start3A = arith.constant 0 : i32
      %dma_start3A_141 = arith.constant 0 : i32
      %dma_start3A_142 = tpu.memref_slice %arg2[%dma_start3A, %dma_start3A_141] : memref<100000x32xf32, #tpu.memory_space<hbm>> -> memref<100000x32xf32, #tpu.memory_space<hbm>>
      tpu.enqueue_indirect_dma source(%dma_start3A_142 : memref<100000x32xf32, #tpu.memory_space<hbm>>) target(%arg14 : memref<128x32xf32, #tpu.memory_space<vmem>>) offsets(%arg12 : memref<128xi32, #tpu.memory_space<vmem>>) semaphore(%arg17 : memref<!tpu.dma_semaphore, #tpu.memory_space<semaphore_mem>>)
      %dma_wait3A = arith.constant 0 : i32
      %dma_wait3A_143 = arith.constant 0 : i32
      %dma_wait3A_144 = tpu.memref_slice %arg2[%dma_wait3A, %dma_wait3A_143] : memref<100000x32xf32, #tpu.memory_space<hbm>> -> memref<100000x32xf32, #tpu.memory_space<hbm>>
      tpu.wait_indirect_dma semaphore(%arg17 : memref<!tpu.dma_semaphore, #tpu.memory_space<semaphore_mem>>) src(%dma_wait3A_144 : memref<100000x32xf32, #tpu.memory_space<hbm>>) dst(%arg14 : memref<128x32xf32, #tpu.memory_space<vmem>>)
      %scan3A_145 = arith.constant 0 : i32
      %scan3A_146 = arith.constant 0 : i32
      %scan3A_147 = arith.constant 8 : i32
      %scan3A_148 = arith.addi %scan3A_146, %scan3A_147 : i32
      %scan3A_149 = arith.constant 1 : i32
      %scan3A_150 = scf.for %scan3A_152 = %scan3A_146 to %scan3A_148 step %scan3A_149 iter_args(%scan3A_153 = %scan3A_145) -> (i32)  : i32 {
        %mul3A_154 = arith.constant 16 : i32
        %mul3A_155 = arith.muli %scan3A_152, %mul3A_154 : i32
        %get3A_156 = arith.index_cast %mul3A_155 : i32 to index
        %get3A_157 = tpu.vector_load %arg13[%get3A_156] {strides = array<i32>} : memref<128xf32, #tpu.memory_space<vmem>>, vector<16xf32>,
        %get3A_158 = vector.shape_cast %get3A_157 : vector<16xf32> to vector<16xf32>
        %mul3A_159 = arith.constant 16 : i32
        %mul3A_160 = arith.muli %scan3A_152, %mul3A_159 : i32
        %add3A_161 = arith.constant 0 : i32
        %add3A_162 = arith.addi %mul3A_160, %add3A_161 : i32
        %slice3A = vector.extract_strided_slice %get3A_158 {offsets = [0], sizes = [1], strides = [1]} : vector<16xf32> to vector<1xf32>
        %squeeze3A = vector.extract %slice3A[0] : f32 from vector<1xf32>
        %get3A_163 = arith.index_cast %add3A_162 : i32 to index
        %get3A_164 = arith.constant 0 : index
        %get3A_165 = tpu.vector_load %arg14[%get3A_163, %get3A_164] {strides = array<i32>} : memref<128x32xf32, #tpu.memory_space<vmem>>, vector<1x16xf32>,
        %get3A_166 = vector.shape_cast %get3A_165 : vector<1x16xf32> to vector<16xf32>
        %mul3A_167 = vector.broadcast %squeeze3A : f32 to vector<16xf32>
        %mul3A_168 = arith.mulf %get3A_166, %mul3A_167 : vector<16xf32>
        %swap3A_169 = arith.index_cast %add3A_162 : i32 to index
        %swap3A_170 = arith.constant 0 : index
        %swap3A_171 = tpu.vector_load %arg14[%swap3A_169, %swap3A_170] {strides = array<i32>} : memref<128x32xf32, #tpu.memory_space<vmem>>, vector<1x16xf32>,
        %swap3A_172 = vector.shape_cast %swap3A_171 : vector<1x16xf32> to vector<16xf32>
        %swap3A_173 = vector.shape_cast %mul3A_168 : vector<16xf32> to vector<1x16xf32>
        tpu.vector_store %arg14[%swap3A_169, %swap3A_170], %swap3A_173 {strides = array<i32>} : memref<128x32xf32, #tpu.memory_space<vmem>>, vector<1x16xf32>,
        %get3A_174 = arith.index_cast %add3A_162 : i32 to index
        %get3A_175 = arith.constant 16 : index
        %get3A_176 = tpu.vector_load %arg14[%get3A_174, %get3A_175] {strides = array<i32>} : memref<128x32xf32, #tpu.memory_space<vmem>>, vector<1x16xf32>,
        %get3A_177 = vector.shape_cast %get3A_176 : vector<1x16xf32> to vector<16xf32>
        %mul3A_178 = vector.broadcast %squeeze3A : f32 to vector<16xf32>
        %mul3A_179 = arith.mulf %get3A_177, %mul3A_178 : vector<16xf32>
        %swap3A_180 = arith.index_cast %add3A_162 : i32 to index
        %swap3A_181 = arith.constant 16 : index
        %swap3A_182 = tpu.vector_load %arg14[%swap3A_180, %swap3A_181] {strides = array<i32>} : memref<128x32xf32, #tpu.memory_space<vmem>>, vector<1x16xf32>,
        %swap3A_183 = vector.shape_cast %swap3A_182 : vector<1x16xf32> to vector<16xf32>
        %swap3A_184 = vector.shape_cast %mul3A_179 : vector<16xf32> to vector<1x16xf32>
        tpu.vector_store %arg14[%swap3A_180, %swap3A_181], %swap3A_184 {strides = array<i32>} : memref<128x32xf32, #tpu.memory_space<vmem>>, vector<1x16xf32>,
        %mul3A_185 = arith.constant 16 : i32
        %mul3A_186 = arith.muli %scan3A_152, %mul3A_185 : i32
        %add3A_187 = arith.constant 1 : i32
        %add3A_188 = arith.addi %mul3A_186, %add3A_187 : i32
        %slice3A_189 = vector.extract_strided_slice %get3A_158 {offsets = [1], sizes = [1], strides = [1]} : vector<16xf32> to vector<1xf32>
        %squeeze3A_190 = vector.extract %slice3A_189[0] : f32 from vector<1xf32>
        %get3A_191 = arith.index_cast %add3A_188 : i32 to index
        %get3A_192 = arith.constant 0 : index
        %get3A_193 = tpu.vector_load %arg14[%get3A_191, %get3A_192] {strides = array<i32>} : memref<128x32xf32, #tpu.memory_space<vmem>>, vector<1x16xf32>,
        %get3A_194 = vector.shape_cast %get3A_193 : vector<1x16xf32> to vector<16xf32>
        %mul3A_195 = vector.broadcast %squeeze3A_190 : f32 to vector<16xf32>
        %mul3A_196 = arith.mulf %get3A_194, %mul3A_195 : vector<16xf32>
        %swap3A_197 = arith.index_cast %add3A_188 : i32 to index
        %swap3A_198 = arith.constant 0 : index
        %swap3A_199 = tpu.vector_load %arg14[%swap3A_197, %swap3A_198] {strides = array<i32>} : memref<128x32xf32, #tpu.memory_space<vmem>>, vector<1x16xf32>,
        %swap3A_200 = vector.shape_cast %swap3A_199 : vector<1x16xf32> to vector<16xf32>
        %swap3A_201 = vector.shape_cast %mul3A_196 : vector<16xf32> to vector<1x16xf32>
        tpu.vector_store %arg14[%swap3A_197, %swap3A_198], %swap3A_201 {strides = array<i32>} : memref<128x32xf32, #tpu.memory_space<vmem>>, vector<1x16xf32>,
        %get3A_202 = arith.index_cast %add3A_188 : i32 to index
        %get3A_203 = arith.constant 16 : index
        %get3A_204 = tpu.vector_load %arg14[%get3A_202, %get3A_203] {strides = array<i32>} : memref<128x32xf32, #tpu.memory_space<vmem>>, vector<1x16xf32>,
        %get3A_205 = vector.shape_cast %get3A_204 : vector<1x16xf32> to vector<16xf32>
        %mul3A_206 = vector.broadcast %squeeze3A_190 : f32 to vector<16xf32>
        %mul3A_207 = arith.mulf %get3A_205, %mul3A_206 : vector<16xf32>
        %swap3A_208 = arith.index_cast %add3A_188 : i32 to index
        %swap3A_209 = arith.constant 16 : index
        %swap3A_210 = tpu.vector_load %arg14[%swap3A_208, %swap3A_209] {strides = array<i32>} : memref<128x32xf32, #tpu.memory_space<vmem>>, vector<1x16xf32>,
        %swap3A_211 = vector.shape_cast %swap3A_210 : vector<1x16xf32> to vector<16xf32>
        %swap3A_212 = vector.shape_cast %mul3A_207 : vector<16xf32> to vector<1x16xf32>
        tpu.vector_store %arg14[%swap3A_208, %swap3A_209], %swap3A_212 {strides = array<i32>} : memref<128x32xf32, #tpu.memory_space<vmem>>, vector<1x16xf32>,
        %mul3A_213 = arith.constant 16 : i32
        %mul3A_214 = arith.muli %scan3A_152, %mul3A_213 : i32
        %add3A_215 = arith.constant 2 : i32
        %add3A_216 = arith.addi %mul3A_214, %add3A_215 : i32
        %slice3A_217 = vector.extract_strided_slice %get3A_158 {offsets = [2], sizes = [1], strides = [1]} : vector<16xf32> to vector<1xf32>
        %squeeze3A_218 = vector.extract %slice3A_217[0] : f32 from vector<1xf32>
        %get3A_219 = arith.index_cast %add3A_216 : i32 to index
        %get3A_220 = arith.constant 0 : index
        %get3A_221 = tpu.vector_load %arg14[%get3A_219, %get3A_220] {strides = array<i32>} : memref<128x32xf32, #tpu.memory_space<vmem>>, vector<1x16xf32>,
        %get3A_222 = vector.shape_cast %get3A_221 : vector<1x16xf32> to vector<16xf32>
        %mul3A_223 = vector.broadcast %squeeze3A_218 : f32 to vector<16xf32>
        %mul3A_224 = arith.mulf %get3A_222, %mul3A_223 : vector<16xf32>
        %swap3A_225 = arith.index_cast %add3A_216 : i32 to index
        %swap3A_226 = arith.constant 0 : index
        %swap3A_227 = tpu.vector_load %arg14[%swap3A_225, %swap3A_226] {strides = array<i32>} : memref<128x32xf32, #tpu.memory_space<vmem>>, vector<1x16xf32>,
        %swap3A_228 = vector.shape_cast %swap3A_227 : vector<1x16xf32> to vector<16xf32>
        %swap3A_229 = vector.shape_cast %mul3A_224 : vector<16xf32> to vector<1x16xf32>
        tpu.vector_store %arg14[%swap3A_225, %swap3A_226], %swap3A_229 {strides = array<i32>} : memref<128x32xf32, #tpu.memory_space<vmem>>, vector<1x16xf32>,
        %get3A_230 = arith.index_cast %add3A_216 : i32 to index
        %get3A_231 = arith.constant 16 : index
        %get3A_232 = tpu.vector_load %arg14[%get3A_230, %get3A_231] {strides = array<i32>} : memref<128x32xf32, #tpu.memory_space<vmem>>, vector<1x16xf32>,
        %get3A_233 = vector.shape_cast %get3A_232 : vector<1x16xf32> to vector<16xf32>
        %mul3A_234 = vector.broadcast %squeeze3A_218 : f32 to vector<16xf32>
        %mul3A_235 = arith.mulf %get3A_233, %mul3A_234 : vector<16xf32>
        %swap3A_236 = arith.index_cast %add3A_216 : i32 to index
        %swap3A_237 = arith.constant 16 : index
        %swap3A_238 = tpu.vector_load %arg14[%swap3A_236, %swap3A_237] {strides = array<i32>} : memref<128x32xf32, #tpu.memory_space<vmem>>, vector<1x16xf32>,
        %swap3A_239 = vector.shape_cast %swap3A_238 : vector<1x16xf32> to vector<16xf32>
        %swap3A_240 = vector.shape_cast %mul3A_235 : vector<16xf32> to vector<1x16xf32>
        tpu.vector_store %arg14[%swap3A_236, %swap3A_237], %swap3A_240 {strides = array<i32>} : memref<128x32xf32, #tpu.memory_space<vmem>>, vector<1x16xf32>,
        %mul3A_241 = arith.constant 16 : i32
        %mul3A_242 = arith.muli %scan3A_152, %mul3A_241 : i32
        %add3A_243 = arith.constant 3 : i32
        %add3A_244 = arith.addi %mul3A_242, %add3A_243 : i32
        %slice3A_245 = vector.extract_strided_slice %get3A_158 {offsets = [3], sizes = [1], strides = [1]} : vector<16xf32> to vector<1xf32>
        %squeeze3A_246 = vector.extract %slice3A_245[0] : f32 from vector<1xf32>
        %get3A_247 = arith.index_cast %add3A_244 : i32 to index
        %get3A_248 = arith.constant 0 : index
        %get3A_249 = tpu.vector_load %arg14[%get3A_247, %get3A_248] {strides = array<i32>} : memref<128x32xf32, #tpu.memory_space<vmem>>, vector<1x16xf32>,
        %get3A_250 = vector.shape_cast %get3A_249 : vector<1x16xf32> to vector<16xf32>
        %mul3A_251 = vector.broadcast %squeeze3A_246 : f32 to vector<16xf32>
        %mul3A_252 = arith.mulf %get3A_250, %mul3A_251 : vector<16xf32>
        %swap3A_253 = arith.index_cast %add3A_244 : i32 to index
        %swap3A_254 = arith.constant 0 : index
        %swap3A_255 = tpu.vector_load %arg14[%swap3A_253, %swap3A_254] {strides = array<i32>} : memref<128x32xf32, #tpu.memory_space<vmem>>, vector<1x16xf32>,
        %swap3A_256 = vector.shape_cast %swap3A_255 : vector<1x16xf32> to vector<16xf32>
        %swap3A_257 = vector.shape_cast %mul3A_252 : vector<16xf32> to vector<1x16xf32>
        tpu.vector_store %arg14[%swap3A_253, %swap3A_254], %swap3A_257 {strides = array<i32>} : memref<128x32xf32, #tpu.memory_space<vmem>>, vector<1x16xf32>,
        %get3A_258 = arith.index_cast %add3A_244 : i32 to index
        %get3A_259 = arith.constant 16 : index
        %get3A_260 = tpu.vector_load %arg14[%get3A_258, %get3A_259] {strides = array<i32>} : memref<128x32xf32, #tpu.memory_space<vmem>>, vector<1x16xf32>,
        %get3A_261 = vector.shape_cast %get3A_260 : vector<1x16xf32> to vector<16xf32>
        %mul3A_262 = vector.broadcast %squeeze3A_246 : f32 to vector<16xf32>
        %mul3A_263 = arith.mulf %get3A_261, %mul3A_262 : vector<16xf32>
        %swap3A_264 = arith.index_cast %add3A_244 : i32 to index
        %swap3A_265 = arith.constant 16 : index
        %swap3A_266 = tpu.vector_load %arg14[%swap3A_264, %swap3A_265] {strides = array<i32>} : memref<128x32xf32, #tpu.memory_space<vmem>>, vector<1x16xf32>,
        %swap3A_267 = vector.shape_cast %swap3A_266 : vector<1x16xf32> to vector<16xf32>
        %swap3A_268 = vector.shape_cast %mul3A_263 : vector<16xf32> to vector<1x16xf32>
        tpu.vector_store %arg14[%swap3A_264, %swap3A_265], %swap3A_268 {strides = array<i32>} : memref<128x32xf32, #tpu.memory_space<vmem>>, vector<1x16xf32>,
        %mul3A_269 = arith.constant 16 : i32
        %mul3A_270 = arith.muli %scan3A_152, %mul3A_269 : i32
        %add3A_271 = arith.constant 4 : i32
        %add3A_272 = arith.addi %mul3A_270, %add3A_271 : i32
        %slice3A_273 = vector.extract_strided_slice %get3A_158 {offsets = [4], sizes = [1], strides = [1]} : vector<16xf32> to vector<1xf32>
        %squeeze3A_274 = vector.extract %slice3A_273[0] : f32 from vector<1xf32>
        %get3A_275 = arith.index_cast %add3A_272 : i32 to index
        %get3A_276 = arith.constant 0 : index
        %get3A_277 = tpu.vector_load %arg14[%get3A_275, %get3A_276] {strides = array<i32>} : memref<128x32xf32, #tpu.memory_space<vmem>>, vector<1x16xf32>,
        %get3A_278 = vector.shape_cast %get3A_277 : vector<1x16xf32> to vector<16xf32>
        %mul3A_279 = vector.broadcast %squeeze3A_274 : f32 to vector<16xf32>
        %mul3A_280 = arith.mulf %get3A_278, %mul3A_279 : vector<16xf32>
        %swap3A_281 = arith.index_cast %add3A_272 : i32 to index
        %swap3A_282 = arith.constant 0 : index
        %swap3A_283 = tpu.vector_load %arg14[%swap3A_281, %swap3A_282] {strides = array<i32>} : memref<128x32xf32, #tpu.memory_space<vmem>>, vector<1x16xf32>,
        %swap3A_284 = vector.shape_cast %swap3A_283 : vector<1x16xf32> to vector<16xf32>
        %swap3A_285 = vector.shape_cast %mul3A_280 : vector<16xf32> to vector<1x16xf32>
        tpu.vector_store %arg14[%swap3A_281, %swap3A_282], %swap3A_285 {strides = array<i32>} : memref<128x32xf32, #tpu.memory_space<vmem>>, vector<1x16xf32>,
        %get3A_286 = arith.index_cast %add3A_272 : i32 to index
        %get3A_287 = arith.constant 16 : index
        %get3A_288 = tpu.vector_load %arg14[%get3A_286, %get3A_287] {strides = array<i32>} : memref<128x32xf32, #tpu.memory_space<vmem>>, vector<1x16xf32>,
        %get3A_289 = vector.shape_cast %get3A_288 : vector<1x16xf32> to vector<16xf32>
        %mul3A_290 = vector.broadcast %squeeze3A_274 : f32 to vector<16xf32>
        %mul3A_291 = arith.mulf %get3A_289, %mul3A_290 : vector<16xf32>
        %swap3A_292 = arith.index_cast %add3A_272 : i32 to index
        %swap3A_293 = arith.constant 16 : index
        %swap3A_294 = tpu.vector_load %arg14[%swap3A_292, %swap3A_293] {strides = array<i32>} : memref<128x32xf32, #tpu.memory_space<vmem>>, vector<1x16xf32>,
        %swap3A_295 = vector.shape_cast %swap3A_294 : vector<1x16xf32> to vector<16xf32>
        %swap3A_296 = vector.shape_cast %mul3A_291 : vector<16xf32> to vector<1x16xf32>
        tpu.vector_store %arg14[%swap3A_292, %swap3A_293], %swap3A_296 {strides = array<i32>} : memref<128x32xf32, #tpu.memory_space<vmem>>, vector<1x16xf32>,
        %mul3A_297 = arith.constant 16 : i32
        %mul3A_298 = arith.muli %scan3A_152, %mul3A_297 : i32
        %add3A_299 = arith.constant 5 : i32
        %add3A_300 = arith.addi %mul3A_298, %add3A_299 : i32
        %slice3A_301 = vector.extract_strided_slice %get3A_158 {offsets = [5], sizes = [1], strides = [1]} : vector<16xf32> to vector<1xf32>
        %squeeze3A_302 = vector.extract %slice3A_301[0] : f32 from vector<1xf32>
        %get3A_303 = arith.index_cast %add3A_300 : i32 to index
        %get3A_304 = arith.constant 0 : index
        %get3A_305 = tpu.vector_load %arg14[%get3A_303, %get3A_304] {strides = array<i32>} : memref<128x32xf32, #tpu.memory_space<vmem>>, vector<1x16xf32>,
        %get3A_306 = vector.shape_cast %get3A_305 : vector<1x16xf32> to vector<16xf32>
        %mul3A_307 = vector.broadcast %squeeze3A_302 : f32 to vector<16xf32>
        %mul3A_308 = arith.mulf %get3A_306, %mul3A_307 : vector<16xf32>
        %swap3A_309 = arith.index_cast %add3A_300 : i32 to index
        %swap3A_310 = arith.constant 0 : index
        %swap3A_311 = tpu.vector_load %arg14[%swap3A_309, %swap3A_310] {strides = array<i32>} : memref<128x32xf32, #tpu.memory_space<vmem>>, vector<1x16xf32>,
        %swap3A_312 = vector.shape_cast %swap3A_311 : vector<1x16xf32> to vector<16xf32>
        %swap3A_313 = vector.shape_cast %mul3A_308 : vector<16xf32> to vector<1x16xf32>
        tpu.vector_store %arg14[%swap3A_309, %swap3A_310], %swap3A_313 {strides = array<i32>} : memref<128x32xf32, #tpu.memory_space<vmem>>, vector<1x16xf32>,
        %get3A_314 = arith.index_cast %add3A_300 : i32 to index
        %get3A_315 = arith.constant 16 : index
        %get3A_316 = tpu.vector_load %arg14[%get3A_314, %get3A_315] {strides = array<i32>} : memref<128x32xf32, #tpu.memory_space<vmem>>, vector<1x16xf32>,
        %get3A_317 = vector.shape_cast %get3A_316 : vector<1x16xf32> to vector<16xf32>
        %mul3A_318 = vector.broadcast %squeeze3A_302 : f32 to vector<16xf32>
        %mul3A_319 = arith.mulf %get3A_317, %mul3A_318 : vector<16xf32>
        %swap3A_320 = arith.index_cast %add3A_300 : i32 to index
        %swap3A_321 = arith.constant 16 : index
        %swap3A_322 = tpu.vector_load %arg14[%swap3A_320, %swap3A_321] {strides = array<i32>} : memref<128x32xf32, #tpu.memory_space<vmem>>, vector<1x16xf32>,
        %swap3A_323 = vector.shape_cast %swap3A_322 : vector<1x16xf32> to vector<16xf32>
        %swap3A_324 = vector.shape_cast %mul3A_319 : vector<16xf32> to vector<1x16xf32>
        tpu.vector_store %arg14[%swap3A_320, %swap3A_321], %swap3A_324 {strides = array<i32>} : memref<128x32xf32, #tpu.memory_space<vmem>>, vector<1x16xf32>,
        %mul3A_325 = arith.constant 16 : i32
        %mul3A_326 = arith.muli %scan3A_152, %mul3A_325 : i32
        %add3A_327 = arith.constant 6 : i32
        %add3A_328 = arith.addi %mul3A_326, %add3A_327 : i32
        %slice3A_329 = vector.extract_strided_slice %get3A_158 {offsets = [6], sizes = [1], strides = [1]} : vector<16xf32> to vector<1xf32>
        %squeeze3A_330 = vector.extract %slice3A_329[0] : f32 from vector<1xf32>
        %get3A_331 = arith.index_cast %add3A_328 : i32 to index
        %get3A_332 = arith.constant 0 : index
        %get3A_333 = tpu.vector_load %arg14[%get3A_331, %get3A_332] {strides = array<i32>} : memref<128x32xf32, #tpu.memory_space<vmem>>, vector<1x16xf32>,
        %get3A_334 = vector.shape_cast %get3A_333 : vector<1x16xf32> to vector<16xf32>
        %mul3A_335 = vector.broadcast %squeeze3A_330 : f32 to vector<16xf32>
        %mul3A_336 = arith.mulf %get3A_334, %mul3A_335 : vector<16xf32>
        %swap3A_337 = arith.index_cast %add3A_328 : i32 to index
        %swap3A_338 = arith.constant 0 : index
        %swap3A_339 = tpu.vector_load %arg14[%swap3A_337, %swap3A_338] {strides = array<i32>} : memref<128x32xf32, #tpu.memory_space<vmem>>, vector<1x16xf32>,
        %swap3A_340 = vector.shape_cast %swap3A_339 : vector<1x16xf32> to vector<16xf32>
        %swap3A_341 = vector.shape_cast %mul3A_336 : vector<16xf32> to vector<1x16xf32>
        tpu.vector_store %arg14[%swap3A_337, %swap3A_338], %swap3A_341 {strides = array<i32>} : memref<128x32xf32, #tpu.memory_space<vmem>>, vector<1x16xf32>,
        %get3A_342 = arith.index_cast %add3A_328 : i32 to index
        %get3A_343 = arith.constant 16 : index
        %get3A_344 = tpu.vector_load %arg14[%get3A_342, %get3A_343] {strides = array<i32>} : memref<128x32xf32, #tpu.memory_space<vmem>>, vector<1x16xf32>,
        %get3A_345 = vector.shape_cast %get3A_344 : vector<1x16xf32> to vector<16xf32>
        %mul3A_346 = vector.broadcast %squeeze3A_330 : f32 to vector<16xf32>
        %mul3A_347 = arith.mulf %get3A_345, %mul3A_346 : vector<16xf32>
        %swap3A_348 = arith.index_cast %add3A_328 : i32 to index
        %swap3A_349 = arith.constant 16 : index
        %swap3A_350 = tpu.vector_load %arg14[%swap3A_348, %swap3A_349] {strides = array<i32>} : memref<128x32xf32, #tpu.memory_space<vmem>>, vector<1x16xf32>,
        %swap3A_351 = vector.shape_cast %swap3A_350 : vector<1x16xf32> to vector<16xf32>
        %swap3A_352 = vector.shape_cast %mul3A_347 : vector<16xf32> to vector<1x16xf32>
        tpu.vector_store %arg14[%swap3A_348, %swap3A_349], %swap3A_352 {strides = array<i32>} : memref<128x32xf32, #tpu.memory_space<vmem>>, vector<1x16xf32>,
        %mul3A_353 = arith.constant 16 : i32
        %mul3A_354 = arith.muli %scan3A_152, %mul3A_353 : i32
        %add3A_355 = arith.constant 7 : i32
        %add3A_356 = arith.addi %mul3A_354, %add3A_355 : i32
        %slice3A_357 = vector.extract_strided_slice %get3A_158 {offsets = [7], sizes = [1], strides = [1]} : vector<16xf32> to vector<1xf32>
        %squeeze3A_358 = vector.extract %slice3A_357[0] : f32 from vector<1xf32>
        %get3A_359 = arith.index_cast %add3A_356 : i32 to index
        %get3A_360 = arith.constant 0 : index
        %get3A_361 = tpu.vector_load %arg14[%get3A_359, %get3A_360] {strides = array<i32>} : memref<128x32xf32, #tpu.memory_space<vmem>>, vector<1x16xf32>,
        %get3A_362 = vector.shape_cast %get3A_361 : vector<1x16xf32> to vector<16xf32>
        %mul3A_363 = vector.broadcast %squeeze3A_358 : f32 to vector<16xf32>
        %mul3A_364 = arith.mulf %get3A_362, %mul3A_363 : vector<16xf32>
        %swap3A_365 = arith.index_cast %add3A_356 : i32 to index
        %swap3A_366 = arith.constant 0 : index
        %swap3A_367 = tpu.vector_load %arg14[%swap3A_365, %swap3A_366] {strides = array<i32>} : memref<128x32xf32, #tpu.memory_space<vmem>>, vector<1x16xf32>,
        %swap3A_368 = vector.shape_cast %swap3A_367 : vector<1x16xf32> to vector<16xf32>
        %swap3A_369 = vector.shape_cast %mul3A_364 : vector<16xf32> to vector<1x16xf32>
        tpu.vector_store %arg14[%swap3A_365, %swap3A_366], %swap3A_369 {strides = array<i32>} : memref<128x32xf32, #tpu.memory_space<vmem>>, vector<1x16xf32>,
        %get3A_370 = arith.index_cast %add3A_356 : i32 to index
        %get3A_371 = arith.constant 16 : index
        %get3A_372 = tpu.vector_load %arg14[%get3A_370, %get3A_371] {strides = array<i32>} : memref<128x32xf32, #tpu.memory_space<vmem>>, vector<1x16xf32>,
        %get3A_373 = vector.shape_cast %get3A_372 : vector<1x16xf32> to vector<16xf32>
        %mul3A_374 = vector.broadcast %squeeze3A_358 : f32 to vector<16xf32>
        %mul3A_375 = arith.mulf %get3A_373, %mul3A_374 : vector<16xf32>
        %swap3A_376 = arith.index_cast %add3A_356 : i32 to index
        %swap3A_377 = arith.constant 16 : index
        %swap3A_378 = tpu.vector_load %arg14[%swap3A_376, %swap3A_377] {strides = array<i32>} : memref<128x32xf32, #tpu.memory_space<vmem>>, vector<1x16xf32>,
        %swap3A_379 = vector.shape_cast %swap3A_378 : vector<1x16xf32> to vector<16xf32>
        %swap3A_380 = vector.shape_cast %mul3A_375 : vector<16xf32> to vector<1x16xf32>
        tpu.vector_store %arg14[%swap3A_376, %swap3A_377], %swap3A_380 {strides = array<i32>} : memref<128x32xf32, #tpu.memory_space<vmem>>, vector<1x16xf32>,
        %mul3A_381 = arith.constant 16 : i32
        %mul3A_382 = arith.muli %scan3A_152, %mul3A_381 : i32
        %add3A_383 = arith.constant 8 : i32
        %add3A_384 = arith.addi %mul3A_382, %add3A_383 : i32
        %slice3A_385 = vector.extract_strided_slice %get3A_158 {offsets = [8], sizes = [1], strides = [1]} : vector<16xf32> to vector<1xf32>
        %squeeze3A_386 = vector.extract %slice3A_385[0] : f32 from vector<1xf32>
        %get3A_387 = arith.index_cast %add3A_384 : i32 to index
        %get3A_388 = arith.constant 0 : index
        %get3A_389 = tpu.vector_load %arg14[%get3A_387, %get3A_388] {strides = array<i32>} : memref<128x32xf32, #tpu.memory_space<vmem>>, vector<1x16xf32>,
        %get3A_390 = vector.shape_cast %get3A_389 : vector<1x16xf32> to vector<16xf32>
        %mul3A_391 = vector.broadcast %squeeze3A_386 : f32 to vector<16xf32>
        %mul3A_392 = arith.mulf %get3A_390, %mul3A_391 : vector<16xf32>
        %swap3A_393 = arith.index_cast %add3A_384 : i32 to index
        %swap3A_394 = arith.constant 0 : index
        %swap3A_395 = tpu.vector_load %arg14[%swap3A_393, %swap3A_394] {strides = array<i32>} : memref<128x32xf32, #tpu.memory_space<vmem>>, vector<1x16xf32>,
        %swap3A_396 = vector.shape_cast %swap3A_395 : vector<1x16xf32> to vector<16xf32>
        %swap3A_397 = vector.shape_cast %mul3A_392 : vector<16xf32> to vector<1x16xf32>
        tpu.vector_store %arg14[%swap3A_393, %swap3A_394], %swap3A_397 {strides = array<i32>} : memref<128x32xf32, #tpu.memory_space<vmem>>, vector<1x16xf32>,
        %get3A_398 = arith.index_cast %add3A_384 : i32 to index
        %get3A_399 = arith.constant 16 : index
        %get3A_400 = tpu.vector_load %arg14[%get3A_398, %get3A_399] {strides = array<i32>} : memref<128x32xf32, #tpu.memory_space<vmem>>, vector<1x16xf32>,
        %get3A_401 = vector.shape_cast %get3A_400 : vector<1x16xf32> to vector<16xf32>
        %mul3A_402 = vector.broadcast %squeeze3A_386 : f32 to vector<16xf32>
        %mul3A_403 = arith.mulf %get3A_401, %mul3A_402 : vector<16xf32>
        %swap3A_404 = arith.index_cast %add3A_384 : i32 to index
        %swap3A_405 = arith.constant 16 : index
        %swap3A_406 = tpu.vector_load %arg14[%swap3A_404, %swap3A_405] {strides = array<i32>} : memref<128x32xf32, #tpu.memory_space<vmem>>, vector<1x16xf32>,
        %swap3A_407 = vector.shape_cast %swap3A_406 : vector<1x16xf32> to vector<16xf32>
        %swap3A_408 = vector.shape_cast %mul3A_403 : vector<16xf32> to vector<1x16xf32>
        tpu.vector_store %arg14[%swap3A_404, %swap3A_405], %swap3A_408 {strides = array<i32>} : memref<128x32xf32, #tpu.memory_space<vmem>>, vector<1x16xf32>,
        %mul3A_409 = arith.constant 16 : i32
        %mul3A_410 = arith.muli %scan3A_152, %mul3A_409 : i32
        %add3A_411 = arith.constant 9 : i32
        %add3A_412 = arith.addi %mul3A_410, %add3A_411 : i32
        %slice3A_413 = vector.extract_strided_slice %get3A_158 {offsets = [9], sizes = [1], strides = [1]} : vector<16xf32> to vector<1xf32>
        %squeeze3A_414 = vector.extract %slice3A_413[0] : f32 from vector<1xf32>
        %get3A_415 = arith.index_cast %add3A_412 : i32 to index
        %get3A_416 = arith.constant 0 : index
        %get3A_417 = tpu.vector_load %arg14[%get3A_415, %get3A_416] {strides = array<i32>} : memref<128x32xf32, #tpu.memory_space<vmem>>, vector<1x16xf32>,
        %get3A_418 = vector.shape_cast %get3A_417 : vector<1x16xf32> to vector<16xf32>
        %mul3A_419 = vector.broadcast %squeeze3A_414 : f32 to vector<16xf32>
        %mul3A_420 = arith.mulf %get3A_418, %mul3A_419 : vector<16xf32>
        %swap3A_421 = arith.index_cast %add3A_412 : i32 to index
        %swap3A_422 = arith.constant 0 : index
        %swap3A_423 = tpu.vector_load %arg14[%swap3A_421, %swap3A_422] {strides = array<i32>} : memref<128x32xf32, #tpu.memory_space<vmem>>, vector<1x16xf32>,
        %swap3A_424 = vector.shape_cast %swap3A_423 : vector<1x16xf32> to vector<16xf32>
        %swap3A_425 = vector.shape_cast %mul3A_420 : vector<16xf32> to vector<1x16xf32>
        tpu.vector_store %arg14[%swap3A_421, %swap3A_422], %swap3A_425 {strides = array<i32>} : memref<128x32xf32, #tpu.memory_space<vmem>>, vector<1x16xf32>,
        %get3A_426 = arith.index_cast %add3A_412 : i32 to index
        %get3A_427 = arith.constant 16 : index
        %get3A_428 = tpu.vector_load %arg14[%get3A_426, %get3A_427] {strides = array<i32>} : memref<128x32xf32, #tpu.memory_space<vmem>>, vector<1x16xf32>,
        %get3A_429 = vector.shape_cast %get3A_428 : vector<1x16xf32> to vector<16xf32>
        %mul3A_430 = vector.broadcast %squeeze3A_414 : f32 to vector<16xf32>
        %mul3A_431 = arith.mulf %get3A_429, %mul3A_430 : vector<16xf32>
        %swap3A_432 = arith.index_cast %add3A_412 : i32 to index
        %swap3A_433 = arith.constant 16 : index
        %swap3A_434 = tpu.vector_load %arg14[%swap3A_432, %swap3A_433] {strides = array<i32>} : memref<128x32xf32, #tpu.memory_space<vmem>>, vector<1x16xf32>,
        %swap3A_435 = vector.shape_cast %swap3A_434 : vector<1x16xf32> to vector<16xf32>
        %swap3A_436 = vector.shape_cast %mul3A_431 : vector<16xf32> to vector<1x16xf32>
        tpu.vector_store %arg14[%swap3A_432, %swap3A_433], %swap3A_436 {strides = array<i32>} : memref<128x32xf32, #tpu.memory_space<vmem>>, vector<1x16xf32>,
        %mul3A_437 = arith.constant 16 : i32
        %mul3A_438 = arith.muli %scan3A_152, %mul3A_437 : i32
        %add3A_439 = arith.constant 10 : i32
        %add3A_440 = arith.addi %mul3A_438, %add3A_439 : i32
        %slice3A_441 = vector.extract_strided_slice %get3A_158 {offsets = [10], sizes = [1], strides = [1]} : vector<16xf32> to vector<1xf32>
        %squeeze3A_442 = vector.extract %slice3A_441[0] : f32 from vector<1xf32>
        %get3A_443 = arith.index_cast %add3A_440 : i32 to index
        %get3A_444 = arith.constant 0 : index
        %get3A_445 = tpu.vector_load %arg14[%get3A_443, %get3A_444] {strides = array<i32>} : memref<128x32xf32, #tpu.memory_space<vmem>>, vector<1x16xf32>,
        %get3A_446 = vector.shape_cast %get3A_445 : vector<1x16xf32> to vector<16xf32>
        %mul3A_447 = vector.broadcast %squeeze3A_442 : f32 to vector<16xf32>
        %mul3A_448 = arith.mulf %get3A_446, %mul3A_447 : vector<16xf32>
        %swap3A_449 = arith.index_cast %add3A_440 : i32 to index
        %swap3A_450 = arith.constant 0 : index
        %swap3A_451 = tpu.vector_load %arg14[%swap3A_449, %swap3A_450] {strides = array<i32>} : memref<128x32xf32, #tpu.memory_space<vmem>>, vector<1x16xf32>,
        %swap3A_452 = vector.shape_cast %swap3A_451 : vector<1x16xf32> to vector<16xf32>
        %swap3A_453 = vector.shape_cast %mul3A_448 : vector<16xf32> to vector<1x16xf32>
        tpu.vector_store %arg14[%swap3A_449, %swap3A_450], %swap3A_453 {strides = array<i32>} : memref<128x32xf32, #tpu.memory_space<vmem>>, vector<1x16xf32>,
        %get3A_454 = arith.index_cast %add3A_440 : i32 to index
        %get3A_455 = arith.constant 16 : index
        %get3A_456 = tpu.vector_load %arg14[%get3A_454, %get3A_455] {strides = array<i32>} : memref<128x32xf32, #tpu.memory_space<vmem>>, vector<1x16xf32>,
        %get3A_457 = vector.shape_cast %get3A_456 : vector<1x16xf32> to vector<16xf32>
        %mul3A_458 = vector.broadcast %squeeze3A_442 : f32 to vector<16xf32>
        %mul3A_459 = arith.mulf %get3A_457, %mul3A_458 : vector<16xf32>
        %swap3A_460 = arith.index_cast %add3A_440 : i32 to index
        %swap3A_461 = arith.constant 16 : index
        %swap3A_462 = tpu.vector_load %arg14[%swap3A_460, %swap3A_461] {strides = array<i32>} : memref<128x32xf32, #tpu.memory_space<vmem>>, vector<1x16xf32>,
        %swap3A_463 = vector.shape_cast %swap3A_462 : vector<1x16xf32> to vector<16xf32>
        %swap3A_464 = vector.shape_cast %mul3A_459 : vector<16xf32> to vector<1x16xf32>
        tpu.vector_store %arg14[%swap3A_460, %swap3A_461], %swap3A_464 {strides = array<i32>} : memref<128x32xf32, #tpu.memory_space<vmem>>, vector<1x16xf32>,
        %mul3A_465 = arith.constant 16 : i32
        %mul3A_466 = arith.muli %scan3A_152, %mul3A_465 : i32
        %add3A_467 = arith.constant 11 : i32
        %add3A_468 = arith.addi %mul3A_466, %add3A_467 : i32
        %slice3A_469 = vector.extract_strided_slice %get3A_158 {offsets = [11], sizes = [1], strides = [1]} : vector<16xf32> to vector<1xf32>
        %squeeze3A_470 = vector.extract %slice3A_469[0] : f32 from vector<1xf32>
        %get3A_471 = arith.index_cast %add3A_468 : i32 to index
        %get3A_472 = arith.constant 0 : index
        %get3A_473 = tpu.vector_load %arg14[%get3A_471, %get3A_472] {strides = array<i32>} : memref<128x32xf32, #tpu.memory_space<vmem>>, vector<1x16xf32>,
        %get3A_474 = vector.shape_cast %get3A_473 : vector<1x16xf32> to vector<16xf32>
        %mul3A_475 = vector.broadcast %squeeze3A_470 : f32 to vector<16xf32>
        %mul3A_476 = arith.mulf %get3A_474, %mul3A_475 : vector<16xf32>
        %swap3A_477 = arith.index_cast %add3A_468 : i32 to index
        %swap3A_478 = arith.constant 0 : index
        %swap3A_479 = tpu.vector_load %arg14[%swap3A_477, %swap3A_478] {strides = array<i32>} : memref<128x32xf32, #tpu.memory_space<vmem>>, vector<1x16xf32>,
        %swap3A_480 = vector.shape_cast %swap3A_479 : vector<1x16xf32> to vector<16xf32>
        %swap3A_481 = vector.shape_cast %mul3A_476 : vector<16xf32> to vector<1x16xf32>
        tpu.vector_store %arg14[%swap3A_477, %swap3A_478], %swap3A_481 {strides = array<i32>} : memref<128x32xf32, #tpu.memory_space<vmem>>, vector<1x16xf32>,
        %get3A_482 = arith.index_cast %add3A_468 : i32 to index
        %get3A_483 = arith.constant 16 : index
        %get3A_484 = tpu.vector_load %arg14[%get3A_482, %get3A_483] {strides = array<i32>} : memref<128x32xf32, #tpu.memory_space<vmem>>, vector<1x16xf32>,
        %get3A_485 = vector.shape_cast %get3A_484 : vector<1x16xf32> to vector<16xf32>
        %mul3A_486 = vector.broadcast %squeeze3A_470 : f32 to vector<16xf32>
        %mul3A_487 = arith.mulf %get3A_485, %mul3A_486 : vector<16xf32>
        %swap3A_488 = arith.index_cast %add3A_468 : i32 to index
        %swap3A_489 = arith.constant 16 : index
        %swap3A_490 = tpu.vector_load %arg14[%swap3A_488, %swap3A_489] {strides = array<i32>} : memref<128x32xf32, #tpu.memory_space<vmem>>, vector<1x16xf32>,
        %swap3A_491 = vector.shape_cast %swap3A_490 : vector<1x16xf32> to vector<16xf32>
        %swap3A_492 = vector.shape_cast %mul3A_487 : vector<16xf32> to vector<1x16xf32>
        tpu.vector_store %arg14[%swap3A_488, %swap3A_489], %swap3A_492 {strides = array<i32>} : memref<128x32xf32, #tpu.memory_space<vmem>>, vector<1x16xf32>,
        %mul3A_493 = arith.constant 16 : i32
        %mul3A_494 = arith.muli %scan3A_152, %mul3A_493 : i32
        %add3A_495 = arith.constant 12 : i32
        %add3A_496 = arith.addi %mul3A_494, %add3A_495 : i32
        %slice3A_497 = vector.extract_strided_slice %get3A_158 {offsets = [12], sizes = [1], strides = [1]} : vector<16xf32> to vector<1xf32>
        %squeeze3A_498 = vector.extract %slice3A_497[0] : f32 from vector<1xf32>
        %get3A_499 = arith.index_cast %add3A_496 : i32 to index
        %get3A_500 = arith.constant 0 : index
        %get3A_501 = tpu.vector_load %arg14[%get3A_499, %get3A_500] {strides = array<i32>} : memref<128x32xf32, #tpu.memory_space<vmem>>, vector<1x16xf32>,
        %get3A_502 = vector.shape_cast %get3A_501 : vector<1x16xf32> to vector<16xf32>
        %mul3A_503 = vector.broadcast %squeeze3A_498 : f32 to vector<16xf32>
        %mul3A_504 = arith.mulf %get3A_502, %mul3A_503 : vector<16xf32>
        %swap3A_505 = arith.index_cast %add3A_496 : i32 to index
        %swap3A_506 = arith.constant 0 : index
        %swap3A_507 = tpu.vector_load %arg14[%swap3A_505, %swap3A_506] {strides = array<i32>} : memref<128x32xf32, #tpu.memory_space<vmem>>, vector<1x16xf32>,
        %swap3A_508 = vector.shape_cast %swap3A_507 : vector<1x16xf32> to vector<16xf32>
        %swap3A_509 = vector.shape_cast %mul3A_504 : vector<16xf32> to vector<1x16xf32>
        tpu.vector_store %arg14[%swap3A_505, %swap3A_506], %swap3A_509 {strides = array<i32>} : memref<128x32xf32, #tpu.memory_space<vmem>>, vector<1x16xf32>,
        %get3A_510 = arith.index_cast %add3A_496 : i32 to index
        %get3A_511 = arith.constant 16 : index
        %get3A_512 = tpu.vector_load %arg14[%get3A_510, %get3A_511] {strides = array<i32>} : memref<128x32xf32, #tpu.memory_space<vmem>>, vector<1x16xf32>,
        %get3A_513 = vector.shape_cast %get3A_512 : vector<1x16xf32> to vector<16xf32>
        %mul3A_514 = vector.broadcast %squeeze3A_498 : f32 to vector<16xf32>
        %mul3A_515 = arith.mulf %get3A_513, %mul3A_514 : vector<16xf32>
        %swap3A_516 = arith.index_cast %add3A_496 : i32 to index
        %swap3A_517 = arith.constant 16 : index
        %swap3A_518 = tpu.vector_load %arg14[%swap3A_516, %swap3A_517] {strides = array<i32>} : memref<128x32xf32, #tpu.memory_space<vmem>>, vector<1x16xf32>,
        %swap3A_519 = vector.shape_cast %swap3A_518 : vector<1x16xf32> to vector<16xf32>
        %swap3A_520 = vector.shape_cast %mul3A_515 : vector<16xf32> to vector<1x16xf32>
        tpu.vector_store %arg14[%swap3A_516, %swap3A_517], %swap3A_520 {strides = array<i32>} : memref<128x32xf32, #tpu.memory_space<vmem>>, vector<1x16xf32>,
        %mul3A_521 = arith.constant 16 : i32
        %mul3A_522 = arith.muli %scan3A_152, %mul3A_521 : i32
        %add3A_523 = arith.constant 13 : i32
        %add3A_524 = arith.addi %mul3A_522, %add3A_523 : i32
        %slice3A_525 = vector.extract_strided_slice %get3A_158 {offsets = [13], sizes = [1], strides = [1]} : vector<16xf32> to vector<1xf32>
        %squeeze3A_526 = vector.extract %slice3A_525[0] : f32 from vector<1xf32>
        %get3A_527 = arith.index_cast %add3A_524 : i32 to index
        %get3A_528 = arith.constant 0 : index
        %get3A_529 = tpu.vector_load %arg14[%get3A_527, %get3A_528] {strides = array<i32>} : memref<128x32xf32, #tpu.memory_space<vmem>>, vector<1x16xf32>,
        %get3A_530 = vector.shape_cast %get3A_529 : vector<1x16xf32> to vector<16xf32>
        %mul3A_531 = vector.broadcast %squeeze3A_526 : f32 to vector<16xf32>
        %mul3A_532 = arith.mulf %get3A_530, %mul3A_531 : vector<16xf32>
        %swap3A_533 = arith.index_cast %add3A_524 : i32 to index
        %swap3A_534 = arith.constant 0 : index
        %swap3A_535 = tpu.vector_load %arg14[%swap3A_533, %swap3A_534] {strides = array<i32>} : memref<128x32xf32, #tpu.memory_space<vmem>>, vector<1x16xf32>,
        %swap3A_536 = vector.shape_cast %swap3A_535 : vector<1x16xf32> to vector<16xf32>
        %swap3A_537 = vector.shape_cast %mul3A_532 : vector<16xf32> to vector<1x16xf32>
        tpu.vector_store %arg14[%swap3A_533, %swap3A_534], %swap3A_537 {strides = array<i32>} : memref<128x32xf32, #tpu.memory_space<vmem>>, vector<1x16xf32>,
        %get3A_538 = arith.index_cast %add3A_524 : i32 to index
        %get3A_539 = arith.constant 16 : index
        %get3A_540 = tpu.vector_load %arg14[%get3A_538, %get3A_539] {strides = array<i32>} : memref<128x32xf32, #tpu.memory_space<vmem>>, vector<1x16xf32>,
        %get3A_541 = vector.shape_cast %get3A_540 : vector<1x16xf32> to vector<16xf32>
        %mul3A_542 = vector.broadcast %squeeze3A_526 : f32 to vector<16xf32>
        %mul3A_543 = arith.mulf %get3A_541, %mul3A_542 : vector<16xf32>
        %swap3A_544 = arith.index_cast %add3A_524 : i32 to index
        %swap3A_545 = arith.constant 16 : index
        %swap3A_546 = tpu.vector_load %arg14[%swap3A_544, %swap3A_545] {strides = array<i32>} : memref<128x32xf32, #tpu.memory_space<vmem>>, vector<1x16xf32>,
        %swap3A_547 = vector.shape_cast %swap3A_546 : vector<1x16xf32> to vector<16xf32>
        %swap3A_548 = vector.shape_cast %mul3A_543 : vector<16xf32> to vector<1x16xf32>
        tpu.vector_store %arg14[%swap3A_544, %swap3A_545], %swap3A_548 {strides = array<i32>} : memref<128x32xf32, #tpu.memory_space<vmem>>, vector<1x16xf32>,
        %mul3A_549 = arith.constant 16 : i32
        %mul3A_550 = arith.muli %scan3A_152, %mul3A_549 : i32
        %add3A_551 = arith.constant 14 : i32
        %add3A_552 = arith.addi %mul3A_550, %add3A_551 : i32
        %slice3A_553 = vector.extract_strided_slice %get3A_158 {offsets = [14], sizes = [1], strides = [1]} : vector<16xf32> to vector<1xf32>
        %squeeze3A_554 = vector.extract %slice3A_553[0] : f32 from vector<1xf32>
        %get3A_555 = arith.index_cast %add3A_552 : i32 to index
        %get3A_556 = arith.constant 0 : index
        %get3A_557 = tpu.vector_load %arg14[%get3A_555, %get3A_556] {strides = array<i32>} : memref<128x32xf32, #tpu.memory_space<vmem>>, vector<1x16xf32>,
        %get3A_558 = vector.shape_cast %get3A_557 : vector<1x16xf32> to vector<16xf32>
        %mul3A_559 = vector.broadcast %squeeze3A_554 : f32 to vector<16xf32>
        %mul3A_560 = arith.mulf %get3A_558, %mul3A_559 : vector<16xf32>
        %swap3A_561 = arith.index_cast %add3A_552 : i32 to index
        %swap3A_562 = arith.constant 0 : index
        %swap3A_563 = tpu.vector_load %arg14[%swap3A_561, %swap3A_562] {strides = array<i32>} : memref<128x32xf32, #tpu.memory_space<vmem>>, vector<1x16xf32>,
        %swap3A_564 = vector.shape_cast %swap3A_563 : vector<1x16xf32> to vector<16xf32>
        %swap3A_565 = vector.shape_cast %mul3A_560 : vector<16xf32> to vector<1x16xf32>
        tpu.vector_store %arg14[%swap3A_561, %swap3A_562], %swap3A_565 {strides = array<i32>} : memref<128x32xf32, #tpu.memory_space<vmem>>, vector<1x16xf32>,
        %get3A_566 = arith.index_cast %add3A_552 : i32 to index
        %get3A_567 = arith.constant 16 : index
        %get3A_568 = tpu.vector_load %arg14[%get3A_566, %get3A_567] {strides = array<i32>} : memref<128x32xf32, #tpu.memory_space<vmem>>, vector<1x16xf32>,
        %get3A_569 = vector.shape_cast %get3A_568 : vector<1x16xf32> to vector<16xf32>
        %mul3A_570 = vector.broadcast %squeeze3A_554 : f32 to vector<16xf32>
        %mul3A_571 = arith.mulf %get3A_569, %mul3A_570 : vector<16xf32>
        %swap3A_572 = arith.index_cast %add3A_552 : i32 to index
        %swap3A_573 = arith.constant 16 : index
        %swap3A_574 = tpu.vector_load %arg14[%swap3A_572, %swap3A_573] {strides = array<i32>} : memref<128x32xf32, #tpu.memory_space<vmem>>, vector<1x16xf32>,
        %swap3A_575 = vector.shape_cast %swap3A_574 : vector<1x16xf32> to vector<16xf32>
        %swap3A_576 = vector.shape_cast %mul3A_571 : vector<16xf32> to vector<1x16xf32>
        tpu.vector_store %arg14[%swap3A_572, %swap3A_573], %swap3A_576 {strides = array<i32>} : memref<128x32xf32, #tpu.memory_space<vmem>>, vector<1x16xf32>,
        %mul3A_577 = arith.constant 16 : i32
        %mul3A_578 = arith.muli %scan3A_152, %mul3A_577 : i32
        %add3A_579 = arith.constant 15 : i32
        %add3A_580 = arith.addi %mul3A_578, %add3A_579 : i32
        %slice3A_581 = vector.extract_strided_slice %get3A_158 {offsets = [15], sizes = [1], strides = [1]} : vector<16xf32> to vector<1xf32>
        %squeeze3A_582 = vector.extract %slice3A_581[0] : f32 from vector<1xf32>
        %get3A_583 = arith.index_cast %add3A_580 : i32 to index
        %get3A_584 = arith.constant 0 : index
        %get3A_585 = tpu.vector_load %arg14[%get3A_583, %get3A_584] {strides = array<i32>} : memref<128x32xf32, #tpu.memory_space<vmem>>, vector<1x16xf32>,
        %get3A_586 = vector.shape_cast %get3A_585 : vector<1x16xf32> to vector<16xf32>
        %mul3A_587 = vector.broadcast %squeeze3A_582 : f32 to vector<16xf32>
        %mul3A_588 = arith.mulf %get3A_586, %mul3A_587 : vector<16xf32>
        %swap3A_589 = arith.index_cast %add3A_580 : i32 to index
        %swap3A_590 = arith.constant 0 : index
        %swap3A_591 = tpu.vector_load %arg14[%swap3A_589, %swap3A_590] {strides = array<i32>} : memref<128x32xf32, #tpu.memory_space<vmem>>, vector<1x16xf32>,
        %swap3A_592 = vector.shape_cast %swap3A_591 : vector<1x16xf32> to vector<16xf32>
        %swap3A_593 = vector.shape_cast %mul3A_588 : vector<16xf32> to vector<1x16xf32>
        tpu.vector_store %arg14[%swap3A_589, %swap3A_590], %swap3A_593 {strides = array<i32>} : memref<128x32xf32, #tpu.memory_space<vmem>>, vector<1x16xf32>,
        %get3A_594 = arith.index_cast %add3A_580 : i32 to index
        %get3A_595 = arith.constant 16 : index
        %get3A_596 = tpu.vector_load %arg14[%get3A_594, %get3A_595] {strides = array<i32>} : memref<128x32xf32, #tpu.memory_space<vmem>>, vector<1x16xf32>,
        %get3A_597 = vector.shape_cast %get3A_596 : vector<1x16xf32> to vector<16xf32>
        %mul3A_598 = vector.broadcast %squeeze3A_582 : f32 to vector<16xf32>
        %mul3A_599 = arith.mulf %get3A_597, %mul3A_598 : vector<16xf32>
        %swap3A_600 = arith.index_cast %add3A_580 : i32 to index
        %swap3A_601 = arith.constant 16 : index
        %swap3A_602 = tpu.vector_load %arg14[%swap3A_600, %swap3A_601] {strides = array<i32>} : memref<128x32xf32, #tpu.memory_space<vmem>>, vector<1x16xf32>,
        %swap3A_603 = vector.shape_cast %swap3A_602 : vector<1x16xf32> to vector<16xf32>
        %swap3A_604 = vector.shape_cast %mul3A_599 : vector<16xf32> to vector<1x16xf32>
        tpu.vector_store %arg14[%swap3A_600, %swap3A_601], %swap3A_604 {strides = array<i32>} : memref<128x32xf32, #tpu.memory_space<vmem>>, vector<1x16xf32>,
        %scan3A_605 = arith.constant 0 : i32
        scf.yield %scan3A_605 : i32
      }
      %scan3A_151 = arith.constant 8 : i32
      "tpu.region"() ({
        %run_scoped3A = tpu.sem_alloc : memref<!tpu.dma_semaphore, #tpu.memory_space<semaphore_mem>>
        %dma_start3A_152 = arith.constant 0 : i32
        %dma_start3A_153 = arith.constant 0 : i32
        %dma_start3A_154 = tpu.memref_slice %arg10[%dma_start3A_152, %dma_start3A_153] : memref<50000x32xf32, #tpu.memory_space<vmem_shared>> -> memref<50000x32xf32, #tpu.memory_space<vmem_shared>>
        tpu.enqueue_indirect_dma source(%arg14 : memref<128x32xf32, #tpu.memory_space<vmem>>) target(%dma_start3A_154 : memref<50000x32xf32, #tpu.memory_space<vmem_shared>>) offsets(%arg11 : memref<128xi32, #tpu.memory_space<vmem>>) semaphore(%run_scoped3A : memref<!tpu.dma_semaphore, #tpu.memory_space<semaphore_mem>>) {add = true}
        %dma_wait3A_155 = arith.constant 0 : i32
        %dma_wait3A_156 = arith.constant 0 : i32
        %dma_wait3A_157 = tpu.memref_slice %arg10[%dma_wait3A_155, %dma_wait3A_156] : memref<50000x32xf32, #tpu.memory_space<vmem_shared>> -> memref<50000x32xf32, #tpu.memory_space<vmem_shared>>
        tpu.wait_indirect_dma semaphore(%run_scoped3A : memref<!tpu.dma_semaphore, #tpu.memory_space<semaphore_mem>>) src(%arg14 : memref<128x32xf32, #tpu.memory_space<vmem>>) dst(%dma_wait3A_157 : memref<50000x32xf32, #tpu.memory_space<vmem_shared>>)
        tpu.yield
      }) : () -> ()
    }
    %scan3A_9 = arith.constant 391 : i32
    %barrier3A_10 = arith.constant 0 : index
    tpu.barrier barrier_id(%barrier3A_10)
    %scan3A_11 = arith.constant 0 : i32
    %scan3A_12 = arith.constant 0 : i32
    %scan3A_13 = arith.constant 25 : i32
    %scan3A_14 = arith.addi %scan3A_12, %scan3A_13 : i32
    %scan3A_15 = arith.constant 1 : i32
    %scan3A_16 = scf.for %scan3A_18 = %scan3A_12 to %scan3A_14 step %scan3A_15 iter_args(%scan3A_19 = %scan3A_11) -> (i32)  : i32 {
      %mul3A_20 = arith.constant 125 : i32
      %mul3A_21 = arith.muli %scan3A_18, %mul3A_20 : i32
      %add3A = arith.addi %mul3A_2, %mul3A_21 : i32
      "tpu.region"() ({
        %run_scoped3A = tpu.sem_alloc : memref<!tpu.dma_semaphore, #tpu.memory_space<semaphore_mem>>
        %dma_start3A = arith.constant 0 : i32
        %dma_start3A_33 = tpu.memref_slice %arg10[%add3A, %dma_start3A] : memref<50000x32xf32, #tpu.memory_space<vmem_shared>> -> memref<125x32xf32, #tpu.memory_space<vmem_shared>>
        %dma_start3A_34 = arith.constant 0 : i32
        %dma_start3A_35 = tpu.memref_slice %arg10[%add3A, %dma_start3A_34] : memref<50000x32xf32, #tpu.memory_space<vmem_shared>> -> memref<125x32xf32, #tpu.memory_space<vmem_shared>>
        tpu.enqueue_dma source(%dma_start3A_35 : memref<125x32xf32, #tpu.memory_space<vmem_shared>>) target(%arg15 : memref<125x32xf32, #tpu.memory_space<vmem>>) target_semaphore(%run_scoped3A : memref<!tpu.dma_semaphore, #tpu.memory_space<semaphore_mem>>)
        %dma_wait3A = arith.constant 0 : i32
        %dma_wait3A_36 = tpu.memref_slice %arg10[%add3A, %dma_wait3A] : memref<50000x32xf32, #tpu.memory_space<vmem_shared>> -> memref<125x32xf32, #tpu.memory_space<vmem_shared>>
        %dma_wait3A_37 = arith.constant 0 : i32
        %dma_wait3A_38 = tpu.memref_slice %arg10[%add3A, %dma_wait3A_37] : memref<50000x32xf32, #tpu.memory_space<vmem_shared>> -> memref<125x32xf32, #tpu.memory_space<vmem_shared>>
        tpu.wait_dma2 semaphore(%run_scoped3A : memref<!tpu.dma_semaphore, #tpu.memory_space<semaphore_mem>>) src(%dma_wait3A_38 : memref<125x32xf32, #tpu.memory_space<vmem_shared>>) dst(%arg15 : memref<125x32xf32, #tpu.memory_space<vmem>>)
        tpu.yield
      }) : () -> ()
      %add3A_22 = arith.addi %mul3A_0, %add3A : i32
      "tpu.region"() ({
        %run_scoped3A = tpu.sem_alloc : memref<!tpu.dma_semaphore, #tpu.memory_space<semaphore_mem>>
        %dma_start3A = arith.constant 0 : i32
        %dma_start3A_33 = tpu.memref_slice %arg6[%add3A_22, %dma_start3A] : memref<100000x32xf32, #tpu.memory_space<hbm>> -> memref<125x32xf32, #tpu.memory_space<hbm>>
        %dma_start3A_34 = arith.constant 0 : i32
        %dma_start3A_35 = tpu.memref_slice %arg6[%add3A_22, %dma_start3A_34] : memref<100000x32xf32, #tpu.memory_space<hbm>> -> memref<125x32xf32, #tpu.memory_space<hbm>>
        tpu.enqueue_dma source(%dma_start3A_35 : memref<125x32xf32, #tpu.memory_space<hbm>>) target(%arg16 : memref<125x32xf32, #tpu.memory_space<vmem>>) target_semaphore(%run_scoped3A : memref<!tpu.dma_semaphore, #tpu.memory_space<semaphore_mem>>)
        %dma_wait3A = arith.constant 0 : i32
        %dma_wait3A_36 = tpu.memref_slice %arg6[%add3A_22, %dma_wait3A] : memref<100000x32xf32, #tpu.memory_space<hbm>> -> memref<125x32xf32, #tpu.memory_space<hbm>>
        %dma_wait3A_37 = arith.constant 0 : i32
        %dma_wait3A_38 = tpu.memref_slice %arg6[%add3A_22, %dma_wait3A_37] : memref<100000x32xf32, #tpu.memory_space<hbm>> -> memref<125x32xf32, #tpu.memory_space<hbm>>
        tpu.wait_dma2 semaphore(%run_scoped3A : memref<!tpu.dma_semaphore, #tpu.memory_space<semaphore_mem>>) src(%dma_wait3A_38 : memref<125x32xf32, #tpu.memory_space<hbm>>) dst(%arg16 : memref<125x32xf32, #tpu.memory_space<vmem>>)
        tpu.yield
      }) : () -> ()
      %scan3A_23 = arith.constant 0 : i32
      %scan3A_24 = arith.constant 0 : i32
      %scan3A_25 = arith.constant 125 : i32
      %scan3A_26 = arith.addi %scan3A_24, %scan3A_25 : i32
      %scan3A_27 = arith.constant 1 : i32
      %scan3A_28 = scf.for %scan3A_33 = %scan3A_24 to %scan3A_26 step %scan3A_27 iter_args(%scan3A_34 = %scan3A_23) -> (i32)  : i32 {
        %get3A = arith.index_cast %scan3A_33 : i32 to index
        %get3A_35 = arith.constant 0 : index
        %get3A_36 = tpu.vector_load %arg16[%get3A, %get3A_35] {strides = array<i32>} : memref<125x32xf32, #tpu.memory_space<vmem>>, vector<1x16xf32>,
        %get3A_37 = vector.shape_cast %get3A_36 : vector<1x16xf32> to vector<16xf32>
        %get3A_38 = arith.index_cast %scan3A_33 : i32 to index
        %get3A_39 = arith.constant 0 : index
        %get3A_40 = tpu.vector_load %arg15[%get3A_38, %get3A_39] {strides = array<i32>} : memref<125x32xf32, #tpu.memory_space<vmem>>, vector<1x16xf32>,
        %get3A_41 = vector.shape_cast %get3A_40 : vector<1x16xf32> to vector<16xf32>
        %add3A_42 = arith.addf %get3A_37, %get3A_41 : vector<16xf32>
        %mul3A_43 = arith.constant 1.000000e+00 : f32
        %mul3A_44 = vector.broadcast %mul3A_43 : f32 to vector<16xf32>
        %mul3A_45 = arith.mulf %add3A_42, %mul3A_44 : vector<16xf32>
        %swap3A = arith.index_cast %scan3A_33 : i32 to index
        %swap3A_46 = arith.constant 0 : index
        %swap3A_47 = tpu.vector_load %arg16[%swap3A, %swap3A_46] {strides = array<i32>} : memref<125x32xf32, #tpu.memory_space<vmem>>, vector<1x16xf32>,
        %swap3A_48 = vector.shape_cast %swap3A_47 : vector<1x16xf32> to vector<16xf32>
        %swap3A_49 = vector.shape_cast %mul3A_45 : vector<16xf32> to vector<1x16xf32>
        tpu.vector_store %arg16[%swap3A, %swap3A_46], %swap3A_49 {strides = array<i32>} : memref<125x32xf32, #tpu.memory_space<vmem>>, vector<1x16xf32>,
        %get3A_50 = arith.index_cast %scan3A_33 : i32 to index
        %get3A_51 = arith.constant 16 : index
        %get3A_52 = tpu.vector_load %arg16[%get3A_50, %get3A_51] {strides = array<i32>} : memref<125x32xf32, #tpu.memory_space<vmem>>, vector<1x16xf32>,
        %get3A_53 = vector.shape_cast %get3A_52 : vector<1x16xf32> to vector<16xf32>
        %get3A_54 = arith.index_cast %scan3A_33 : i32 to index
        %get3A_55 = arith.constant 16 : index
        %get3A_56 = tpu.vector_load %arg15[%get3A_54, %get3A_55] {strides = array<i32>} : memref<125x32xf32, #tpu.memory_space<vmem>>, vector<1x16xf32>,
        %get3A_57 = vector.shape_cast %get3A_56 : vector<1x16xf32> to vector<16xf32>
        %add3A_58 = arith.addf %get3A_53, %get3A_57 : vector<16xf32>
        %mul3A_59 = arith.constant 1.000000e+00 : f32
        %mul3A_60 = vector.broadcast %mul3A_59 : f32 to vector<16xf32>
        %mul3A_61 = arith.mulf %add3A_58, %mul3A_60 : vector<16xf32>
        %swap3A_62 = arith.index_cast %scan3A_33 : i32 to index
        %swap3A_63 = arith.constant 16 : index
        %swap3A_64 = tpu.vector_load %arg16[%swap3A_62, %swap3A_63] {strides = array<i32>} : memref<125x32xf32, #tpu.memory_space<vmem>>, vector<1x16xf32>,
        %swap3A_65 = vector.shape_cast %swap3A_64 : vector<1x16xf32> to vector<16xf32>
        %swap3A_66 = vector.shape_cast %mul3A_61 : vector<16xf32> to vector<1x16xf32>
        tpu.vector_store %arg16[%swap3A_62, %swap3A_63], %swap3A_66 {strides = array<i32>} : memref<125x32xf32, #tpu.memory_space<vmem>>, vector<1x16xf32>,
        %scan3A_67 = arith.constant 0 : i32
        scf.yield %scan3A_67 : i32
      }
      %scan3A_29 = arith.constant 125 : i32
      %add3A_30 = arith.addi %mul3A_0, %add3A : i32
      "tpu.region"() ({
        %run_scoped3A = tpu.sem_alloc : memref<!tpu.dma_semaphore, #tpu.memory_space<semaphore_mem>>
        %dma_start3A = arith.constant 0 : i32
        %dma_start3A_33 = tpu.memref_slice %arg8[%add3A_30, %dma_start3A] : memref<100000x32xf32, #tpu.memory_space<hbm>> -> memref<125x32xf32, #tpu.memory_space<hbm>>
        %dma_start3A_34 = arith.constant 0 : i32
        %dma_start3A_35 = tpu.memref_slice %arg8[%add3A_30, %dma_start3A_34] : memref<100000x32xf32, #tpu.memory_space<hbm>> -> memref<125x32xf32, #tpu.memory_space<hbm>>
        tpu.enqueue_dma source(%arg15 : memref<125x32xf32, #tpu.memory_space<vmem>>) target(%dma_start3A_35 : memref<125x32xf32, #tpu.memory_space<hbm>>) target_semaphore(%run_scoped3A : memref<!tpu.dma_semaphore, #tpu.memory_space<semaphore_mem>>)
        %dma_wait3A = arith.constant 0 : i32
        %dma_wait3A_36 = tpu.memref_slice %arg8[%add3A_30, %dma_wait3A] : memref<100000x32xf32, #tpu.memory_space<hbm>> -> memref<125x32xf32, #tpu.memory_space<hbm>>
        %dma_wait3A_37 = arith.constant 0 : i32
        %dma_wait3A_38 = tpu.memref_slice %arg8[%add3A_30, %dma_wait3A_37] : memref<100000x32xf32, #tpu.memory_space<hbm>> -> memref<125x32xf32, #tpu.memory_space<hbm>>
        tpu.wait_dma2 semaphore(%run_scoped3A : memref<!tpu.dma_semaphore, #tpu.memory_space<semaphore_mem>>) src(%arg15 : memref<125x32xf32, #tpu.memory_space<vmem>>) dst(%dma_wait3A_38 : memref<125x32xf32, #tpu.memory_space<hbm>>)
        tpu.yield
      }) : () -> ()
      %add3A_31 = arith.addi %mul3A_0, %add3A : i32
      "tpu.region"() ({
        %run_scoped3A = tpu.sem_alloc : memref<!tpu.dma_semaphore, #tpu.memory_space<semaphore_mem>>
        %dma_start3A = arith.constant 0 : i32
        %dma_start3A_33 = tpu.memref_slice %arg9[%add3A_31, %dma_start3A] : memref<100000x32xf32, #tpu.memory_space<hbm>> -> memref<125x32xf32, #tpu.memory_space<hbm>>
        %dma_start3A_34 = arith.constant 0 : i32
        %dma_start3A_35 = tpu.memref_slice %arg9[%add3A_31, %dma_start3A_34] : memref<100000x32xf32, #tpu.memory_space<hbm>> -> memref<125x32xf32, #tpu.memory_space<hbm>>
        tpu.enqueue_dma source(%arg16 : memref<125x32xf32, #tpu.memory_space<vmem>>) target(%dma_start3A_35 : memref<125x32xf32, #tpu.memory_space<hbm>>) target_semaphore(%run_scoped3A : memref<!tpu.dma_semaphore, #tpu.memory_space<semaphore_mem>>)
        %dma_wait3A = arith.constant 0 : i32
        %dma_wait3A_36 = tpu.memref_slice %arg9[%add3A_31, %dma_wait3A] : memref<100000x32xf32, #tpu.memory_space<hbm>> -> memref<125x32xf32, #tpu.memory_space<hbm>>
        %dma_wait3A_37 = arith.constant 0 : i32
        %dma_wait3A_38 = tpu.memref_slice %arg9[%add3A_31, %dma_wait3A_37] : memref<100000x32xf32, #tpu.memory_space<hbm>> -> memref<125x32xf32, #tpu.memory_space<hbm>>
        tpu.wait_dma2 semaphore(%run_scoped3A : memref<!tpu.dma_semaphore, #tpu.memory_space<semaphore_mem>>) src(%arg16 : memref<125x32xf32, #tpu.memory_space<vmem>>) dst(%dma_wait3A_38 : memref<125x32xf32, #tpu.memory_space<hbm>>)
        tpu.yield
      }) : () -> ()
      %scan3A_32 = arith.constant 0 : i32
      scf.yield %scan3A_32 : i32
    }
    %scan3A_17 = arith.constant 25 : i32
    return
  }
}

#map = affine_map<(d0, d1) -> (0, 0)>
#map1 = affine_map<(d0, d1) -> (0)>
module attributes {stable_mosaic.version = 14 : i64} {
  func.func @lightgcn_layer_m25(%arg0: i32, %arg1: i32, %arg2: memref<100000x32xf32, #tpu.memory_space<hbm>>, %arg3: memref<800768xi32, #tpu.memory_space<hbm>>, %arg4: memref<800768xi32, #tpu.memory_space<hbm>>, %arg5: memref<800768xf32, #tpu.memory_space<hbm>>, %arg6: memref<100000x32xf32, #tpu.memory_space<hbm>>, %arg7: memref<3125x32xf32, #tpu.memory_space<hbm>>, %arg8: memref<100000x32xf32, #tpu.memory_space<hbm>>, %arg9: memref<100000x32xf32, #tpu.memory_space<hbm>>, %arg10: memref<50000x32xf32, #tpu.memory_space<vmem_shared>>, %arg11: memref<128xi32, #tpu.memory_space<vmem>>, %arg12: memref<128xi32, #tpu.memory_space<vmem>>, %arg13: memref<128xf32, #tpu.memory_space<vmem>>, %arg14: memref<128x32xf32, #tpu.memory_space<vmem>>, %arg15: memref<125x32xf32, #tpu.memory_space<vmem>>, %arg16: memref<125x32xf32, #tpu.memory_space<vmem>>, %arg17: memref<!tpu.dma_semaphore, #tpu.memory_space<semaphore_mem>>) attributes {dimension_semantics = [#tpu.dimension_semantics<core_parallel>, #tpu.dimension_semantics<subcore_parallel>], iteration_bounds = array<i64: 2, 16>, scalar_prefetch = 0 : i64, scratch_operands = 8 : i64, tpu.core_type = #tpu.core_type<sc_vector_subcore>, window_params = [{transform_indices = #map}, {transform_indices = #map1}, {transform_indices = #map1}, {transform_indices = #map1}, {transform_indices = #map}, {transform_indices = #map}, {transform_indices = #map}, {transform_indices = #map}]} {
    %mul3A = arith.constant 50000 : i32
    %mul3A_0 = arith.muli %arg0, %mul3A : i32
    %mul3A_1 = arith.constant 3125 : i32
    %mul3A_2 = arith.muli %arg1, %mul3A_1 : i32
    "tpu.region"() ({
      %run_scoped3A = tpu.sem_alloc : memref<!tpu.dma_semaphore, #tpu.memory_space<semaphore_mem>>
      %dma_start3A = arith.constant 0 : i32
      %dma_start3A_18 = tpu.memref_slice %arg10[%mul3A_2, %dma_start3A] : memref<50000x32xf32, #tpu.memory_space<vmem_shared>> -> memref<3125x32xf32, #tpu.memory_space<vmem_shared>>
      tpu.enqueue_dma source(%arg7 : memref<3125x32xf32, #tpu.memory_space<hbm>>) target(%dma_start3A_18 : memref<3125x32xf32, #tpu.memory_space<vmem_shared>>) target_semaphore(%run_scoped3A : memref<!tpu.dma_semaphore, #tpu.memory_space<semaphore_mem>>)
      %dma_wait3A = arith.constant 0 : i32
      %dma_wait3A_19 = tpu.memref_slice %arg10[%mul3A_2, %dma_wait3A] : memref<50000x32xf32, #tpu.memory_space<vmem_shared>> -> memref<3125x32xf32, #tpu.memory_space<vmem_shared>>
      tpu.wait_dma2 semaphore(%run_scoped3A : memref<!tpu.dma_semaphore, #tpu.memory_space<semaphore_mem>>) src(%arg7 : memref<3125x32xf32, #tpu.memory_space<hbm>>) dst(%dma_wait3A_19 : memref<3125x32xf32, #tpu.memory_space<vmem_shared>>)
      tpu.yield
    }) : () -> ()
    %barrier3A = arith.constant 0 : index
    tpu.barrier barrier_id(%barrier3A)
    %mul3A_3 = arith.constant 50048 : i32
    %mul3A_4 = arith.muli %arg1, %mul3A_3 : i32
    %scan3A = arith.constant 0 : i32
    %scan3A_5 = arith.constant 0 : i32
    %scan3A_6 = arith.constant 391 : i32
    %scan3A_7 = arith.addi %scan3A_5, %scan3A_6 : i32
    %scan3A_8 = arith.constant 1 : i32
    scf.for %scan3A_18 = %scan3A_5 to %scan3A_7 step %scan3A_8  : i32 {
      %mul3A_19 = arith.constant 128 : i32
      %mul3A_20 = arith.muli %scan3A_18, %mul3A_19 : i32
      %add3A = arith.addi %mul3A_4, %mul3A_20 : i32
      "tpu.region"() ({
        %run_scoped3A = tpu.sem_alloc : memref<!tpu.dma_semaphore, #tpu.memory_space<semaphore_mem>>
        %dma_start3A_152 = tpu.memref_slice %arg3[%add3A] : memref<800768xi32, #tpu.memory_space<hbm>> -> memref<128xi32, #tpu.memory_space<hbm>>
        %dma_start3A_153 = tpu.memref_slice %arg3[%add3A] : memref<800768xi32, #tpu.memory_space<hbm>> -> memref<128xi32, #tpu.memory_space<hbm>>
        tpu.enqueue_dma source(%dma_start3A_153 : memref<128xi32, #tpu.memory_space<hbm>>) target(%arg11 : memref<128xi32, #tpu.memory_space<vmem>>) target_semaphore(%run_scoped3A : memref<!tpu.dma_semaphore, #tpu.memory_space<semaphore_mem>>)
        %dma_wait3A_154 = tpu.memref_slice %arg3[%add3A] : memref<800768xi32, #tpu.memory_space<hbm>> -> memref<128xi32, #tpu.memory_space<hbm>>
        %dma_wait3A_155 = tpu.memref_slice %arg3[%add3A] : memref<800768xi32, #tpu.memory_space<hbm>> -> memref<128xi32, #tpu.memory_space<hbm>>
        tpu.wait_dma2 semaphore(%run_scoped3A : memref<!tpu.dma_semaphore, #tpu.memory_space<semaphore_mem>>) src(%dma_wait3A_155 : memref<128xi32, #tpu.memory_space<hbm>>) dst(%arg11 : memref<128xi32, #tpu.memory_space<vmem>>)
        tpu.yield
      }) : () -> ()
      "tpu.region"() ({
        %run_scoped3A = tpu.sem_alloc : memref<!tpu.dma_semaphore, #tpu.memory_space<semaphore_mem>>
        %dma_start3A_152 = tpu.memref_slice %arg4[%add3A] : memref<800768xi32, #tpu.memory_space<hbm>> -> memref<128xi32, #tpu.memory_space<hbm>>
        %dma_start3A_153 = tpu.memref_slice %arg4[%add3A] : memref<800768xi32, #tpu.memory_space<hbm>> -> memref<128xi32, #tpu.memory_space<hbm>>
        tpu.enqueue_dma source(%dma_start3A_153 : memref<128xi32, #tpu.memory_space<hbm>>) target(%arg12 : memref<128xi32, #tpu.memory_space<vmem>>) target_semaphore(%run_scoped3A : memref<!tpu.dma_semaphore, #tpu.memory_space<semaphore_mem>>)
        %dma_wait3A_154 = tpu.memref_slice %arg4[%add3A] : memref<800768xi32, #tpu.memory_space<hbm>> -> memref<128xi32, #tpu.memory_space<hbm>>
        %dma_wait3A_155 = tpu.memref_slice %arg4[%add3A] : memref<800768xi32, #tpu.memory_space<hbm>> -> memref<128xi32, #tpu.memory_space<hbm>>
        tpu.wait_dma2 semaphore(%run_scoped3A : memref<!tpu.dma_semaphore, #tpu.memory_space<semaphore_mem>>) src(%dma_wait3A_155 : memref<128xi32, #tpu.memory_space<hbm>>) dst(%arg12 : memref<128xi32, #tpu.memory_space<vmem>>)
        tpu.yield
      }) : () -> ()
      "tpu.region"() ({
        %run_scoped3A = tpu.sem_alloc : memref<!tpu.dma_semaphore, #tpu.memory_space<semaphore_mem>>
        %dma_start3A_152 = tpu.memref_slice %arg5[%add3A] : memref<800768xf32, #tpu.memory_space<hbm>> -> memref<128xf32, #tpu.memory_space<hbm>>
        %dma_start3A_153 = tpu.memref_slice %arg5[%add3A] : memref<800768xf32, #tpu.memory_space<hbm>> -> memref<128xf32, #tpu.memory_space<hbm>>
        tpu.enqueue_dma source(%dma_start3A_153 : memref<128xf32, #tpu.memory_space<hbm>>) target(%arg13 : memref<128xf32, #tpu.memory_space<vmem>>) target_semaphore(%run_scoped3A : memref<!tpu.dma_semaphore, #tpu.memory_space<semaphore_mem>>)
        %dma_wait3A_154 = tpu.memref_slice %arg5[%add3A] : memref<800768xf32, #tpu.memory_space<hbm>> -> memref<128xf32, #tpu.memory_space<hbm>>
        %dma_wait3A_155 = tpu.memref_slice %arg5[%add3A] : memref<800768xf32, #tpu.memory_space<hbm>> -> memref<128xf32, #tpu.memory_space<hbm>>
        tpu.wait_dma2 semaphore(%run_scoped3A : memref<!tpu.dma_semaphore, #tpu.memory_space<semaphore_mem>>) src(%dma_wait3A_155 : memref<128xf32, #tpu.memory_space<hbm>>) dst(%arg13 : memref<128xf32, #tpu.memory_space<vmem>>)
        tpu.yield
      }) : () -> ()
      %scan3A_21 = arith.constant 0 : i32
      %scan3A_22 = arith.constant 0 : i32
      %mul3A_23 = arith.constant 16 : i32
      %mul3A_24 = arith.muli %scan3A_22, %mul3A_23 : i32
      %get3A = arith.index_cast %mul3A_24 : i32 to index
      %get3A_25 = tpu.vector_load %arg12[%get3A] {strides = array<i32>} : memref<128xi32, #tpu.memory_space<vmem>>, vector<16xi32>,
      %get3A_26 = vector.shape_cast %get3A_25 : vector<16xi32> to vector<16xi32>
      %add3A_27 = vector.broadcast %mul3A_0 : i32 to vector<16xi32>
      %add3A_28 = arith.addi %get3A_26, %add3A_27 : vector<16xi32>
      %mul3A_29 = arith.constant 16 : i32
      %mul3A_30 = arith.muli %scan3A_22, %mul3A_29 : i32
      %swap3A = arith.index_cast %mul3A_30 : i32 to index
      %swap3A_31 = tpu.vector_load %arg12[%swap3A] {strides = array<i32>} : memref<128xi32, #tpu.memory_space<vmem>>, vector<16xi32>,
      %swap3A_32 = vector.shape_cast %swap3A_31 : vector<16xi32> to vector<16xi32>
      %swap3A_33 = vector.shape_cast %add3A_28 : vector<16xi32> to vector<16xi32>
      tpu.vector_store %arg12[%swap3A], %swap3A_33 {strides = array<i32>} : memref<128xi32, #tpu.memory_space<vmem>>, vector<16xi32>,
      %scan3A_34 = arith.constant 0 : i32
      %scan3A_35 = arith.constant 1 : i32
      %mul3A_36 = arith.constant 16 : i32
      %mul3A_37 = arith.muli %scan3A_35, %mul3A_36 : i32
      %get3A_38 = arith.index_cast %mul3A_37 : i32 to index
      %get3A_39 = tpu.vector_load %arg12[%get3A_38] {strides = array<i32>} : memref<128xi32, #tpu.memory_space<vmem>>, vector<16xi32>,
      %get3A_40 = vector.shape_cast %get3A_39 : vector<16xi32> to vector<16xi32>
      %add3A_41 = vector.broadcast %mul3A_0 : i32 to vector<16xi32>
      %add3A_42 = arith.addi %get3A_40, %add3A_41 : vector<16xi32>
      %mul3A_43 = arith.constant 16 : i32
      %mul3A_44 = arith.muli %scan3A_35, %mul3A_43 : i32
      %swap3A_45 = arith.index_cast %mul3A_44 : i32 to index
      %swap3A_46 = tpu.vector_load %arg12[%swap3A_45] {strides = array<i32>} : memref<128xi32, #tpu.memory_space<vmem>>, vector<16xi32>,
      %swap3A_47 = vector.shape_cast %swap3A_46 : vector<16xi32> to vector<16xi32>
      %swap3A_48 = vector.shape_cast %add3A_42 : vector<16xi32> to vector<16xi32>
      tpu.vector_store %arg12[%swap3A_45], %swap3A_48 {strides = array<i32>} : memref<128xi32, #tpu.memory_space<vmem>>, vector<16xi32>,
      %scan3A_49 = arith.constant 0 : i32
      %scan3A_50 = arith.constant 2 : i32
      %mul3A_51 = arith.constant 16 : i32
      %mul3A_52 = arith.muli %scan3A_50, %mul3A_51 : i32
      %get3A_53 = arith.index_cast %mul3A_52 : i32 to index
      %get3A_54 = tpu.vector_load %arg12[%get3A_53] {strides = array<i32>} : memref<128xi32, #tpu.memory_space<vmem>>, vector<16xi32>,
      %get3A_55 = vector.shape_cast %get3A_54 : vector<16xi32> to vector<16xi32>
      %add3A_56 = vector.broadcast %mul3A_0 : i32 to vector<16xi32>
      %add3A_57 = arith.addi %get3A_55, %add3A_56 : vector<16xi32>
      %mul3A_58 = arith.constant 16 : i32
      %mul3A_59 = arith.muli %scan3A_50, %mul3A_58 : i32
      %swap3A_60 = arith.index_cast %mul3A_59 : i32 to index
      %swap3A_61 = tpu.vector_load %arg12[%swap3A_60] {strides = array<i32>} : memref<128xi32, #tpu.memory_space<vmem>>, vector<16xi32>,
      %swap3A_62 = vector.shape_cast %swap3A_61 : vector<16xi32> to vector<16xi32>
      %swap3A_63 = vector.shape_cast %add3A_57 : vector<16xi32> to vector<16xi32>
      tpu.vector_store %arg12[%swap3A_60], %swap3A_63 {strides = array<i32>} : memref<128xi32, #tpu.memory_space<vmem>>, vector<16xi32>,
      %scan3A_64 = arith.constant 0 : i32
      %scan3A_65 = arith.constant 3 : i32
      %mul3A_66 = arith.constant 16 : i32
      %mul3A_67 = arith.muli %scan3A_65, %mul3A_66 : i32
      %get3A_68 = arith.index_cast %mul3A_67 : i32 to index
      %get3A_69 = tpu.vector_load %arg12[%get3A_68] {strides = array<i32>} : memref<128xi32, #tpu.memory_space<vmem>>, vector<16xi32>,
      %get3A_70 = vector.shape_cast %get3A_69 : vector<16xi32> to vector<16xi32>
      %add3A_71 = vector.broadcast %mul3A_0 : i32 to vector<16xi32>
      %add3A_72 = arith.addi %get3A_70, %add3A_71 : vector<16xi32>
      %mul3A_73 = arith.constant 16 : i32
      %mul3A_74 = arith.muli %scan3A_65, %mul3A_73 : i32
      %swap3A_75 = arith.index_cast %mul3A_74 : i32 to index
      %swap3A_76 = tpu.vector_load %arg12[%swap3A_75] {strides = array<i32>} : memref<128xi32, #tpu.memory_space<vmem>>, vector<16xi32>,
      %swap3A_77 = vector.shape_cast %swap3A_76 : vector<16xi32> to vector<16xi32>
      %swap3A_78 = vector.shape_cast %add3A_72 : vector<16xi32> to vector<16xi32>
      tpu.vector_store %arg12[%swap3A_75], %swap3A_78 {strides = array<i32>} : memref<128xi32, #tpu.memory_space<vmem>>, vector<16xi32>,
      %scan3A_79 = arith.constant 0 : i32
      %scan3A_80 = arith.constant 4 : i32
      %mul3A_81 = arith.constant 16 : i32
      %mul3A_82 = arith.muli %scan3A_80, %mul3A_81 : i32
      %get3A_83 = arith.index_cast %mul3A_82 : i32 to index
      %get3A_84 = tpu.vector_load %arg12[%get3A_83] {strides = array<i32>} : memref<128xi32, #tpu.memory_space<vmem>>, vector<16xi32>,
      %get3A_85 = vector.shape_cast %get3A_84 : vector<16xi32> to vector<16xi32>
      %add3A_86 = vector.broadcast %mul3A_0 : i32 to vector<16xi32>
      %add3A_87 = arith.addi %get3A_85, %add3A_86 : vector<16xi32>
      %mul3A_88 = arith.constant 16 : i32
      %mul3A_89 = arith.muli %scan3A_80, %mul3A_88 : i32
      %swap3A_90 = arith.index_cast %mul3A_89 : i32 to index
      %swap3A_91 = tpu.vector_load %arg12[%swap3A_90] {strides = array<i32>} : memref<128xi32, #tpu.memory_space<vmem>>, vector<16xi32>,
      %swap3A_92 = vector.shape_cast %swap3A_91 : vector<16xi32> to vector<16xi32>
      %swap3A_93 = vector.shape_cast %add3A_87 : vector<16xi32> to vector<16xi32>
      tpu.vector_store %arg12[%swap3A_90], %swap3A_93 {strides = array<i32>} : memref<128xi32, #tpu.memory_space<vmem>>, vector<16xi32>,
      %scan3A_94 = arith.constant 0 : i32
      %scan3A_95 = arith.constant 5 : i32
      %mul3A_96 = arith.constant 16 : i32
      %mul3A_97 = arith.muli %scan3A_95, %mul3A_96 : i32
      %get3A_98 = arith.index_cast %mul3A_97 : i32 to index
      %get3A_99 = tpu.vector_load %arg12[%get3A_98] {strides = array<i32>} : memref<128xi32, #tpu.memory_space<vmem>>, vector<16xi32>,
      %get3A_100 = vector.shape_cast %get3A_99 : vector<16xi32> to vector<16xi32>
      %add3A_101 = vector.broadcast %mul3A_0 : i32 to vector<16xi32>
      %add3A_102 = arith.addi %get3A_100, %add3A_101 : vector<16xi32>
      %mul3A_103 = arith.constant 16 : i32
      %mul3A_104 = arith.muli %scan3A_95, %mul3A_103 : i32
      %swap3A_105 = arith.index_cast %mul3A_104 : i32 to index
      %swap3A_106 = tpu.vector_load %arg12[%swap3A_105] {strides = array<i32>} : memref<128xi32, #tpu.memory_space<vmem>>, vector<16xi32>,
      %swap3A_107 = vector.shape_cast %swap3A_106 : vector<16xi32> to vector<16xi32>
      %swap3A_108 = vector.shape_cast %add3A_102 : vector<16xi32> to vector<16xi32>
      tpu.vector_store %arg12[%swap3A_105], %swap3A_108 {strides = array<i32>} : memref<128xi32, #tpu.memory_space<vmem>>, vector<16xi32>,
      %scan3A_109 = arith.constant 0 : i32
      %scan3A_110 = arith.constant 6 : i32
      %mul3A_111 = arith.constant 16 : i32
      %mul3A_112 = arith.muli %scan3A_110, %mul3A_111 : i32
      %get3A_113 = arith.index_cast %mul3A_112 : i32 to index
      %get3A_114 = tpu.vector_load %arg12[%get3A_113] {strides = array<i32>} : memref<128xi32, #tpu.memory_space<vmem>>, vector<16xi32>,
      %get3A_115 = vector.shape_cast %get3A_114 : vector<16xi32> to vector<16xi32>
      %add3A_116 = vector.broadcast %mul3A_0 : i32 to vector<16xi32>
      %add3A_117 = arith.addi %get3A_115, %add3A_116 : vector<16xi32>
      %mul3A_118 = arith.constant 16 : i32
      %mul3A_119 = arith.muli %scan3A_110, %mul3A_118 : i32
      %swap3A_120 = arith.index_cast %mul3A_119 : i32 to index
      %swap3A_121 = tpu.vector_load %arg12[%swap3A_120] {strides = array<i32>} : memref<128xi32, #tpu.memory_space<vmem>>, vector<16xi32>,
      %swap3A_122 = vector.shape_cast %swap3A_121 : vector<16xi32> to vector<16xi32>
      %swap3A_123 = vector.shape_cast %add3A_117 : vector<16xi32> to vector<16xi32>
      tpu.vector_store %arg12[%swap3A_120], %swap3A_123 {strides = array<i32>} : memref<128xi32, #tpu.memory_space<vmem>>, vector<16xi32>,
      %scan3A_124 = arith.constant 0 : i32
      %scan3A_125 = arith.constant 7 : i32
      %mul3A_126 = arith.constant 16 : i32
      %mul3A_127 = arith.muli %scan3A_125, %mul3A_126 : i32
      %get3A_128 = arith.index_cast %mul3A_127 : i32 to index
      %get3A_129 = tpu.vector_load %arg12[%get3A_128] {strides = array<i32>} : memref<128xi32, #tpu.memory_space<vmem>>, vector<16xi32>,
      %get3A_130 = vector.shape_cast %get3A_129 : vector<16xi32> to vector<16xi32>
      %add3A_131 = vector.broadcast %mul3A_0 : i32 to vector<16xi32>
      %add3A_132 = arith.addi %get3A_130, %add3A_131 : vector<16xi32>
      %mul3A_133 = arith.constant 16 : i32
      %mul3A_134 = arith.muli %scan3A_125, %mul3A_133 : i32
      %swap3A_135 = arith.index_cast %mul3A_134 : i32 to index
      %swap3A_136 = tpu.vector_load %arg12[%swap3A_135] {strides = array<i32>} : memref<128xi32, #tpu.memory_space<vmem>>, vector<16xi32>,
      %swap3A_137 = vector.shape_cast %swap3A_136 : vector<16xi32> to vector<16xi32>
      %swap3A_138 = vector.shape_cast %add3A_132 : vector<16xi32> to vector<16xi32>
      tpu.vector_store %arg12[%swap3A_135], %swap3A_138 {strides = array<i32>} : memref<128xi32, #tpu.memory_space<vmem>>, vector<16xi32>,
      %scan3A_139 = arith.constant 0 : i32
      %scan3A_140 = arith.constant 8 : i32
      %dma_start3A = arith.constant 0 : i32
      %dma_start3A_141 = arith.constant 0 : i32
      %dma_start3A_142 = tpu.memref_slice %arg2[%dma_start3A, %dma_start3A_141] : memref<100000x32xf32, #tpu.memory_space<hbm>> -> memref<100000x32xf32, #tpu.memory_space<hbm>>
      tpu.enqueue_indirect_dma source(%dma_start3A_142 : memref<100000x32xf32, #tpu.memory_space<hbm>>) target(%arg14 : memref<128x32xf32, #tpu.memory_space<vmem>>) offsets(%arg12 : memref<128xi32, #tpu.memory_space<vmem>>) semaphore(%arg17 : memref<!tpu.dma_semaphore, #tpu.memory_space<semaphore_mem>>)
      %dma_wait3A = arith.constant 0 : i32
      %dma_wait3A_143 = arith.constant 0 : i32
      %dma_wait3A_144 = tpu.memref_slice %arg2[%dma_wait3A, %dma_wait3A_143] : memref<100000x32xf32, #tpu.memory_space<hbm>> -> memref<100000x32xf32, #tpu.memory_space<hbm>>
      tpu.wait_indirect_dma semaphore(%arg17 : memref<!tpu.dma_semaphore, #tpu.memory_space<semaphore_mem>>) src(%dma_wait3A_144 : memref<100000x32xf32, #tpu.memory_space<hbm>>) dst(%arg14 : memref<128x32xf32, #tpu.memory_space<vmem>>)
      %scan3A_145 = arith.constant 0 : i32
      %scan3A_146 = arith.constant 0 : i32
      %scan3A_147 = arith.constant 8 : i32
      %scan3A_148 = arith.addi %scan3A_146, %scan3A_147 : i32
      %scan3A_149 = arith.constant 1 : i32
      %scan3A_150 = scf.for %scan3A_152 = %scan3A_146 to %scan3A_148 step %scan3A_149 iter_args(%scan3A_153 = %scan3A_145) -> (i32)  : i32 {
        %mul3A_154 = arith.constant 16 : i32
        %mul3A_155 = arith.muli %scan3A_152, %mul3A_154 : i32
        %get3A_156 = arith.index_cast %mul3A_155 : i32 to index
        %get3A_157 = tpu.vector_load %arg13[%get3A_156] {strides = array<i32>} : memref<128xf32, #tpu.memory_space<vmem>>, vector<16xf32>,
        %get3A_158 = vector.shape_cast %get3A_157 : vector<16xf32> to vector<16xf32>
        %mul3A_159 = arith.constant 16 : i32
        %mul3A_160 = arith.muli %scan3A_152, %mul3A_159 : i32
        %add3A_161 = arith.constant 0 : i32
        %add3A_162 = arith.addi %mul3A_160, %add3A_161 : i32
        %slice3A = vector.extract_strided_slice %get3A_158 {offsets = [0], sizes = [1], strides = [1]} : vector<16xf32> to vector<1xf32>
        %squeeze3A = vector.extract %slice3A[0] : f32 from vector<1xf32>
        %get3A_163 = arith.index_cast %add3A_162 : i32 to index
        %get3A_164 = arith.constant 0 : index
        %get3A_165 = tpu.vector_load %arg14[%get3A_163, %get3A_164] {strides = array<i32>} : memref<128x32xf32, #tpu.memory_space<vmem>>, vector<1x16xf32>,
        %get3A_166 = vector.shape_cast %get3A_165 : vector<1x16xf32> to vector<16xf32>
        %mul3A_167 = vector.broadcast %squeeze3A : f32 to vector<16xf32>
        %mul3A_168 = arith.mulf %get3A_166, %mul3A_167 : vector<16xf32>
        %swap3A_169 = arith.index_cast %add3A_162 : i32 to index
        %swap3A_170 = arith.constant 0 : index
        %swap3A_171 = tpu.vector_load %arg14[%swap3A_169, %swap3A_170] {strides = array<i32>} : memref<128x32xf32, #tpu.memory_space<vmem>>, vector<1x16xf32>,
        %swap3A_172 = vector.shape_cast %swap3A_171 : vector<1x16xf32> to vector<16xf32>
        %swap3A_173 = vector.shape_cast %mul3A_168 : vector<16xf32> to vector<1x16xf32>
        tpu.vector_store %arg14[%swap3A_169, %swap3A_170], %swap3A_173 {strides = array<i32>} : memref<128x32xf32, #tpu.memory_space<vmem>>, vector<1x16xf32>,
        %get3A_174 = arith.index_cast %add3A_162 : i32 to index
        %get3A_175 = arith.constant 16 : index
        %get3A_176 = tpu.vector_load %arg14[%get3A_174, %get3A_175] {strides = array<i32>} : memref<128x32xf32, #tpu.memory_space<vmem>>, vector<1x16xf32>,
        %get3A_177 = vector.shape_cast %get3A_176 : vector<1x16xf32> to vector<16xf32>
        %mul3A_178 = vector.broadcast %squeeze3A : f32 to vector<16xf32>
        %mul3A_179 = arith.mulf %get3A_177, %mul3A_178 : vector<16xf32>
        %swap3A_180 = arith.index_cast %add3A_162 : i32 to index
        %swap3A_181 = arith.constant 16 : index
        %swap3A_182 = tpu.vector_load %arg14[%swap3A_180, %swap3A_181] {strides = array<i32>} : memref<128x32xf32, #tpu.memory_space<vmem>>, vector<1x16xf32>,
        %swap3A_183 = vector.shape_cast %swap3A_182 : vector<1x16xf32> to vector<16xf32>
        %swap3A_184 = vector.shape_cast %mul3A_179 : vector<16xf32> to vector<1x16xf32>
        tpu.vector_store %arg14[%swap3A_180, %swap3A_181], %swap3A_184 {strides = array<i32>} : memref<128x32xf32, #tpu.memory_space<vmem>>, vector<1x16xf32>,
        %mul3A_185 = arith.constant 16 : i32
        %mul3A_186 = arith.muli %scan3A_152, %mul3A_185 : i32
        %add3A_187 = arith.constant 1 : i32
        %add3A_188 = arith.addi %mul3A_186, %add3A_187 : i32
        %slice3A_189 = vector.extract_strided_slice %get3A_158 {offsets = [1], sizes = [1], strides = [1]} : vector<16xf32> to vector<1xf32>
        %squeeze3A_190 = vector.extract %slice3A_189[0] : f32 from vector<1xf32>
        %get3A_191 = arith.index_cast %add3A_188 : i32 to index
        %get3A_192 = arith.constant 0 : index
        %get3A_193 = tpu.vector_load %arg14[%get3A_191, %get3A_192] {strides = array<i32>} : memref<128x32xf32, #tpu.memory_space<vmem>>, vector<1x16xf32>,
        %get3A_194 = vector.shape_cast %get3A_193 : vector<1x16xf32> to vector<16xf32>
        %mul3A_195 = vector.broadcast %squeeze3A_190 : f32 to vector<16xf32>
        %mul3A_196 = arith.mulf %get3A_194, %mul3A_195 : vector<16xf32>
        %swap3A_197 = arith.index_cast %add3A_188 : i32 to index
        %swap3A_198 = arith.constant 0 : index
        %swap3A_199 = tpu.vector_load %arg14[%swap3A_197, %swap3A_198] {strides = array<i32>} : memref<128x32xf32, #tpu.memory_space<vmem>>, vector<1x16xf32>,
        %swap3A_200 = vector.shape_cast %swap3A_199 : vector<1x16xf32> to vector<16xf32>
        %swap3A_201 = vector.shape_cast %mul3A_196 : vector<16xf32> to vector<1x16xf32>
        tpu.vector_store %arg14[%swap3A_197, %swap3A_198], %swap3A_201 {strides = array<i32>} : memref<128x32xf32, #tpu.memory_space<vmem>>, vector<1x16xf32>,
        %get3A_202 = arith.index_cast %add3A_188 : i32 to index
        %get3A_203 = arith.constant 16 : index
        %get3A_204 = tpu.vector_load %arg14[%get3A_202, %get3A_203] {strides = array<i32>} : memref<128x32xf32, #tpu.memory_space<vmem>>, vector<1x16xf32>,
        %get3A_205 = vector.shape_cast %get3A_204 : vector<1x16xf32> to vector<16xf32>
        %mul3A_206 = vector.broadcast %squeeze3A_190 : f32 to vector<16xf32>
        %mul3A_207 = arith.mulf %get3A_205, %mul3A_206 : vector<16xf32>
        %swap3A_208 = arith.index_cast %add3A_188 : i32 to index
        %swap3A_209 = arith.constant 16 : index
        %swap3A_210 = tpu.vector_load %arg14[%swap3A_208, %swap3A_209] {strides = array<i32>} : memref<128x32xf32, #tpu.memory_space<vmem>>, vector<1x16xf32>,
        %swap3A_211 = vector.shape_cast %swap3A_210 : vector<1x16xf32> to vector<16xf32>
        %swap3A_212 = vector.shape_cast %mul3A_207 : vector<16xf32> to vector<1x16xf32>
        tpu.vector_store %arg14[%swap3A_208, %swap3A_209], %swap3A_212 {strides = array<i32>} : memref<128x32xf32, #tpu.memory_space<vmem>>, vector<1x16xf32>,
        %mul3A_213 = arith.constant 16 : i32
        %mul3A_214 = arith.muli %scan3A_152, %mul3A_213 : i32
        %add3A_215 = arith.constant 2 : i32
        %add3A_216 = arith.addi %mul3A_214, %add3A_215 : i32
        %slice3A_217 = vector.extract_strided_slice %get3A_158 {offsets = [2], sizes = [1], strides = [1]} : vector<16xf32> to vector<1xf32>
        %squeeze3A_218 = vector.extract %slice3A_217[0] : f32 from vector<1xf32>
        %get3A_219 = arith.index_cast %add3A_216 : i32 to index
        %get3A_220 = arith.constant 0 : index
        %get3A_221 = tpu.vector_load %arg14[%get3A_219, %get3A_220] {strides = array<i32>} : memref<128x32xf32, #tpu.memory_space<vmem>>, vector<1x16xf32>,
        %get3A_222 = vector.shape_cast %get3A_221 : vector<1x16xf32> to vector<16xf32>
        %mul3A_223 = vector.broadcast %squeeze3A_218 : f32 to vector<16xf32>
        %mul3A_224 = arith.mulf %get3A_222, %mul3A_223 : vector<16xf32>
        %swap3A_225 = arith.index_cast %add3A_216 : i32 to index
        %swap3A_226 = arith.constant 0 : index
        %swap3A_227 = tpu.vector_load %arg14[%swap3A_225, %swap3A_226] {strides = array<i32>} : memref<128x32xf32, #tpu.memory_space<vmem>>, vector<1x16xf32>,
        %swap3A_228 = vector.shape_cast %swap3A_227 : vector<1x16xf32> to vector<16xf32>
        %swap3A_229 = vector.shape_cast %mul3A_224 : vector<16xf32> to vector<1x16xf32>
        tpu.vector_store %arg14[%swap3A_225, %swap3A_226], %swap3A_229 {strides = array<i32>} : memref<128x32xf32, #tpu.memory_space<vmem>>, vector<1x16xf32>,
        %get3A_230 = arith.index_cast %add3A_216 : i32 to index
        %get3A_231 = arith.constant 16 : index
        %get3A_232 = tpu.vector_load %arg14[%get3A_230, %get3A_231] {strides = array<i32>} : memref<128x32xf32, #tpu.memory_space<vmem>>, vector<1x16xf32>,
        %get3A_233 = vector.shape_cast %get3A_232 : vector<1x16xf32> to vector<16xf32>
        %mul3A_234 = vector.broadcast %squeeze3A_218 : f32 to vector<16xf32>
        %mul3A_235 = arith.mulf %get3A_233, %mul3A_234 : vector<16xf32>
        %swap3A_236 = arith.index_cast %add3A_216 : i32 to index
        %swap3A_237 = arith.constant 16 : index
        %swap3A_238 = tpu.vector_load %arg14[%swap3A_236, %swap3A_237] {strides = array<i32>} : memref<128x32xf32, #tpu.memory_space<vmem>>, vector<1x16xf32>,
        %swap3A_239 = vector.shape_cast %swap3A_238 : vector<1x16xf32> to vector<16xf32>
        %swap3A_240 = vector.shape_cast %mul3A_235 : vector<16xf32> to vector<1x16xf32>
        tpu.vector_store %arg14[%swap3A_236, %swap3A_237], %swap3A_240 {strides = array<i32>} : memref<128x32xf32, #tpu.memory_space<vmem>>, vector<1x16xf32>,
        %mul3A_241 = arith.constant 16 : i32
        %mul3A_242 = arith.muli %scan3A_152, %mul3A_241 : i32
        %add3A_243 = arith.constant 3 : i32
        %add3A_244 = arith.addi %mul3A_242, %add3A_243 : i32
        %slice3A_245 = vector.extract_strided_slice %get3A_158 {offsets = [3], sizes = [1], strides = [1]} : vector<16xf32> to vector<1xf32>
        %squeeze3A_246 = vector.extract %slice3A_245[0] : f32 from vector<1xf32>
        %get3A_247 = arith.index_cast %add3A_244 : i32 to index
        %get3A_248 = arith.constant 0 : index
        %get3A_249 = tpu.vector_load %arg14[%get3A_247, %get3A_248] {strides = array<i32>} : memref<128x32xf32, #tpu.memory_space<vmem>>, vector<1x16xf32>,
        %get3A_250 = vector.shape_cast %get3A_249 : vector<1x16xf32> to vector<16xf32>
        %mul3A_251 = vector.broadcast %squeeze3A_246 : f32 to vector<16xf32>
        %mul3A_252 = arith.mulf %get3A_250, %mul3A_251 : vector<16xf32>
        %swap3A_253 = arith.index_cast %add3A_244 : i32 to index
        %swap3A_254 = arith.constant 0 : index
        %swap3A_255 = tpu.vector_load %arg14[%swap3A_253, %swap3A_254] {strides = array<i32>} : memref<128x32xf32, #tpu.memory_space<vmem>>, vector<1x16xf32>,
        %swap3A_256 = vector.shape_cast %swap3A_255 : vector<1x16xf32> to vector<16xf32>
        %swap3A_257 = vector.shape_cast %mul3A_252 : vector<16xf32> to vector<1x16xf32>
        tpu.vector_store %arg14[%swap3A_253, %swap3A_254], %swap3A_257 {strides = array<i32>} : memref<128x32xf32, #tpu.memory_space<vmem>>, vector<1x16xf32>,
        %get3A_258 = arith.index_cast %add3A_244 : i32 to index
        %get3A_259 = arith.constant 16 : index
        %get3A_260 = tpu.vector_load %arg14[%get3A_258, %get3A_259] {strides = array<i32>} : memref<128x32xf32, #tpu.memory_space<vmem>>, vector<1x16xf32>,
        %get3A_261 = vector.shape_cast %get3A_260 : vector<1x16xf32> to vector<16xf32>
        %mul3A_262 = vector.broadcast %squeeze3A_246 : f32 to vector<16xf32>
        %mul3A_263 = arith.mulf %get3A_261, %mul3A_262 : vector<16xf32>
        %swap3A_264 = arith.index_cast %add3A_244 : i32 to index
        %swap3A_265 = arith.constant 16 : index
        %swap3A_266 = tpu.vector_load %arg14[%swap3A_264, %swap3A_265] {strides = array<i32>} : memref<128x32xf32, #tpu.memory_space<vmem>>, vector<1x16xf32>,
        %swap3A_267 = vector.shape_cast %swap3A_266 : vector<1x16xf32> to vector<16xf32>
        %swap3A_268 = vector.shape_cast %mul3A_263 : vector<16xf32> to vector<1x16xf32>
        tpu.vector_store %arg14[%swap3A_264, %swap3A_265], %swap3A_268 {strides = array<i32>} : memref<128x32xf32, #tpu.memory_space<vmem>>, vector<1x16xf32>,
        %mul3A_269 = arith.constant 16 : i32
        %mul3A_270 = arith.muli %scan3A_152, %mul3A_269 : i32
        %add3A_271 = arith.constant 4 : i32
        %add3A_272 = arith.addi %mul3A_270, %add3A_271 : i32
        %slice3A_273 = vector.extract_strided_slice %get3A_158 {offsets = [4], sizes = [1], strides = [1]} : vector<16xf32> to vector<1xf32>
        %squeeze3A_274 = vector.extract %slice3A_273[0] : f32 from vector<1xf32>
        %get3A_275 = arith.index_cast %add3A_272 : i32 to index
        %get3A_276 = arith.constant 0 : index
        %get3A_277 = tpu.vector_load %arg14[%get3A_275, %get3A_276] {strides = array<i32>} : memref<128x32xf32, #tpu.memory_space<vmem>>, vector<1x16xf32>,
        %get3A_278 = vector.shape_cast %get3A_277 : vector<1x16xf32> to vector<16xf32>
        %mul3A_279 = vector.broadcast %squeeze3A_274 : f32 to vector<16xf32>
        %mul3A_280 = arith.mulf %get3A_278, %mul3A_279 : vector<16xf32>
        %swap3A_281 = arith.index_cast %add3A_272 : i32 to index
        %swap3A_282 = arith.constant 0 : index
        %swap3A_283 = tpu.vector_load %arg14[%swap3A_281, %swap3A_282] {strides = array<i32>} : memref<128x32xf32, #tpu.memory_space<vmem>>, vector<1x16xf32>,
        %swap3A_284 = vector.shape_cast %swap3A_283 : vector<1x16xf32> to vector<16xf32>
        %swap3A_285 = vector.shape_cast %mul3A_280 : vector<16xf32> to vector<1x16xf32>
        tpu.vector_store %arg14[%swap3A_281, %swap3A_282], %swap3A_285 {strides = array<i32>} : memref<128x32xf32, #tpu.memory_space<vmem>>, vector<1x16xf32>,
        %get3A_286 = arith.index_cast %add3A_272 : i32 to index
        %get3A_287 = arith.constant 16 : index
        %get3A_288 = tpu.vector_load %arg14[%get3A_286, %get3A_287] {strides = array<i32>} : memref<128x32xf32, #tpu.memory_space<vmem>>, vector<1x16xf32>,
        %get3A_289 = vector.shape_cast %get3A_288 : vector<1x16xf32> to vector<16xf32>
        %mul3A_290 = vector.broadcast %squeeze3A_274 : f32 to vector<16xf32>
        %mul3A_291 = arith.mulf %get3A_289, %mul3A_290 : vector<16xf32>
        %swap3A_292 = arith.index_cast %add3A_272 : i32 to index
        %swap3A_293 = arith.constant 16 : index
        %swap3A_294 = tpu.vector_load %arg14[%swap3A_292, %swap3A_293] {strides = array<i32>} : memref<128x32xf32, #tpu.memory_space<vmem>>, vector<1x16xf32>,
        %swap3A_295 = vector.shape_cast %swap3A_294 : vector<1x16xf32> to vector<16xf32>
        %swap3A_296 = vector.shape_cast %mul3A_291 : vector<16xf32> to vector<1x16xf32>
        tpu.vector_store %arg14[%swap3A_292, %swap3A_293], %swap3A_296 {strides = array<i32>} : memref<128x32xf32, #tpu.memory_space<vmem>>, vector<1x16xf32>,
        %mul3A_297 = arith.constant 16 : i32
        %mul3A_298 = arith.muli %scan3A_152, %mul3A_297 : i32
        %add3A_299 = arith.constant 5 : i32
        %add3A_300 = arith.addi %mul3A_298, %add3A_299 : i32
        %slice3A_301 = vector.extract_strided_slice %get3A_158 {offsets = [5], sizes = [1], strides = [1]} : vector<16xf32> to vector<1xf32>
        %squeeze3A_302 = vector.extract %slice3A_301[0] : f32 from vector<1xf32>
        %get3A_303 = arith.index_cast %add3A_300 : i32 to index
        %get3A_304 = arith.constant 0 : index
        %get3A_305 = tpu.vector_load %arg14[%get3A_303, %get3A_304] {strides = array<i32>} : memref<128x32xf32, #tpu.memory_space<vmem>>, vector<1x16xf32>,
        %get3A_306 = vector.shape_cast %get3A_305 : vector<1x16xf32> to vector<16xf32>
        %mul3A_307 = vector.broadcast %squeeze3A_302 : f32 to vector<16xf32>
        %mul3A_308 = arith.mulf %get3A_306, %mul3A_307 : vector<16xf32>
        %swap3A_309 = arith.index_cast %add3A_300 : i32 to index
        %swap3A_310 = arith.constant 0 : index
        %swap3A_311 = tpu.vector_load %arg14[%swap3A_309, %swap3A_310] {strides = array<i32>} : memref<128x32xf32, #tpu.memory_space<vmem>>, vector<1x16xf32>,
        %swap3A_312 = vector.shape_cast %swap3A_311 : vector<1x16xf32> to vector<16xf32>
        %swap3A_313 = vector.shape_cast %mul3A_308 : vector<16xf32> to vector<1x16xf32>
        tpu.vector_store %arg14[%swap3A_309, %swap3A_310], %swap3A_313 {strides = array<i32>} : memref<128x32xf32, #tpu.memory_space<vmem>>, vector<1x16xf32>,
        %get3A_314 = arith.index_cast %add3A_300 : i32 to index
        %get3A_315 = arith.constant 16 : index
        %get3A_316 = tpu.vector_load %arg14[%get3A_314, %get3A_315] {strides = array<i32>} : memref<128x32xf32, #tpu.memory_space<vmem>>, vector<1x16xf32>,
        %get3A_317 = vector.shape_cast %get3A_316 : vector<1x16xf32> to vector<16xf32>
        %mul3A_318 = vector.broadcast %squeeze3A_302 : f32 to vector<16xf32>
        %mul3A_319 = arith.mulf %get3A_317, %mul3A_318 : vector<16xf32>
        %swap3A_320 = arith.index_cast %add3A_300 : i32 to index
        %swap3A_321 = arith.constant 16 : index
        %swap3A_322 = tpu.vector_load %arg14[%swap3A_320, %swap3A_321] {strides = array<i32>} : memref<128x32xf32, #tpu.memory_space<vmem>>, vector<1x16xf32>,
        %swap3A_323 = vector.shape_cast %swap3A_322 : vector<1x16xf32> to vector<16xf32>
        %swap3A_324 = vector.shape_cast %mul3A_319 : vector<16xf32> to vector<1x16xf32>
        tpu.vector_store %arg14[%swap3A_320, %swap3A_321], %swap3A_324 {strides = array<i32>} : memref<128x32xf32, #tpu.memory_space<vmem>>, vector<1x16xf32>,
        %mul3A_325 = arith.constant 16 : i32
        %mul3A_326 = arith.muli %scan3A_152, %mul3A_325 : i32
        %add3A_327 = arith.constant 6 : i32
        %add3A_328 = arith.addi %mul3A_326, %add3A_327 : i32
        %slice3A_329 = vector.extract_strided_slice %get3A_158 {offsets = [6], sizes = [1], strides = [1]} : vector<16xf32> to vector<1xf32>
        %squeeze3A_330 = vector.extract %slice3A_329[0] : f32 from vector<1xf32>
        %get3A_331 = arith.index_cast %add3A_328 : i32 to index
        %get3A_332 = arith.constant 0 : index
        %get3A_333 = tpu.vector_load %arg14[%get3A_331, %get3A_332] {strides = array<i32>} : memref<128x32xf32, #tpu.memory_space<vmem>>, vector<1x16xf32>,
        %get3A_334 = vector.shape_cast %get3A_333 : vector<1x16xf32> to vector<16xf32>
        %mul3A_335 = vector.broadcast %squeeze3A_330 : f32 to vector<16xf32>
        %mul3A_336 = arith.mulf %get3A_334, %mul3A_335 : vector<16xf32>
        %swap3A_337 = arith.index_cast %add3A_328 : i32 to index
        %swap3A_338 = arith.constant 0 : index
        %swap3A_339 = tpu.vector_load %arg14[%swap3A_337, %swap3A_338] {strides = array<i32>} : memref<128x32xf32, #tpu.memory_space<vmem>>, vector<1x16xf32>,
        %swap3A_340 = vector.shape_cast %swap3A_339 : vector<1x16xf32> to vector<16xf32>
        %swap3A_341 = vector.shape_cast %mul3A_336 : vector<16xf32> to vector<1x16xf32>
        tpu.vector_store %arg14[%swap3A_337, %swap3A_338], %swap3A_341 {strides = array<i32>} : memref<128x32xf32, #tpu.memory_space<vmem>>, vector<1x16xf32>,
        %get3A_342 = arith.index_cast %add3A_328 : i32 to index
        %get3A_343 = arith.constant 16 : index
        %get3A_344 = tpu.vector_load %arg14[%get3A_342, %get3A_343] {strides = array<i32>} : memref<128x32xf32, #tpu.memory_space<vmem>>, vector<1x16xf32>,
        %get3A_345 = vector.shape_cast %get3A_344 : vector<1x16xf32> to vector<16xf32>
        %mul3A_346 = vector.broadcast %squeeze3A_330 : f32 to vector<16xf32>
        %mul3A_347 = arith.mulf %get3A_345, %mul3A_346 : vector<16xf32>
        %swap3A_348 = arith.index_cast %add3A_328 : i32 to index
        %swap3A_349 = arith.constant 16 : index
        %swap3A_350 = tpu.vector_load %arg14[%swap3A_348, %swap3A_349] {strides = array<i32>} : memref<128x32xf32, #tpu.memory_space<vmem>>, vector<1x16xf32>,
        %swap3A_351 = vector.shape_cast %swap3A_350 : vector<1x16xf32> to vector<16xf32>
        %swap3A_352 = vector.shape_cast %mul3A_347 : vector<16xf32> to vector<1x16xf32>
        tpu.vector_store %arg14[%swap3A_348, %swap3A_349], %swap3A_352 {strides = array<i32>} : memref<128x32xf32, #tpu.memory_space<vmem>>, vector<1x16xf32>,
        %mul3A_353 = arith.constant 16 : i32
        %mul3A_354 = arith.muli %scan3A_152, %mul3A_353 : i32
        %add3A_355 = arith.constant 7 : i32
        %add3A_356 = arith.addi %mul3A_354, %add3A_355 : i32
        %slice3A_357 = vector.extract_strided_slice %get3A_158 {offsets = [7], sizes = [1], strides = [1]} : vector<16xf32> to vector<1xf32>
        %squeeze3A_358 = vector.extract %slice3A_357[0] : f32 from vector<1xf32>
        %get3A_359 = arith.index_cast %add3A_356 : i32 to index
        %get3A_360 = arith.constant 0 : index
        %get3A_361 = tpu.vector_load %arg14[%get3A_359, %get3A_360] {strides = array<i32>} : memref<128x32xf32, #tpu.memory_space<vmem>>, vector<1x16xf32>,
        %get3A_362 = vector.shape_cast %get3A_361 : vector<1x16xf32> to vector<16xf32>
        %mul3A_363 = vector.broadcast %squeeze3A_358 : f32 to vector<16xf32>
        %mul3A_364 = arith.mulf %get3A_362, %mul3A_363 : vector<16xf32>
        %swap3A_365 = arith.index_cast %add3A_356 : i32 to index
        %swap3A_366 = arith.constant 0 : index
        %swap3A_367 = tpu.vector_load %arg14[%swap3A_365, %swap3A_366] {strides = array<i32>} : memref<128x32xf32, #tpu.memory_space<vmem>>, vector<1x16xf32>,
        %swap3A_368 = vector.shape_cast %swap3A_367 : vector<1x16xf32> to vector<16xf32>
        %swap3A_369 = vector.shape_cast %mul3A_364 : vector<16xf32> to vector<1x16xf32>
        tpu.vector_store %arg14[%swap3A_365, %swap3A_366], %swap3A_369 {strides = array<i32>} : memref<128x32xf32, #tpu.memory_space<vmem>>, vector<1x16xf32>,
        %get3A_370 = arith.index_cast %add3A_356 : i32 to index
        %get3A_371 = arith.constant 16 : index
        %get3A_372 = tpu.vector_load %arg14[%get3A_370, %get3A_371] {strides = array<i32>} : memref<128x32xf32, #tpu.memory_space<vmem>>, vector<1x16xf32>,
        %get3A_373 = vector.shape_cast %get3A_372 : vector<1x16xf32> to vector<16xf32>
        %mul3A_374 = vector.broadcast %squeeze3A_358 : f32 to vector<16xf32>
        %mul3A_375 = arith.mulf %get3A_373, %mul3A_374 : vector<16xf32>
        %swap3A_376 = arith.index_cast %add3A_356 : i32 to index
        %swap3A_377 = arith.constant 16 : index
        %swap3A_378 = tpu.vector_load %arg14[%swap3A_376, %swap3A_377] {strides = array<i32>} : memref<128x32xf32, #tpu.memory_space<vmem>>, vector<1x16xf32>,
        %swap3A_379 = vector.shape_cast %swap3A_378 : vector<1x16xf32> to vector<16xf32>
        %swap3A_380 = vector.shape_cast %mul3A_375 : vector<16xf32> to vector<1x16xf32>
        tpu.vector_store %arg14[%swap3A_376, %swap3A_377], %swap3A_380 {strides = array<i32>} : memref<128x32xf32, #tpu.memory_space<vmem>>, vector<1x16xf32>,
        %mul3A_381 = arith.constant 16 : i32
        %mul3A_382 = arith.muli %scan3A_152, %mul3A_381 : i32
        %add3A_383 = arith.constant 8 : i32
        %add3A_384 = arith.addi %mul3A_382, %add3A_383 : i32
        %slice3A_385 = vector.extract_strided_slice %get3A_158 {offsets = [8], sizes = [1], strides = [1]} : vector<16xf32> to vector<1xf32>
        %squeeze3A_386 = vector.extract %slice3A_385[0] : f32 from vector<1xf32>
        %get3A_387 = arith.index_cast %add3A_384 : i32 to index
        %get3A_388 = arith.constant 0 : index
        %get3A_389 = tpu.vector_load %arg14[%get3A_387, %get3A_388] {strides = array<i32>} : memref<128x32xf32, #tpu.memory_space<vmem>>, vector<1x16xf32>,
        %get3A_390 = vector.shape_cast %get3A_389 : vector<1x16xf32> to vector<16xf32>
        %mul3A_391 = vector.broadcast %squeeze3A_386 : f32 to vector<16xf32>
        %mul3A_392 = arith.mulf %get3A_390, %mul3A_391 : vector<16xf32>
        %swap3A_393 = arith.index_cast %add3A_384 : i32 to index
        %swap3A_394 = arith.constant 0 : index
        %swap3A_395 = tpu.vector_load %arg14[%swap3A_393, %swap3A_394] {strides = array<i32>} : memref<128x32xf32, #tpu.memory_space<vmem>>, vector<1x16xf32>,
        %swap3A_396 = vector.shape_cast %swap3A_395 : vector<1x16xf32> to vector<16xf32>
        %swap3A_397 = vector.shape_cast %mul3A_392 : vector<16xf32> to vector<1x16xf32>
        tpu.vector_store %arg14[%swap3A_393, %swap3A_394], %swap3A_397 {strides = array<i32>} : memref<128x32xf32, #tpu.memory_space<vmem>>, vector<1x16xf32>,
        %get3A_398 = arith.index_cast %add3A_384 : i32 to index
        %get3A_399 = arith.constant 16 : index
        %get3A_400 = tpu.vector_load %arg14[%get3A_398, %get3A_399] {strides = array<i32>} : memref<128x32xf32, #tpu.memory_space<vmem>>, vector<1x16xf32>,
        %get3A_401 = vector.shape_cast %get3A_400 : vector<1x16xf32> to vector<16xf32>
        %mul3A_402 = vector.broadcast %squeeze3A_386 : f32 to vector<16xf32>
        %mul3A_403 = arith.mulf %get3A_401, %mul3A_402 : vector<16xf32>
        %swap3A_404 = arith.index_cast %add3A_384 : i32 to index
        %swap3A_405 = arith.constant 16 : index
        %swap3A_406 = tpu.vector_load %arg14[%swap3A_404, %swap3A_405] {strides = array<i32>} : memref<128x32xf32, #tpu.memory_space<vmem>>, vector<1x16xf32>,
        %swap3A_407 = vector.shape_cast %swap3A_406 : vector<1x16xf32> to vector<16xf32>
        %swap3A_408 = vector.shape_cast %mul3A_403 : vector<16xf32> to vector<1x16xf32>
        tpu.vector_store %arg14[%swap3A_404, %swap3A_405], %swap3A_408 {strides = array<i32>} : memref<128x32xf32, #tpu.memory_space<vmem>>, vector<1x16xf32>,
        %mul3A_409 = arith.constant 16 : i32
        %mul3A_410 = arith.muli %scan3A_152, %mul3A_409 : i32
        %add3A_411 = arith.constant 9 : i32
        %add3A_412 = arith.addi %mul3A_410, %add3A_411 : i32
        %slice3A_413 = vector.extract_strided_slice %get3A_158 {offsets = [9], sizes = [1], strides = [1]} : vector<16xf32> to vector<1xf32>
        %squeeze3A_414 = vector.extract %slice3A_413[0] : f32 from vector<1xf32>
        %get3A_415 = arith.index_cast %add3A_412 : i32 to index
        %get3A_416 = arith.constant 0 : index
        %get3A_417 = tpu.vector_load %arg14[%get3A_415, %get3A_416] {strides = array<i32>} : memref<128x32xf32, #tpu.memory_space<vmem>>, vector<1x16xf32>,
        %get3A_418 = vector.shape_cast %get3A_417 : vector<1x16xf32> to vector<16xf32>
        %mul3A_419 = vector.broadcast %squeeze3A_414 : f32 to vector<16xf32>
        %mul3A_420 = arith.mulf %get3A_418, %mul3A_419 : vector<16xf32>
        %swap3A_421 = arith.index_cast %add3A_412 : i32 to index
        %swap3A_422 = arith.constant 0 : index
        %swap3A_423 = tpu.vector_load %arg14[%swap3A_421, %swap3A_422] {strides = array<i32>} : memref<128x32xf32, #tpu.memory_space<vmem>>, vector<1x16xf32>,
        %swap3A_424 = vector.shape_cast %swap3A_423 : vector<1x16xf32> to vector<16xf32>
        %swap3A_425 = vector.shape_cast %mul3A_420 : vector<16xf32> to vector<1x16xf32>
        tpu.vector_store %arg14[%swap3A_421, %swap3A_422], %swap3A_425 {strides = array<i32>} : memref<128x32xf32, #tpu.memory_space<vmem>>, vector<1x16xf32>,
        %get3A_426 = arith.index_cast %add3A_412 : i32 to index
        %get3A_427 = arith.constant 16 : index
        %get3A_428 = tpu.vector_load %arg14[%get3A_426, %get3A_427] {strides = array<i32>} : memref<128x32xf32, #tpu.memory_space<vmem>>, vector<1x16xf32>,
        %get3A_429 = vector.shape_cast %get3A_428 : vector<1x16xf32> to vector<16xf32>
        %mul3A_430 = vector.broadcast %squeeze3A_414 : f32 to vector<16xf32>
        %mul3A_431 = arith.mulf %get3A_429, %mul3A_430 : vector<16xf32>
        %swap3A_432 = arith.index_cast %add3A_412 : i32 to index
        %swap3A_433 = arith.constant 16 : index
        %swap3A_434 = tpu.vector_load %arg14[%swap3A_432, %swap3A_433] {strides = array<i32>} : memref<128x32xf32, #tpu.memory_space<vmem>>, vector<1x16xf32>,
        %swap3A_435 = vector.shape_cast %swap3A_434 : vector<1x16xf32> to vector<16xf32>
        %swap3A_436 = vector.shape_cast %mul3A_431 : vector<16xf32> to vector<1x16xf32>
        tpu.vector_store %arg14[%swap3A_432, %swap3A_433], %swap3A_436 {strides = array<i32>} : memref<128x32xf32, #tpu.memory_space<vmem>>, vector<1x16xf32>,
        %mul3A_437 = arith.constant 16 : i32
        %mul3A_438 = arith.muli %scan3A_152, %mul3A_437 : i32
        %add3A_439 = arith.constant 10 : i32
        %add3A_440 = arith.addi %mul3A_438, %add3A_439 : i32
        %slice3A_441 = vector.extract_strided_slice %get3A_158 {offsets = [10], sizes = [1], strides = [1]} : vector<16xf32> to vector<1xf32>
        %squeeze3A_442 = vector.extract %slice3A_441[0] : f32 from vector<1xf32>
        %get3A_443 = arith.index_cast %add3A_440 : i32 to index
        %get3A_444 = arith.constant 0 : index
        %get3A_445 = tpu.vector_load %arg14[%get3A_443, %get3A_444] {strides = array<i32>} : memref<128x32xf32, #tpu.memory_space<vmem>>, vector<1x16xf32>,
        %get3A_446 = vector.shape_cast %get3A_445 : vector<1x16xf32> to vector<16xf32>
        %mul3A_447 = vector.broadcast %squeeze3A_442 : f32 to vector<16xf32>
        %mul3A_448 = arith.mulf %get3A_446, %mul3A_447 : vector<16xf32>
        %swap3A_449 = arith.index_cast %add3A_440 : i32 to index
        %swap3A_450 = arith.constant 0 : index
        %swap3A_451 = tpu.vector_load %arg14[%swap3A_449, %swap3A_450] {strides = array<i32>} : memref<128x32xf32, #tpu.memory_space<vmem>>, vector<1x16xf32>,
        %swap3A_452 = vector.shape_cast %swap3A_451 : vector<1x16xf32> to vector<16xf32>
        %swap3A_453 = vector.shape_cast %mul3A_448 : vector<16xf32> to vector<1x16xf32>
        tpu.vector_store %arg14[%swap3A_449, %swap3A_450], %swap3A_453 {strides = array<i32>} : memref<128x32xf32, #tpu.memory_space<vmem>>, vector<1x16xf32>,
        %get3A_454 = arith.index_cast %add3A_440 : i32 to index
        %get3A_455 = arith.constant 16 : index
        %get3A_456 = tpu.vector_load %arg14[%get3A_454, %get3A_455] {strides = array<i32>} : memref<128x32xf32, #tpu.memory_space<vmem>>, vector<1x16xf32>,
        %get3A_457 = vector.shape_cast %get3A_456 : vector<1x16xf32> to vector<16xf32>
        %mul3A_458 = vector.broadcast %squeeze3A_442 : f32 to vector<16xf32>
        %mul3A_459 = arith.mulf %get3A_457, %mul3A_458 : vector<16xf32>
        %swap3A_460 = arith.index_cast %add3A_440 : i32 to index
        %swap3A_461 = arith.constant 16 : index
        %swap3A_462 = tpu.vector_load %arg14[%swap3A_460, %swap3A_461] {strides = array<i32>} : memref<128x32xf32, #tpu.memory_space<vmem>>, vector<1x16xf32>,
        %swap3A_463 = vector.shape_cast %swap3A_462 : vector<1x16xf32> to vector<16xf32>
        %swap3A_464 = vector.shape_cast %mul3A_459 : vector<16xf32> to vector<1x16xf32>
        tpu.vector_store %arg14[%swap3A_460, %swap3A_461], %swap3A_464 {strides = array<i32>} : memref<128x32xf32, #tpu.memory_space<vmem>>, vector<1x16xf32>,
        %mul3A_465 = arith.constant 16 : i32
        %mul3A_466 = arith.muli %scan3A_152, %mul3A_465 : i32
        %add3A_467 = arith.constant 11 : i32
        %add3A_468 = arith.addi %mul3A_466, %add3A_467 : i32
        %slice3A_469 = vector.extract_strided_slice %get3A_158 {offsets = [11], sizes = [1], strides = [1]} : vector<16xf32> to vector<1xf32>
        %squeeze3A_470 = vector.extract %slice3A_469[0] : f32 from vector<1xf32>
        %get3A_471 = arith.index_cast %add3A_468 : i32 to index
        %get3A_472 = arith.constant 0 : index
        %get3A_473 = tpu.vector_load %arg14[%get3A_471, %get3A_472] {strides = array<i32>} : memref<128x32xf32, #tpu.memory_space<vmem>>, vector<1x16xf32>,
        %get3A_474 = vector.shape_cast %get3A_473 : vector<1x16xf32> to vector<16xf32>
        %mul3A_475 = vector.broadcast %squeeze3A_470 : f32 to vector<16xf32>
        %mul3A_476 = arith.mulf %get3A_474, %mul3A_475 : vector<16xf32>
        %swap3A_477 = arith.index_cast %add3A_468 : i32 to index
        %swap3A_478 = arith.constant 0 : index
        %swap3A_479 = tpu.vector_load %arg14[%swap3A_477, %swap3A_478] {strides = array<i32>} : memref<128x32xf32, #tpu.memory_space<vmem>>, vector<1x16xf32>,
        %swap3A_480 = vector.shape_cast %swap3A_479 : vector<1x16xf32> to vector<16xf32>
        %swap3A_481 = vector.shape_cast %mul3A_476 : vector<16xf32> to vector<1x16xf32>
        tpu.vector_store %arg14[%swap3A_477, %swap3A_478], %swap3A_481 {strides = array<i32>} : memref<128x32xf32, #tpu.memory_space<vmem>>, vector<1x16xf32>,
        %get3A_482 = arith.index_cast %add3A_468 : i32 to index
        %get3A_483 = arith.constant 16 : index
        %get3A_484 = tpu.vector_load %arg14[%get3A_482, %get3A_483] {strides = array<i32>} : memref<128x32xf32, #tpu.memory_space<vmem>>, vector<1x16xf32>,
        %get3A_485 = vector.shape_cast %get3A_484 : vector<1x16xf32> to vector<16xf32>
        %mul3A_486 = vector.broadcast %squeeze3A_470 : f32 to vector<16xf32>
        %mul3A_487 = arith.mulf %get3A_485, %mul3A_486 : vector<16xf32>
        %swap3A_488 = arith.index_cast %add3A_468 : i32 to index
        %swap3A_489 = arith.constant 16 : index
        %swap3A_490 = tpu.vector_load %arg14[%swap3A_488, %swap3A_489] {strides = array<i32>} : memref<128x32xf32, #tpu.memory_space<vmem>>, vector<1x16xf32>,
        %swap3A_491 = vector.shape_cast %swap3A_490 : vector<1x16xf32> to vector<16xf32>
        %swap3A_492 = vector.shape_cast %mul3A_487 : vector<16xf32> to vector<1x16xf32>
        tpu.vector_store %arg14[%swap3A_488, %swap3A_489], %swap3A_492 {strides = array<i32>} : memref<128x32xf32, #tpu.memory_space<vmem>>, vector<1x16xf32>,
        %mul3A_493 = arith.constant 16 : i32
        %mul3A_494 = arith.muli %scan3A_152, %mul3A_493 : i32
        %add3A_495 = arith.constant 12 : i32
        %add3A_496 = arith.addi %mul3A_494, %add3A_495 : i32
        %slice3A_497 = vector.extract_strided_slice %get3A_158 {offsets = [12], sizes = [1], strides = [1]} : vector<16xf32> to vector<1xf32>
        %squeeze3A_498 = vector.extract %slice3A_497[0] : f32 from vector<1xf32>
        %get3A_499 = arith.index_cast %add3A_496 : i32 to index
        %get3A_500 = arith.constant 0 : index
        %get3A_501 = tpu.vector_load %arg14[%get3A_499, %get3A_500] {strides = array<i32>} : memref<128x32xf32, #tpu.memory_space<vmem>>, vector<1x16xf32>,
        %get3A_502 = vector.shape_cast %get3A_501 : vector<1x16xf32> to vector<16xf32>
        %mul3A_503 = vector.broadcast %squeeze3A_498 : f32 to vector<16xf32>
        %mul3A_504 = arith.mulf %get3A_502, %mul3A_503 : vector<16xf32>
        %swap3A_505 = arith.index_cast %add3A_496 : i32 to index
        %swap3A_506 = arith.constant 0 : index
        %swap3A_507 = tpu.vector_load %arg14[%swap3A_505, %swap3A_506] {strides = array<i32>} : memref<128x32xf32, #tpu.memory_space<vmem>>, vector<1x16xf32>,
        %swap3A_508 = vector.shape_cast %swap3A_507 : vector<1x16xf32> to vector<16xf32>
        %swap3A_509 = vector.shape_cast %mul3A_504 : vector<16xf32> to vector<1x16xf32>
        tpu.vector_store %arg14[%swap3A_505, %swap3A_506], %swap3A_509 {strides = array<i32>} : memref<128x32xf32, #tpu.memory_space<vmem>>, vector<1x16xf32>,
        %get3A_510 = arith.index_cast %add3A_496 : i32 to index
        %get3A_511 = arith.constant 16 : index
        %get3A_512 = tpu.vector_load %arg14[%get3A_510, %get3A_511] {strides = array<i32>} : memref<128x32xf32, #tpu.memory_space<vmem>>, vector<1x16xf32>,
        %get3A_513 = vector.shape_cast %get3A_512 : vector<1x16xf32> to vector<16xf32>
        %mul3A_514 = vector.broadcast %squeeze3A_498 : f32 to vector<16xf32>
        %mul3A_515 = arith.mulf %get3A_513, %mul3A_514 : vector<16xf32>
        %swap3A_516 = arith.index_cast %add3A_496 : i32 to index
        %swap3A_517 = arith.constant 16 : index
        %swap3A_518 = tpu.vector_load %arg14[%swap3A_516, %swap3A_517] {strides = array<i32>} : memref<128x32xf32, #tpu.memory_space<vmem>>, vector<1x16xf32>,
        %swap3A_519 = vector.shape_cast %swap3A_518 : vector<1x16xf32> to vector<16xf32>
        %swap3A_520 = vector.shape_cast %mul3A_515 : vector<16xf32> to vector<1x16xf32>
        tpu.vector_store %arg14[%swap3A_516, %swap3A_517], %swap3A_520 {strides = array<i32>} : memref<128x32xf32, #tpu.memory_space<vmem>>, vector<1x16xf32>,
        %mul3A_521 = arith.constant 16 : i32
        %mul3A_522 = arith.muli %scan3A_152, %mul3A_521 : i32
        %add3A_523 = arith.constant 13 : i32
        %add3A_524 = arith.addi %mul3A_522, %add3A_523 : i32
        %slice3A_525 = vector.extract_strided_slice %get3A_158 {offsets = [13], sizes = [1], strides = [1]} : vector<16xf32> to vector<1xf32>
        %squeeze3A_526 = vector.extract %slice3A_525[0] : f32 from vector<1xf32>
        %get3A_527 = arith.index_cast %add3A_524 : i32 to index
        %get3A_528 = arith.constant 0 : index
        %get3A_529 = tpu.vector_load %arg14[%get3A_527, %get3A_528] {strides = array<i32>} : memref<128x32xf32, #tpu.memory_space<vmem>>, vector<1x16xf32>,
        %get3A_530 = vector.shape_cast %get3A_529 : vector<1x16xf32> to vector<16xf32>
        %mul3A_531 = vector.broadcast %squeeze3A_526 : f32 to vector<16xf32>
        %mul3A_532 = arith.mulf %get3A_530, %mul3A_531 : vector<16xf32>
        %swap3A_533 = arith.index_cast %add3A_524 : i32 to index
        %swap3A_534 = arith.constant 0 : index
        %swap3A_535 = tpu.vector_load %arg14[%swap3A_533, %swap3A_534] {strides = array<i32>} : memref<128x32xf32, #tpu.memory_space<vmem>>, vector<1x16xf32>,
        %swap3A_536 = vector.shape_cast %swap3A_535 : vector<1x16xf32> to vector<16xf32>
        %swap3A_537 = vector.shape_cast %mul3A_532 : vector<16xf32> to vector<1x16xf32>
        tpu.vector_store %arg14[%swap3A_533, %swap3A_534], %swap3A_537 {strides = array<i32>} : memref<128x32xf32, #tpu.memory_space<vmem>>, vector<1x16xf32>,
        %get3A_538 = arith.index_cast %add3A_524 : i32 to index
        %get3A_539 = arith.constant 16 : index
        %get3A_540 = tpu.vector_load %arg14[%get3A_538, %get3A_539] {strides = array<i32>} : memref<128x32xf32, #tpu.memory_space<vmem>>, vector<1x16xf32>,
        %get3A_541 = vector.shape_cast %get3A_540 : vector<1x16xf32> to vector<16xf32>
        %mul3A_542 = vector.broadcast %squeeze3A_526 : f32 to vector<16xf32>
        %mul3A_543 = arith.mulf %get3A_541, %mul3A_542 : vector<16xf32>
        %swap3A_544 = arith.index_cast %add3A_524 : i32 to index
        %swap3A_545 = arith.constant 16 : index
        %swap3A_546 = tpu.vector_load %arg14[%swap3A_544, %swap3A_545] {strides = array<i32>} : memref<128x32xf32, #tpu.memory_space<vmem>>, vector<1x16xf32>,
        %swap3A_547 = vector.shape_cast %swap3A_546 : vector<1x16xf32> to vector<16xf32>
        %swap3A_548 = vector.shape_cast %mul3A_543 : vector<16xf32> to vector<1x16xf32>
        tpu.vector_store %arg14[%swap3A_544, %swap3A_545], %swap3A_548 {strides = array<i32>} : memref<128x32xf32, #tpu.memory_space<vmem>>, vector<1x16xf32>,
        %mul3A_549 = arith.constant 16 : i32
        %mul3A_550 = arith.muli %scan3A_152, %mul3A_549 : i32
        %add3A_551 = arith.constant 14 : i32
        %add3A_552 = arith.addi %mul3A_550, %add3A_551 : i32
        %slice3A_553 = vector.extract_strided_slice %get3A_158 {offsets = [14], sizes = [1], strides = [1]} : vector<16xf32> to vector<1xf32>
        %squeeze3A_554 = vector.extract %slice3A_553[0] : f32 from vector<1xf32>
        %get3A_555 = arith.index_cast %add3A_552 : i32 to index
        %get3A_556 = arith.constant 0 : index
        %get3A_557 = tpu.vector_load %arg14[%get3A_555, %get3A_556] {strides = array<i32>} : memref<128x32xf32, #tpu.memory_space<vmem>>, vector<1x16xf32>,
        %get3A_558 = vector.shape_cast %get3A_557 : vector<1x16xf32> to vector<16xf32>
        %mul3A_559 = vector.broadcast %squeeze3A_554 : f32 to vector<16xf32>
        %mul3A_560 = arith.mulf %get3A_558, %mul3A_559 : vector<16xf32>
        %swap3A_561 = arith.index_cast %add3A_552 : i32 to index
        %swap3A_562 = arith.constant 0 : index
        %swap3A_563 = tpu.vector_load %arg14[%swap3A_561, %swap3A_562] {strides = array<i32>} : memref<128x32xf32, #tpu.memory_space<vmem>>, vector<1x16xf32>,
        %swap3A_564 = vector.shape_cast %swap3A_563 : vector<1x16xf32> to vector<16xf32>
        %swap3A_565 = vector.shape_cast %mul3A_560 : vector<16xf32> to vector<1x16xf32>
        tpu.vector_store %arg14[%swap3A_561, %swap3A_562], %swap3A_565 {strides = array<i32>} : memref<128x32xf32, #tpu.memory_space<vmem>>, vector<1x16xf32>,
        %get3A_566 = arith.index_cast %add3A_552 : i32 to index
        %get3A_567 = arith.constant 16 : index
        %get3A_568 = tpu.vector_load %arg14[%get3A_566, %get3A_567] {strides = array<i32>} : memref<128x32xf32, #tpu.memory_space<vmem>>, vector<1x16xf32>,
        %get3A_569 = vector.shape_cast %get3A_568 : vector<1x16xf32> to vector<16xf32>
        %mul3A_570 = vector.broadcast %squeeze3A_554 : f32 to vector<16xf32>
        %mul3A_571 = arith.mulf %get3A_569, %mul3A_570 : vector<16xf32>
        %swap3A_572 = arith.index_cast %add3A_552 : i32 to index
        %swap3A_573 = arith.constant 16 : index
        %swap3A_574 = tpu.vector_load %arg14[%swap3A_572, %swap3A_573] {strides = array<i32>} : memref<128x32xf32, #tpu.memory_space<vmem>>, vector<1x16xf32>,
        %swap3A_575 = vector.shape_cast %swap3A_574 : vector<1x16xf32> to vector<16xf32>
        %swap3A_576 = vector.shape_cast %mul3A_571 : vector<16xf32> to vector<1x16xf32>
        tpu.vector_store %arg14[%swap3A_572, %swap3A_573], %swap3A_576 {strides = array<i32>} : memref<128x32xf32, #tpu.memory_space<vmem>>, vector<1x16xf32>,
        %mul3A_577 = arith.constant 16 : i32
        %mul3A_578 = arith.muli %scan3A_152, %mul3A_577 : i32
        %add3A_579 = arith.constant 15 : i32
        %add3A_580 = arith.addi %mul3A_578, %add3A_579 : i32
        %slice3A_581 = vector.extract_strided_slice %get3A_158 {offsets = [15], sizes = [1], strides = [1]} : vector<16xf32> to vector<1xf32>
        %squeeze3A_582 = vector.extract %slice3A_581[0] : f32 from vector<1xf32>
        %get3A_583 = arith.index_cast %add3A_580 : i32 to index
        %get3A_584 = arith.constant 0 : index
        %get3A_585 = tpu.vector_load %arg14[%get3A_583, %get3A_584] {strides = array<i32>} : memref<128x32xf32, #tpu.memory_space<vmem>>, vector<1x16xf32>,
        %get3A_586 = vector.shape_cast %get3A_585 : vector<1x16xf32> to vector<16xf32>
        %mul3A_587 = vector.broadcast %squeeze3A_582 : f32 to vector<16xf32>
        %mul3A_588 = arith.mulf %get3A_586, %mul3A_587 : vector<16xf32>
        %swap3A_589 = arith.index_cast %add3A_580 : i32 to index
        %swap3A_590 = arith.constant 0 : index
        %swap3A_591 = tpu.vector_load %arg14[%swap3A_589, %swap3A_590] {strides = array<i32>} : memref<128x32xf32, #tpu.memory_space<vmem>>, vector<1x16xf32>,
        %swap3A_592 = vector.shape_cast %swap3A_591 : vector<1x16xf32> to vector<16xf32>
        %swap3A_593 = vector.shape_cast %mul3A_588 : vector<16xf32> to vector<1x16xf32>
        tpu.vector_store %arg14[%swap3A_589, %swap3A_590], %swap3A_593 {strides = array<i32>} : memref<128x32xf32, #tpu.memory_space<vmem>>, vector<1x16xf32>,
        %get3A_594 = arith.index_cast %add3A_580 : i32 to index
        %get3A_595 = arith.constant 16 : index
        %get3A_596 = tpu.vector_load %arg14[%get3A_594, %get3A_595] {strides = array<i32>} : memref<128x32xf32, #tpu.memory_space<vmem>>, vector<1x16xf32>,
        %get3A_597 = vector.shape_cast %get3A_596 : vector<1x16xf32> to vector<16xf32>
        %mul3A_598 = vector.broadcast %squeeze3A_582 : f32 to vector<16xf32>
        %mul3A_599 = arith.mulf %get3A_597, %mul3A_598 : vector<16xf32>
        %swap3A_600 = arith.index_cast %add3A_580 : i32 to index
        %swap3A_601 = arith.constant 16 : index
        %swap3A_602 = tpu.vector_load %arg14[%swap3A_600, %swap3A_601] {strides = array<i32>} : memref<128x32xf32, #tpu.memory_space<vmem>>, vector<1x16xf32>,
        %swap3A_603 = vector.shape_cast %swap3A_602 : vector<1x16xf32> to vector<16xf32>
        %swap3A_604 = vector.shape_cast %mul3A_599 : vector<16xf32> to vector<1x16xf32>
        tpu.vector_store %arg14[%swap3A_600, %swap3A_601], %swap3A_604 {strides = array<i32>} : memref<128x32xf32, #tpu.memory_space<vmem>>, vector<1x16xf32>,
        %scan3A_605 = arith.constant 0 : i32
        scf.yield %scan3A_605 : i32
      }
      %scan3A_151 = arith.constant 8 : i32
      "tpu.region"() ({
        %run_scoped3A = tpu.sem_alloc : memref<!tpu.dma_semaphore, #tpu.memory_space<semaphore_mem>>
        %dma_start3A_152 = arith.constant 0 : i32
        %dma_start3A_153 = arith.constant 0 : i32
        %dma_start3A_154 = tpu.memref_slice %arg10[%dma_start3A_152, %dma_start3A_153] : memref<50000x32xf32, #tpu.memory_space<vmem_shared>> -> memref<50000x32xf32, #tpu.memory_space<vmem_shared>>
        tpu.enqueue_indirect_dma source(%arg14 : memref<128x32xf32, #tpu.memory_space<vmem>>) target(%dma_start3A_154 : memref<50000x32xf32, #tpu.memory_space<vmem_shared>>) offsets(%arg11 : memref<128xi32, #tpu.memory_space<vmem>>) semaphore(%run_scoped3A : memref<!tpu.dma_semaphore, #tpu.memory_space<semaphore_mem>>) {add = true}
        %dma_wait3A_155 = arith.constant 0 : i32
        %dma_wait3A_156 = arith.constant 0 : i32
        %dma_wait3A_157 = tpu.memref_slice %arg10[%dma_wait3A_155, %dma_wait3A_156] : memref<50000x32xf32, #tpu.memory_space<vmem_shared>> -> memref<50000x32xf32, #tpu.memory_space<vmem_shared>>
        tpu.wait_indirect_dma semaphore(%run_scoped3A : memref<!tpu.dma_semaphore, #tpu.memory_space<semaphore_mem>>) src(%arg14 : memref<128x32xf32, #tpu.memory_space<vmem>>) dst(%dma_wait3A_157 : memref<50000x32xf32, #tpu.memory_space<vmem_shared>>)
        tpu.yield
      }) : () -> ()
    }
    %scan3A_9 = arith.constant 391 : i32
    %barrier3A_10 = arith.constant 0 : index
    tpu.barrier barrier_id(%barrier3A_10)
    %scan3A_11 = arith.constant 0 : i32
    %scan3A_12 = arith.constant 0 : i32
    %scan3A_13 = arith.constant 25 : i32
    %scan3A_14 = arith.addi %scan3A_12, %scan3A_13 : i32
    %scan3A_15 = arith.constant 1 : i32
    %scan3A_16 = scf.for %scan3A_18 = %scan3A_12 to %scan3A_14 step %scan3A_15 iter_args(%scan3A_19 = %scan3A_11) -> (i32)  : i32 {
      %mul3A_20 = arith.constant 125 : i32
      %mul3A_21 = arith.muli %scan3A_18, %mul3A_20 : i32
      %add3A = arith.addi %mul3A_2, %mul3A_21 : i32
      "tpu.region"() ({
        %run_scoped3A = tpu.sem_alloc : memref<!tpu.dma_semaphore, #tpu.memory_space<semaphore_mem>>
        %dma_start3A = arith.constant 0 : i32
        %dma_start3A_33 = tpu.memref_slice %arg10[%add3A, %dma_start3A] : memref<50000x32xf32, #tpu.memory_space<vmem_shared>> -> memref<125x32xf32, #tpu.memory_space<vmem_shared>>
        %dma_start3A_34 = arith.constant 0 : i32
        %dma_start3A_35 = tpu.memref_slice %arg10[%add3A, %dma_start3A_34] : memref<50000x32xf32, #tpu.memory_space<vmem_shared>> -> memref<125x32xf32, #tpu.memory_space<vmem_shared>>
        tpu.enqueue_dma source(%dma_start3A_35 : memref<125x32xf32, #tpu.memory_space<vmem_shared>>) target(%arg15 : memref<125x32xf32, #tpu.memory_space<vmem>>) target_semaphore(%run_scoped3A : memref<!tpu.dma_semaphore, #tpu.memory_space<semaphore_mem>>)
        %dma_wait3A = arith.constant 0 : i32
        %dma_wait3A_36 = tpu.memref_slice %arg10[%add3A, %dma_wait3A] : memref<50000x32xf32, #tpu.memory_space<vmem_shared>> -> memref<125x32xf32, #tpu.memory_space<vmem_shared>>
        %dma_wait3A_37 = arith.constant 0 : i32
        %dma_wait3A_38 = tpu.memref_slice %arg10[%add3A, %dma_wait3A_37] : memref<50000x32xf32, #tpu.memory_space<vmem_shared>> -> memref<125x32xf32, #tpu.memory_space<vmem_shared>>
        tpu.wait_dma2 semaphore(%run_scoped3A : memref<!tpu.dma_semaphore, #tpu.memory_space<semaphore_mem>>) src(%dma_wait3A_38 : memref<125x32xf32, #tpu.memory_space<vmem_shared>>) dst(%arg15 : memref<125x32xf32, #tpu.memory_space<vmem>>)
        tpu.yield
      }) : () -> ()
      %add3A_22 = arith.addi %mul3A_0, %add3A : i32
      "tpu.region"() ({
        %run_scoped3A = tpu.sem_alloc : memref<!tpu.dma_semaphore, #tpu.memory_space<semaphore_mem>>
        %dma_start3A = arith.constant 0 : i32
        %dma_start3A_33 = tpu.memref_slice %arg6[%add3A_22, %dma_start3A] : memref<100000x32xf32, #tpu.memory_space<hbm>> -> memref<125x32xf32, #tpu.memory_space<hbm>>
        %dma_start3A_34 = arith.constant 0 : i32
        %dma_start3A_35 = tpu.memref_slice %arg6[%add3A_22, %dma_start3A_34] : memref<100000x32xf32, #tpu.memory_space<hbm>> -> memref<125x32xf32, #tpu.memory_space<hbm>>
        tpu.enqueue_dma source(%dma_start3A_35 : memref<125x32xf32, #tpu.memory_space<hbm>>) target(%arg16 : memref<125x32xf32, #tpu.memory_space<vmem>>) target_semaphore(%run_scoped3A : memref<!tpu.dma_semaphore, #tpu.memory_space<semaphore_mem>>)
        %dma_wait3A = arith.constant 0 : i32
        %dma_wait3A_36 = tpu.memref_slice %arg6[%add3A_22, %dma_wait3A] : memref<100000x32xf32, #tpu.memory_space<hbm>> -> memref<125x32xf32, #tpu.memory_space<hbm>>
        %dma_wait3A_37 = arith.constant 0 : i32
        %dma_wait3A_38 = tpu.memref_slice %arg6[%add3A_22, %dma_wait3A_37] : memref<100000x32xf32, #tpu.memory_space<hbm>> -> memref<125x32xf32, #tpu.memory_space<hbm>>
        tpu.wait_dma2 semaphore(%run_scoped3A : memref<!tpu.dma_semaphore, #tpu.memory_space<semaphore_mem>>) src(%dma_wait3A_38 : memref<125x32xf32, #tpu.memory_space<hbm>>) dst(%arg16 : memref<125x32xf32, #tpu.memory_space<vmem>>)
        tpu.yield
      }) : () -> ()
      %scan3A_23 = arith.constant 0 : i32
      %scan3A_24 = arith.constant 0 : i32
      %scan3A_25 = arith.constant 125 : i32
      %scan3A_26 = arith.addi %scan3A_24, %scan3A_25 : i32
      %scan3A_27 = arith.constant 1 : i32
      %scan3A_28 = scf.for %scan3A_33 = %scan3A_24 to %scan3A_26 step %scan3A_27 iter_args(%scan3A_34 = %scan3A_23) -> (i32)  : i32 {
        %get3A = arith.index_cast %scan3A_33 : i32 to index
        %get3A_35 = arith.constant 0 : index
        %get3A_36 = tpu.vector_load %arg16[%get3A, %get3A_35] {strides = array<i32>} : memref<125x32xf32, #tpu.memory_space<vmem>>, vector<1x16xf32>,
        %get3A_37 = vector.shape_cast %get3A_36 : vector<1x16xf32> to vector<16xf32>
        %get3A_38 = arith.index_cast %scan3A_33 : i32 to index
        %get3A_39 = arith.constant 0 : index
        %get3A_40 = tpu.vector_load %arg15[%get3A_38, %get3A_39] {strides = array<i32>} : memref<125x32xf32, #tpu.memory_space<vmem>>, vector<1x16xf32>,
        %get3A_41 = vector.shape_cast %get3A_40 : vector<1x16xf32> to vector<16xf32>
        %add3A_42 = arith.addf %get3A_37, %get3A_41 : vector<16xf32>
        %mul3A_43 = arith.constant 2.500000e-01 : f32
        %mul3A_44 = vector.broadcast %mul3A_43 : f32 to vector<16xf32>
        %mul3A_45 = arith.mulf %add3A_42, %mul3A_44 : vector<16xf32>
        %swap3A = arith.index_cast %scan3A_33 : i32 to index
        %swap3A_46 = arith.constant 0 : index
        %swap3A_47 = tpu.vector_load %arg16[%swap3A, %swap3A_46] {strides = array<i32>} : memref<125x32xf32, #tpu.memory_space<vmem>>, vector<1x16xf32>,
        %swap3A_48 = vector.shape_cast %swap3A_47 : vector<1x16xf32> to vector<16xf32>
        %swap3A_49 = vector.shape_cast %mul3A_45 : vector<16xf32> to vector<1x16xf32>
        tpu.vector_store %arg16[%swap3A, %swap3A_46], %swap3A_49 {strides = array<i32>} : memref<125x32xf32, #tpu.memory_space<vmem>>, vector<1x16xf32>,
        %get3A_50 = arith.index_cast %scan3A_33 : i32 to index
        %get3A_51 = arith.constant 16 : index
        %get3A_52 = tpu.vector_load %arg16[%get3A_50, %get3A_51] {strides = array<i32>} : memref<125x32xf32, #tpu.memory_space<vmem>>, vector<1x16xf32>,
        %get3A_53 = vector.shape_cast %get3A_52 : vector<1x16xf32> to vector<16xf32>
        %get3A_54 = arith.index_cast %scan3A_33 : i32 to index
        %get3A_55 = arith.constant 16 : index
        %get3A_56 = tpu.vector_load %arg15[%get3A_54, %get3A_55] {strides = array<i32>} : memref<125x32xf32, #tpu.memory_space<vmem>>, vector<1x16xf32>,
        %get3A_57 = vector.shape_cast %get3A_56 : vector<1x16xf32> to vector<16xf32>
        %add3A_58 = arith.addf %get3A_53, %get3A_57 : vector<16xf32>
        %mul3A_59 = arith.constant 2.500000e-01 : f32
        %mul3A_60 = vector.broadcast %mul3A_59 : f32 to vector<16xf32>
        %mul3A_61 = arith.mulf %add3A_58, %mul3A_60 : vector<16xf32>
        %swap3A_62 = arith.index_cast %scan3A_33 : i32 to index
        %swap3A_63 = arith.constant 16 : index
        %swap3A_64 = tpu.vector_load %arg16[%swap3A_62, %swap3A_63] {strides = array<i32>} : memref<125x32xf32, #tpu.memory_space<vmem>>, vector<1x16xf32>,
        %swap3A_65 = vector.shape_cast %swap3A_64 : vector<1x16xf32> to vector<16xf32>
        %swap3A_66 = vector.shape_cast %mul3A_61 : vector<16xf32> to vector<1x16xf32>
        tpu.vector_store %arg16[%swap3A_62, %swap3A_63], %swap3A_66 {strides = array<i32>} : memref<125x32xf32, #tpu.memory_space<vmem>>, vector<1x16xf32>,
        %scan3A_67 = arith.constant 0 : i32
        scf.yield %scan3A_67 : i32
      }
      %scan3A_29 = arith.constant 125 : i32
      %add3A_30 = arith.addi %mul3A_0, %add3A : i32
      "tpu.region"() ({
        %run_scoped3A = tpu.sem_alloc : memref<!tpu.dma_semaphore, #tpu.memory_space<semaphore_mem>>
        %dma_start3A = arith.constant 0 : i32
        %dma_start3A_33 = tpu.memref_slice %arg8[%add3A_30, %dma_start3A] : memref<100000x32xf32, #tpu.memory_space<hbm>> -> memref<125x32xf32, #tpu.memory_space<hbm>>
        %dma_start3A_34 = arith.constant 0 : i32
        %dma_start3A_35 = tpu.memref_slice %arg8[%add3A_30, %dma_start3A_34] : memref<100000x32xf32, #tpu.memory_space<hbm>> -> memref<125x32xf32, #tpu.memory_space<hbm>>
        tpu.enqueue_dma source(%arg15 : memref<125x32xf32, #tpu.memory_space<vmem>>) target(%dma_start3A_35 : memref<125x32xf32, #tpu.memory_space<hbm>>) target_semaphore(%run_scoped3A : memref<!tpu.dma_semaphore, #tpu.memory_space<semaphore_mem>>)
        %dma_wait3A = arith.constant 0 : i32
        %dma_wait3A_36 = tpu.memref_slice %arg8[%add3A_30, %dma_wait3A] : memref<100000x32xf32, #tpu.memory_space<hbm>> -> memref<125x32xf32, #tpu.memory_space<hbm>>
        %dma_wait3A_37 = arith.constant 0 : i32
        %dma_wait3A_38 = tpu.memref_slice %arg8[%add3A_30, %dma_wait3A_37] : memref<100000x32xf32, #tpu.memory_space<hbm>> -> memref<125x32xf32, #tpu.memory_space<hbm>>
        tpu.wait_dma2 semaphore(%run_scoped3A : memref<!tpu.dma_semaphore, #tpu.memory_space<semaphore_mem>>) src(%arg15 : memref<125x32xf32, #tpu.memory_space<vmem>>) dst(%dma_wait3A_38 : memref<125x32xf32, #tpu.memory_space<hbm>>)
        tpu.yield
      }) : () -> ()
      %add3A_31 = arith.addi %mul3A_0, %add3A : i32
      "tpu.region"() ({
        %run_scoped3A = tpu.sem_alloc : memref<!tpu.dma_semaphore, #tpu.memory_space<semaphore_mem>>
        %dma_start3A = arith.constant 0 : i32
        %dma_start3A_33 = tpu.memref_slice %arg9[%add3A_31, %dma_start3A] : memref<100000x32xf32, #tpu.memory_space<hbm>> -> memref<125x32xf32, #tpu.memory_space<hbm>>
        %dma_start3A_34 = arith.constant 0 : i32
        %dma_start3A_35 = tpu.memref_slice %arg9[%add3A_31, %dma_start3A_34] : memref<100000x32xf32, #tpu.memory_space<hbm>> -> memref<125x32xf32, #tpu.memory_space<hbm>>
        tpu.enqueue_dma source(%arg16 : memref<125x32xf32, #tpu.memory_space<vmem>>) target(%dma_start3A_35 : memref<125x32xf32, #tpu.memory_space<hbm>>) target_semaphore(%run_scoped3A : memref<!tpu.dma_semaphore, #tpu.memory_space<semaphore_mem>>)
        %dma_wait3A = arith.constant 0 : i32
        %dma_wait3A_36 = tpu.memref_slice %arg9[%add3A_31, %dma_wait3A] : memref<100000x32xf32, #tpu.memory_space<hbm>> -> memref<125x32xf32, #tpu.memory_space<hbm>>
        %dma_wait3A_37 = arith.constant 0 : i32
        %dma_wait3A_38 = tpu.memref_slice %arg9[%add3A_31, %dma_wait3A_37] : memref<100000x32xf32, #tpu.memory_space<hbm>> -> memref<125x32xf32, #tpu.memory_space<hbm>>
        tpu.wait_dma2 semaphore(%run_scoped3A : memref<!tpu.dma_semaphore, #tpu.memory_space<semaphore_mem>>) src(%arg16 : memref<125x32xf32, #tpu.memory_space<vmem>>) dst(%dma_wait3A_38 : memref<125x32xf32, #tpu.memory_space<hbm>>)
        tpu.yield
      }) : () -> ()
      %scan3A_32 = arith.constant 0 : i32
      scf.yield %scan3A_32 : i32
    }
    %scan3A_17 = arith.constant 25 : i32
    return
  }
}

</mosaic_0001>

<sc_bundles>
// kernel: lightgcn_layer_m100.4.cloned.1.call-start
scs
__scs_entry_jumppad:
0x0: {  	(pc) =	sbr.rel $0x88, $3  }
0x1: {  	(tag) =	ssettag $0x0;
	lr =	simm.s32 $0x1  }
0x2: {  	[smem:$0x3F9D] =	sst lr;
	_ =	strace $0xD0000000  }
0x3: {  	_ = 	snop  }
0x4: {  	_ = 	snop  }
0x5: {  	_ = 	snop  }
0x6: {  	_ = 	snop  }
0x7: {  	_ = 	snop  }
__scs_overlays_trampoline_lowered:
0x8: {  	[smem:$0x3FAC] =	sst s0  }
0x9: {  	[smem:$0x3FAD] =	sst s1  }
0xa: {  	[smem:$0x3FAE] =	sst s2  }
0xb: {  	[smem:$0x3FAF] =	sst s3  }
0xc: {  	[smem:$0x3FB0] =	sst s4  }
0xd: {  	[smem:$0x3FB1] =	sst s5  }
0xe: {  	[smem:$0x3FB2] =	sst s6  }
0xf: {  	[smem:$0x3FB3] =	sst s7  }
0x10: {  	[smem:$0x3FB4] =	sst s8  }
0x11: {  	[smem:$0x3FB5] =	sst s9;
	s0 =	simm.s32 @!p0 $0x0  }
0x12: {  	s1 =	sld [smem:$0x3F9B];
	s0 =	simm.s32 @p0 $0x1  }
0x13: {  	[smem:$0x3FB6] =	sst s0;
	s0 =	simm.s32 @!p1 $0x0  }
0x14: {  	s2 =	sld [smem:$0x3F9A];
	s0 =	simm.s32 @p1 $0x1  }
0x15: {  	[smem:$0x3FB7] =	sst s0;
	s0 =	simm.s32 @!p2 $0x0  }
0x16: {  	s3 =	sld [smem:$0x3FDB];
	s0 =	simm.s32 @p2 $0x1  }
0x17: {  	s4 =	simm.s32 $0x1BF5;
	[smem:$0x3FB9] =	sst s0  }
0x18: {  	s0 =	sld [smem:$0x3F9C];
	_ =	swait.ge [sflag:s4], $0x0  }
0x19: {  	s7 =	sld [smem:$0x3F9D]  }
0x1a: {  	s8 =	sadd.s32 $0xFFFFE003, lr  }
0x1b: {  	s9 =	sadd.s32 $0xFFFFFEF7, lr;
	s5 =	simm.s32 $0xFFFFFFFF;
	p2 =	slt.u32 s8, $0xFFFFF086  }
0x1c: {  	p1 =	slt.u32 s9, $0xF7A;
	s5 =	simm.s32 @!p2 $0x0  }
0x1d: {  	s5 =	simm.s32 @p1 $0x1;
	p0 =	seq.s32 s7, s2  }
0x1e: {  	s7 =	smul.u32 @!p0 $0xF7A, s2;
	p2 =	seq.s32 @!p0 s5, $0x0  }
0x1f: {  	s9 =	smul.u32 $0xF7A, s1;
	s8 =	simm.s32 @!p0 $0x1BF5;
	p2 =	por !p2, p0  }
0x20: {  	[sflag:s8] =	ssyncset.s32 @!p0 $0xFFFFF086;
	s6 =	sadd.s32 @!p0 s3, s7;
	s7 =	simm.s32 @!p0 $0x108  }
0x21: {  	s3 =	sadd.s32 s3, s9;
	s6 =	sadd.s32 @!p0 $0x88, s6;
	s7 =	simm.s32 @p2 $0x1082  }
0x22: {  	[simem:s7], [sflag:s8] =	dma.local @!p0 [hbm:s6], $0xF7A  }
0x23: {  	s9 =	sor.u32 $0xD0000000, s2;
	s6 =	simm.s32 $0x108;
	_ =	swait.ge @!p0 [sflag:s8], $0x0  }
0x24: {  	s3 =	sadd.s32 $0x88, s3;
	s6 =	simm.s32 @!p1 $0x1082;
	[sflag:s4] =	ssyncset.s32 $0xFFFFF086  }
0x25: {  	[simem:s6], [sflag:s4] =	dma.local [hbm:s3], $0xF7A  }
0x26: {  	[smem:$0x3F9D] =	sst s1;
	(tag) =	ssettag s2;
	_ =	strace s9  }
0x27: {  	s1 =	sld [smem:$0x3FAD]  }
0x28: {  	s2 =	sld [smem:$0x3FAE]  }
0x29: {  	s4 =	sld [smem:$0x3FB0]  }
0x2a: {  	p0 =	seq.s32 s5, $0x0;
	s5 =	sld [smem:$0x3FB1]  }
0x2b: {  	s6 =	sld [smem:$0x3FB2]  }
0x2c: {  	s7 =	sld [smem:$0x3FB3]  }
0x2d: {  	s3 =	simm.s32 $0x108;
	s8 =	sld [smem:$0x3FB4]  }
0x2e: {  	s3 =	simm.s32 @!p0 $0x1082;
	s9 =	sld [smem:$0x3FB5]  }
0x2f: {  	lr =	sadd.s32 s0, s3;
	s0 =	sld [smem:$0x3FAC]  }
0x30: {  	s3 =	sld [smem:$0x3FAF]  }
0x31: {  	[smem:$0x3FB8] =	sst s10  }
0x32: {  	s10 =	sld [smem:$0x3FB6];
	_ =	sdelay $0x3  }
0x33: {  	p0 =	seq.s32 s10, $0x1;
	s10 =	sld [smem:$0x3FB8];
	_ =	sdelay $0x3  }
0x34: {  	[smem:$0x3FB8] =	sst s10  }
0x35: {  	s10 =	sld [smem:$0x3FB7];
	_ =	sdelay $0x3  }
0x36: {  	p1 =	seq.s32 s10, $0x1;
	s10 =	sld [smem:$0x3FB8];
	_ =	sdelay $0x3  }
0x37: {  	[smem:$0x3FB8] =	sst s10  }
0x38: {  	s10 =	sld [smem:$0x3FB9]  }
0x39: {  	_ = 	snop;
	(pc) =	sbr.ind lr, $3  }
0x3a: {  	_ = 	snop  }
0x3b: {  	_ = 	snop  }
0x3c: {  	p2 =	seq.s32 s10, $0x1;
	s10 =	sld [smem:$0x3FB8]  }
0x3d: {  	_ =	shalt  }
0x3e: {  	_ =	shalt  }
0x3f: {  	_ =	shalt  }
0x40: {  	_ =	shalt  }
0x41: {  	_ =	shalt  }
0x42: {  	_ =	shalt  }
0x43: {  	_ =	shalt  }
0x44: {  	_ =	shalt  }
0x45: {  	_ =	shalt  }
0x46: {  	_ =	shalt  }
0x47: {  	_ =	shalt  }
0x48: {  	_ =	shalt  }
0x49: {  	_ =	shalt  }
0x4a: {  	_ =	shalt  }
0x4b: {  	_ =	shalt  }
0x4c: {  	_ =	shalt  }
0x4d: {  	_ =	shalt  }
0x4e: {  	_ =	shalt  }
0x4f: {  	_ =	shalt  }
0x50: {  	_ =	shalt  }
0x51: {  	_ =	shalt  }
0x52: {  	_ =	shalt  }
0x53: {  	_ =	shalt  }
0x54: {  	_ =	shalt  }
0x55: {  	_ =	shalt  }
0x56: {  	_ =	shalt  }
0x57: {  	_ =	shalt  }
0x58: {  	_ =	shalt  }
0x59: {  	_ =	shalt  }
0x5a: {  	_ =	shalt  }
0x5b: {  	_ =	shalt  }
0x5c: {  	_ =	shalt  }
0x5d: {  	_ =	shalt  }
0x5e: {  	_ =	shalt  }
0x5f: {  	_ =	shalt  }
0x60: {  	_ =	shalt  }
0x61: {  	_ =	shalt  }
0x62: {  	_ =	shalt  }
0x63: {  	_ =	shalt  }
0x64: {  	_ =	shalt  }
0x65: {  	_ =	shalt  }
0x66: {  	_ =	shalt  }
0x67: {  	_ =	shalt  }
0x68: {  	_ =	shalt  }
0x69: {  	_ =	shalt  }
0x6a: {  	_ =	shalt  }
0x6b: {  	_ =	shalt  }
0x6c: {  	_ =	shalt  }
0x6d: {  	_ =	shalt  }
0x6e: {  	_ =	shalt  }
0x6f: {  	_ =	shalt  }
0x70: {  	_ =	shalt  }
0x71: {  	_ =	shalt  }
0x72: {  	_ =	shalt  }
0x73: {  	_ =	shalt  }
0x74: {  	_ =	shalt  }
0x75: {  	_ =	shalt  }
0x76: {  	_ =	shalt  }
0x77: {  	_ =	shalt  }
0x78: {  	_ =	shalt  }
0x79: {  	_ =	shalt  }
0x7a: {  	_ =	shalt  }
0x7b: {  	_ =	shalt  }
0x7c: {  	_ =	shalt  }
0x7d: {  	_ =	shalt  }
0x7e: {  	_ =	shalt  }
0x7f: {  	_ =	shalt  }
0x80: {  	_ =	shalt  }
0x81: {  	_ =	shalt  }
0x82: {  	_ =	shalt  }
0x83: {  	_ =	shalt  }
0x84: {  	_ =	shalt  }
0x85: {  	_ =	shalt  }
0x86: {  	_ =	shalt  }
0x87: {  	_ =	shalt  }
.Lfunc_end0:
.L_simem_size_0:
called_computation_lowered:
.L_overlay_start_0:
0x88: {  	s2 =	sld [smem:$0x3FD9]  }
0x89: {  	s3 =	sld [smem:$0x3FFE];
	_ =	sdelay $0x1  }
0x8a: {  	s1 =	srdreg.scid  }
0x8b: {  	s0 =	sand.u32 $0x1, s1  }
0x8c: {  	s14 =	sshll.u32 s0, $0xA;
	s2 =	sadd.s32 s3, s2  }
0x8d: {  	s2 =	sadd.s32 s2, s14  }
0x8e: {  	[smem:$0x3FC4] =	sst s2  }
0x8f: {  	_ = 	snop  }
0x90: {  	s2 =	sld [smem:$0x3FD0];
	_ =	sdelay $0x2  }
0x91: {  	s15 =	simm.s32 $0xA;
	s4 =	simm.s32 $0x10  }
0x92: {  	[smem:s4], [sflag:s15] =	dma.local [hbm:s2], $0x1  }
0x93: {  	_ =	swait.eq [sflag:s15], $0x1  }
0x94: {  	[sflag:s15] =	ssyncset.done $0x0  }
0x95: {  	s16 =	sld [smem:$0x10];
	[sflag:s15] =	ssyncadd.s32 $0xFFFFFFFF  }
0x96: {  	s17 =	sld [smem:$0x11];
	(tm) =	ssettm $0x1  }
0x97: {  	s18 =	sld [smem:$0x3FFB];
	_ =	sdelay $0x3  }
0x98: {  	_ =	strace s18  }
0x99: {  	s4 =	sld [smem:$0x3FFC];
	_ =	sdelay $0x3  }
0x9a: {  	_ =	strace s4  }
0x9b: {  	s4 =	sld [smem:$0x3FFD];
	_ =	sdelay $0x3  }
0x9c: {  	_ =	strace s4  }
0x9d: {  	_ =	strace $0x8FFFFFFF  }
0x9e: {  	s19 =	sld [smem:$0x3FDB];
	_ =	sdelay $0x1  }
0x9f: {  	s5 =	simm.s32 $_scs_section_size  }
0xa0: {  	s6 =	simm.s32 $_size__tile_overlayer_lowered;
	s7 =	simm.s32 $_tile_overlayer_lowered  }
0xa1: {  	s22 =	simm.s32 $0x1BFF;
	s21 =	sshll.u32 s7, $0x1;
	s4 =	sadd.s32 s5, s19  }
0xa2: {  	s8 =	simm.s32 $0x0;
	s20 =	sshll.u32 s6, $0x1;
	s6 =	sadd.s32 s21, s4  }
0xa3: {  	[timem:s8], [sflag:s22] =	dma.local [hbm:s6], s20  }
0xa4: {  	_ =	swait.ge [sflag:s22], s20  }
0xa5: {  	s5 =	ssub.s32 $0x0, s20;
	[sflag:s22] =	ssyncset.done $0x0  }
0xa6: {  	[sflag:s22] =	ssyncadd.s32 s5;
	_ =	sdelay $0x1  }
0xa7: {  	s23 =	simm.s32 $0x1B8B  }
0xa8: {  	_ =	swait.ge [sflag:s23], $0x1  }
0xa9: {  	[sflag:s23] =	ssyncset.done $0x0  }
0xaa: {  	s25 =	simm.s32 $0x1B8E;
	s24 =	sld [smem:$0x3FFE];
	[sflag:s23] =	ssyncadd.s32 $0xFFFFFFFF  }
0xab: {  	s26 =	simm.s32 $execute0_lowered;
	[smem:$0x3FD2] =	sst s25  }
0xac: {  	s6 =	sshll.u32 s26, $0x1;
	_ =	strace $0x80000046;
	[dreg:$0x1] =	wrdreg $0xFFFFFFFF  }
0xad: {  	s28 =	simm.s32 $_size_execute0_lowered;
	s4 =	sadd.s32 s4, s6;
	[dreg:$0x0] =	wrdreg $0x0  }
0xae: {  	s6 =	sshll.u32 s28, $0x1;
	[dreg:$0x2] =	wrdreg s4  }
0xaf: {  	[dreg:$0x3] =	wrdreg s6  }
0xb0: {  	[dreg:$0x4] =	wrdreg $0xC0  }
0xb1: {  	_ =	task [dreg:s8], $0x5FFFF  }
0xb2: {  	[dreg:$0x1] =	wrdreg $0xFFFFFFFF  }
0xb3: {  	[dreg:$0x0] =	wrdreg $0x60  }
0xb4: {  	[dreg:$0x2] =	wrdreg s24  }
0xb5: {  	[dreg:$0x3] =	wrdreg s17  }
0xb6: {  	[dreg:$0x4] =	wrdreg s16  }
0xb7: {  	[dreg:$0x5] =	wrdreg $0x0  }
0xb8: {  	[dreg:$0x6] =	wrdreg $0x9  }
0xb9: {  	_ =	task.clear_ibuf [dreg:s8], $0x7FFFF;
	_ =	strace $0x90000046  }
0xba: {  	s29 =	simm.s32 $0x9;
	_ =	strace $0x80000048  }
0xbb: {  	_ =	swait.ge [sflag:s29], $0x1  }
0xbc: {  	[sflag:s29] =	ssyncadd.s32 $0xFFFFFFFF  }
0xbd: {  	_ =	strace $0x90000048  }
0xbe: {  	_ =	sfence  }
0xbf: {  	s30 =	sld [smem:$0x0];
	_ =	sdelay $0x2  }
0xc0: {  	s31 =	sshll.u32 s1, $0xD;
	s1 =	sshrl.u32 s1, $0x2  }
0xc1: {  	s3 =	sand.u32 $0x4000, s31;
	s1 =	sadd.s32 s1, s30  }
0xc2: {  	s0 =	sor.u32 s3, s0;
	s1 =	sshll.u32 s1, $0x11  }
0xc3: {  	s0 =	sor.u32 s1, s0  }
0xc4: {  	s0 =	sadd.s32 $0x8F2B, s0  }
0xc5: {  	[sflag:s0] =	ssyncadd.remote.s32 $0x1  }
0xc6: {  	_ =	sfence.sel $0xFFFF  }
0xc7: {  	[dreg:$0x0] =	wrdreg $0xFFFFFFFF;
	(pc) =	sbr.abs _section_cstart, $3  }
0xc8: {  	[dreg:$0x1] =	wrdreg $0xFFFFFFFF  }
0xc9: {  	_ =	task.clear_ibuf [dreg:s8], $0x2FFFF;
	_ =	strace $0x9FFFFFFF  }
0xca: {  	(tm) =	ssettm $0x7FFFFFFF  }
0xcb: {  	_ =	shalt  }
tec
execute0_lowered:
.L_overlay_start_1:
0x0: {  	(tag) =	ssettag $0x1  }
0x1: {  	s0 =	rddreg [dreg:$0x0]  }
0x2: {  	s1 =	rddreg [dreg:$0x1]  }
0x3: {  	s2 =	rddreg [dreg:$0x2]  }
0x4: {  	s3 =	rddreg [dreg:$0x3];
	s4 =	simm.s32 $0x0  }
0x5: {  	s5 =	srdreg.scid;
	s28 =	stileid.u32;
	s17 =	simm.s32 $0x2  }
0x6: {  	s18 =	simm.s32 $0x186A0;
	s19 =	simm.s32 $0x18720;
	s20 =	simm.s32 $0x187A0  }
0x7: {  	s21 =	simm.s32 $0x80;
	s22 =	simm.s32 $0x18820;
	s23 =	simm.s32 $0x1  }
0x8: {  	s24 =	simm.s32 $0x19820;
	s25 =	simm.s32 $0x1A7C0;
	s26 =	simm.s32 $0x0  }
0x9: {  	[smem:$0x7FF] =	sst s4;
	s6 =	sadd.s32 $0x188600, s0;
	s7 =	sadd.s32 $0x1C00, s0  }
0xa: {  	s11 =	sand.u32 $0x1, s5;
	s8 =	sadd.s32 $0x1A400, s0;
	s9 =	sadd.s32 $0x1D600, s0  }
0xb: {  	s14 =	smul.u32 $0x61A80, s28;
	s10 =	sadd.s32 $0x7F200, s0;
	s31 =	sshll.u32 s28, $0x6  }
0xc: {  	_ =	strace $0x80000047;
	s12 =	ssub.s32 $0x2, s11;
	s11 =	smul.u32 $0xC350, s11  }
0xd: {  	s13 =	sshrl.u32 s12, $0x1;
	s30 =	sshrl.u32 s14, $0x2;
	s14 =	smul.u32 $0xC380, s28  }
0xe: {  	s29 =	ssub.s32 s12, s13;
	s12 =	smul.u32 $0xC35, s28;
	s16 =	sadd.s32 s30, s3  }
0xf: {  	s13 =	sor.u32 $0x1C02, s31;
	v0 =	vmov s11;
	s15 =	smax.u32 s29, $0x1;
	s16 =	sshrl.u32 s16, $0x3  }
.LBB2_1:
0x10: {  	[spmem:s16], [sflag:s13] =	dma.local [hbm:s8], $0x30D4  }
0x11: {  	_ =	swait.ge [sflag:s17], $0x30D4  }
0x12: {  	[sflag:s17] =	ssyncset.done $0x0  }
0x13: {  	[sflag:s17] =	ssyncadd.s32 $0xFFFFCF2C  }
0x14: {  	s28 =	simm.s32 $0x0;
	[bflag:$0x0] =	sbarrier.arrive $0xFFFF  }
.LBB2_2:
0x15: {  	s0 =	sshll.u32 s28, $0x7  }
0x16: {  	s0 =	sadd.s32 s14, s0  }
0x17: {  	s0 =	sshrl.u32 s0, $0x3  }
0x18: {  	s30 =	simm.s32 $0x0;
	s29 =	sadd.s32 s1, s0  }
0x19: {  	[tilespmem:s18], [sflag:$0x2] =	stream.linear.gather [hbm4b:s29+s30], $0x80, $0x38;
	[tilespmem:$0x1B760] =	vst v63  }
0x1a: {  	_ =	swait.ge [sflag:s17], $0x80  }
0x1b: {  	[sflag:s17] =	ssyncset.done $0x0  }
0x1c: {  	s29 =	sadd.s32 s2, s0;
	[sflag:s17] =	ssyncadd.s32 $0xFFFFFF80  }
0x1d: {  	[tilespmem:s19], [sflag:$0x2] =	stream.linear.gather [hbm4b:s29+s30], $0x80, $0x38;
	[tilespmem:$0x1B760] =	vst v63  }
0x1e: {  	_ =	swait.ge [sflag:s17], $0x80  }
0x1f: {  	[sflag:s17] =	ssyncset.done $0x0  }
0x20: {  	s0 =	sadd.s32 s7, s0;
	[sflag:s17] =	ssyncadd.s32 $0xFFFFFF80  }
0x21: {  	[tilespmem:s20], [sflag:$0x2] =	stream.linear.gather [hbm4b:s0+s30], $0x80, $0x38;
	[tilespmem:$0x1B760] =	vst v63  }
0x22: {  	_ =	swait.ge [sflag:s17], $0x80  }
0x23: {  	[sflag:s17] =	ssyncset.done $0x0  }
0x24: {  	[sflag:s17] =	ssyncadd.s32 $0xFFFFFF80  }
0x25: {  	v1 =	vld [tilespmem:$0x18720]  }
0x26: {  	v2 =	vld [tilespmem:$0x18730]  }
0x27: {  	v3 =	vld [tilespmem:$0x18740]  }
0x28: {  	v4 =	vld [tilespmem:$0x18750]  }
0x29: {  	v5 =	vld [tilespmem:$0x18760]  }
0x2a: {  	v6 =	vld [tilespmem:$0x18770];
	v1 =	vadd.s32 v0, v1  }
0x2b: {  	[tilespmem:$0x18720] =	vst v1;
	v1 =	vadd.s32 v0, v2;
	v2 =	vld [tilespmem:$0x18780]  }
0x2c: {  	[tilespmem:$0x18730] =	vst v1;
	v1 =	vadd.s32 v0, v3;
	v3 =	vld [tilespmem:$0x18790]  }
0x2d: {  	[tilespmem:$0x18740] =	vst v1;
	v1 =	vadd.s32 v0, v4  }
0x2e: {  	[tilespmem:$0x18750] =	vst v1;
	v1 =	vadd.s32 v0, v5  }
0x2f: {  	[tilespmem:$0x18760] =	vst v1;
	v1 =	vadd.s32 v0, v6  }
0x30: {  	[tilespmem:$0x18770] =	vst v1;
	v1 =	vadd.s32 v0, v2  }
0x31: {  	[tilespmem:$0x18780] =	vst v1;
	v1 =	vadd.s32 v0, v3  }
0x32: {  	[tilespmem:$0x18790] =	vst v1  }
0x33: {  	[tilespmem:s22], [sflag:$0x1] =	stream.indirect.gather [hbm4b:s6+s21], $0x20, s19, s21, $0xb8;
	[tilespmem:$0x1B760] =	vst v63  }
0x34: {  	_ =	swait.ge [sflag:s23], $0x1000  }
0x35: {  	[sflag:s23] =	ssyncset.done $0x0  }
0x36: {  	s29 =	simm.s32 $0x18920;
	[sflag:s23] =	ssyncadd.s32 $0xFFFFF000  }
0x37: {  	v6 =	vld [tilespmem:s29+$0xFFFFFFA0]  }
0x38: {  	v4 =	vld [tilespmem:s29+$0xFFFFFFF0]  }
0x39: {  	v1 =	vld [tilespmem:s29+$0xFFFFFF60]  }
0x3a: {  	v7 =	vld [tilespmem:s29+$0xFFFFFFD0]  }
0x3b: {  	v8 =	vld [tilespmem:s29+$0x80]  }
0x3c: {  	v11 =	vld [tilespmem:s29+$0xFFFFFF10]  }
0x3d: {  	v15 =	vld [tilespmem:s29+$0xE0]  }
0x3e: {  	v10 =	vld [tilespmem:s29+$0xFFFFFF40]  }
0x3f: {  	s5 =	simm.s32 $0x0;
	v2 =	vld [tilespmem:s29+$0xFFFFFF90]  }
0x40: {  	v3 =	vld [tilespmem:s5+$0x187A0]  }
0x41: {  	v9 =	vld [tilespmem:s29+$0xFFFFFFC0]  }
0x42: {  	v12 =	vld [tilespmem:s29+$0xFFFFFF00]  }
0x43: {  	v13 =	vld [tilespmem:s29+$0xD0]  }
0x44: {  	v22 =	vld [tilespmem:s29+$0xC0]  }
0x45: {  	v20 =	vld [tilespmem:s29+$0x90];
	v18 =	vbroadcast v3, $0x0;
	v5 =	vbroadcast v3, $0xF  }
0x46: {  	v21 =	vld [tilespmem:s29+$0xFFFFFF50];
	v19 =	vbroadcast v3, $0x2;
	v17 =	vbroadcast v3, $0xE  }
0x47: {  	v16 =	vld [tilespmem:s29+$0xB0];
	v14 =	vbroadcast v3, $0xC;
	v24 =	vmul.f32 v18, v12  }
0x48: {  	s31 =	simm.s32 $0x18920;
	s30 =	simm.s32 $0x40;
	v12 =	vbroadcast v3, $0xD;
	v23 =	vmul.f32 v10, v19;
	v10 =	vld [tilespmem:s29+$0x60]  }
.LBB2_3:
0x49: {  	p0 =	sne.s32 s30, $0x1C0  }
0x4a: {  	[tilespmem:s29+$0xFFFFFF00] =	vst v24;
	v24 =	vld [tilespmem:s29+$0xFFFFFFB0];
	v22 =	vmul.f32 v22, v17;
	v15 =	vmul.f32 v15, v5;
	s31 =	sadd.s32 $0x200, s31;
	s0 =	smov.u32 s30;
	s30 =	sadd.s32 $0x40, s30  }
0x4b: {  	[tilespmem:s29+$0xFFFFFF40] =	vst v23;
	v23 =	vbroadcast v3, $0xA;
	v20 =	vmul.f32 v20, v14;
	v25 =	vld [tilespmem:s29+$0xA0]  }
0x4c: {  	v11 =	vmul.f32 v11, v18;
	v18 =	vmul.f32 v21, v19;
	v19 =	vld [tilespmem:s29+$0x70];
	[tilespmem:s29+$0xE0] =	vst v15  }
0x4d: {  	v15 =	vbroadcast v3, $0x5;
	v21 =	vld [tilespmem:s29+$0xFFFFFFE0];
	v16 =	vmul.f32 v16, v12;
	[tilespmem:s29+$0xC0] =	vst v22  }
0x4e: {  	v13 =	vmul.f32 v13, v17;
	[tilespmem:s29+$0xFFFFFF10] =	vst v11;
	v11 =	vbroadcast v3, $0x6;
	v22 =	vld [tilespmem:s29+$0x40]  }
0x4f: {  	v26 =	vbroadcast v3, $0xB;
	v6 =	vmul.f32 v6, v15;
	v17 =	vld [tilespmem:s29+$0xFFFFFF20];
	[tilespmem:s29+$0x90] =	vst v20  }
0x50: {  	v20 =	vbroadcast v3, $0x9;
	[tilespmem:s29+$0xFFFFFF50] =	vst v18;
	v18 =	vld [tilespmem:s29+$0x20];
	v12 =	vmul.f32 v25, v12  }
0x51: {  	v15 =	vmul.f32 v24, v15;
	v24 =	vld [tilespmem:s29+$0x50];
	v19 =	vmul.f32 v19, v26;
	[tilespmem:s29+$0xD0] =	vst v13  }
0x52: {  	v8 =	vmul.f32 v8, v14;
	v13 =	vbroadcast v3, $0x7;
	v25 =	vld [tilespmem:s29+$0x30];
	[tilespmem:s29+$0xA0] =	vst v12  }
0x53: {  	v9 =	vmul.f32 v9, v11;
	v12 =	vbroadcast v3, $0x3;
	v14 =	vld [tilespmem:s29+$0x0];
	[tilespmem:s29+$0x70] =	vst v19  }
0x54: {  	v10 =	vmul.f32 v10, v26;
	v7 =	vmul.f32 v7, v11;
	v11 =	vld [tilespmem:s29+$0x10];
	[tilespmem:s29+$0x80] =	vst v8  }
0x55: {  	v19 =	vbroadcast v3, $0x8;
	v22 =	vmul.f32 v22, v23;
	v8 =	vld [tilespmem:s29+$0xFFFFFF30];
	[tilespmem:s29+$0xB0] =	vst v16  }
0x56: {  	v16 =	vbroadcast v3, $0x1;
	v26 =	vld [tilespmem:s29+$0xFFFFFF70];
	[tilespmem:s29+$0xFFFFFFD0] =	vst v7;
	v23 =	vmul.f32 v24, v23  }
0x57: {  	v4 =	vmul.f32 v4, v13;
	v7 =	vmul.f32 v21, v13;
	[tilespmem:s29+$0xFFFFFFC0] =	vst v9;
	v9 =	vld [tilespmem:s29+$0xF0]  }
0x58: {  	v21 =	vmul.f32 v25, v20;
	v13 =	vld [tilespmem:s29+$0xFFFFFF80];
	[tilespmem:s29+$0xFFFFFFA0] =	vst v6;
	v14 =	vmul.f32 v14, v19  }
0x59: {  	v6 =	vld [tilespmem:s31+$0xFFFFFFA0];
	[tilespmem:s29+$0xFFFFFFF0] =	vst v4;
	v19 =	vmul.f32 v11, v19;
	v11 =	vmul.f32 v18, v20  }
0x5a: {  	v4 =	vmul.f32 v17, v16;
	v16 =	vmul.f32 v8, v16;
	[tilespmem:s29+$0x60] =	vst v10  }
0x5b: {  	v1 =	vmul.f32 v1, v12;
	v8 =	vmul.f32 v26, v12;
	[tilespmem:s29+$0xFFFFFFB0] =	vst v15  }
0x5c: {  	v3 =	vbroadcast v3, $0x4;
	[tilespmem:s29+$0xFFFFFF20] =	vst v4;
	v4 =	vmul.f32 v9, v5  }
0x5d: {  	[tilespmem:s29+$0xFFFFFF60] =	vst v1  }
0x5e: {  	v5 =	vmul.f32 v13, v3;
	v1 =	vmul.f32 v2, v3;
	[tilespmem:s29+$0x40] =	vst v22  }
0x5f: {  	[tilespmem:s29+$0xFFFFFFE0] =	vst v7  }
0x60: {  	[tilespmem:s29+$0xF0] =	vst v4  }
0x61: {  	[tilespmem:s29+$0xFFFFFF90] =	vst v1  }
0x62: {  	v4 =	vld [tilespmem:s31+$0xFFFFFFF0];
	[tilespmem:s29+$0xFFFFFF70] =	vst v8  }
0x63: {  	v1 =	vld [tilespmem:s31+$0xFFFFFF60];
	[tilespmem:s29+$0x20] =	vst v11  }
0x64: {  	v7 =	vld [tilespmem:s31+$0xFFFFFFD0];
	[tilespmem:s29+$0x30] =	vst v21  }
0x65: {  	v8 =	vld [tilespmem:s31+$0x80];
	[tilespmem:s29+$0xFFFFFF80] =	vst v5  }
0x66: {  	v11 =	vld [tilespmem:s31+$0xFFFFFF10];
	[tilespmem:s29+$0x50] =	vst v23  }
0x67: {  	v15 =	vld [tilespmem:s31+$0xE0];
	[tilespmem:s29+$0x0] =	vst v14  }
0x68: {  	v10 =	vld [tilespmem:s31+$0xFFFFFF40];
	[tilespmem:s29+$0xFFFFFF30] =	vst v16  }
0x69: {  	s0 =	sshra.s32 s0, $0x2;
	v2 =	vld [tilespmem:s31+$0xFFFFFF90];
	[tilespmem:s29+$0x10] =	vst v19;
	s29 =	smov.u32 s31  }
0x6a: {  	v3 =	vld [tilespmem:s0+$0x187A0]  }
0x6b: {  	v9 =	vld [tilespmem:s31+$0xFFFFFFC0]  }
0x6c: {  	v12 =	vld [tilespmem:s31+$0xFFFFFF00]  }
0x6d: {  	v13 =	vld [tilespmem:s31+$0xD0]  }
.Ltmp0:
0x6e: {  	v22 =	vld [tilespmem:s31+$0xC0];
	(pc) =	sbr.rel @p0 .LBB2_3-.Ltmp0, $4  }
0x6f: {  	v18 =	vbroadcast v3, $0x0;
	v20 =	vld [tilespmem:s31+$0x90];
	v5 =	vbroadcast v3, $0xF  }
0x70: {  	v19 =	vbroadcast v3, $0x2;
	v17 =	vbroadcast v3, $0xE;
	v21 =	vld [tilespmem:s31+$0xFFFFFF50]  }
0x71: {  	v24 =	vmul.f32 v18, v12;
	v12 =	vbroadcast v3, $0xD;
	v16 =	vld [tilespmem:s31+$0xB0]  }
0x72: {  	v14 =	vbroadcast v3, $0xC;
	v23 =	vmul.f32 v10, v19;
	v10 =	vld [tilespmem:s31+$0x60]  }
0x73: {  	[tilespmem:s29+$0xFFFFFF00] =	vst v24;
	v15 =	vmul.f32 v15, v5  }
0x74: {  	v22 =	vmul.f32 v22, v17;
	[tilespmem:s29+$0xFFFFFF40] =	vst v23  }
0x75: {  	v11 =	vmul.f32 v11, v18;
	[tilespmem:s29+$0xE0] =	vst v15  }
0x76: {  	v35 =	vmul.f32 v13, v17;
	[tilespmem:s29+$0xC0] =	vst v22  }
0x77: {  	v33 =	vmul.f32 v20, v14;
	[tilespmem:s29+$0xFFFFFF10] =	vst v11  }
0x78: {  	v41 =	vbroadcast v3, $0x6;
	v8 =	vmul.f32 v8, v14;
	[tilespmem:s29+$0xD0] =	vst v35  }
0x79: {  	v19 =	vmul.f32 v21, v19;
	[tilespmem:s29+$0x90] =	vst v33  }
0x7a: {  	v45 =	vbroadcast v3, $0x5;
	v7 =	vmul.f32 v7, v41;
	[tilespmem:s29+$0x80] =	vst v8  }
0x7b: {  	v47 =	vbroadcast v3, $0x7;
	v9 =	vmul.f32 v9, v41;
	[tilespmem:s29+$0xFFFFFF50] =	vst v19  }
0x7c: {  	v54 =	vbroadcast v3, $0x3;
	v6 =	vmul.f32 v6, v45;
	[tilespmem:s29+$0xFFFFFFD0] =	vst v7  }
0x7d: {  	v31 =	vld [tilespmem:s29+$0xA0];
	v59 =	vbroadcast v3, $0x4;
	v4 =	vmul.f32 v4, v47;
	[tilespmem:s29+$0xFFFFFFC0] =	vst v9  }
0x7e: {  	v32 =	vld [tilespmem:s29+$0x70];
	v1 =	vmul.f32 v1, v54;
	[tilespmem:s29+$0xFFFFFFA0] =	vst v6  }
0x7f: {  	v34 =	vld [tilespmem:s29+$0xFFFFFFB0];
	v37 =	vbroadcast v3, $0xB;
	v2 =	vmul.f32 v2, v59;
	[tilespmem:s29+$0xFFFFFFF0] =	vst v4  }
0x80: {  	v36 =	vld [tilespmem:s29+$0xFFFFFF20];
	v43 =	vmul.f32 v16, v12;
	[tilespmem:s29+$0xFFFFFF60] =	vst v1  }
0x81: {  	v40 =	vld [tilespmem:s29+$0x40];
	v10 =	vmul.f32 v10, v37;
	[tilespmem:s29+$0xFFFFFF90] =	vst v2  }
0x82: {  	v38 =	vld [tilespmem:s29+$0xFFFFFFE0];
	v39 =	vmul.f32 v31, v12;
	[tilespmem:s29+$0xB0] =	vst v43  }
0x83: {  	v52 =	vbroadcast v3, $0x1;
	v55 =	vld [tilespmem:s29+$0xF0];
	v18 =	vmul.f32 v32, v37;
	[tilespmem:s29+$0x60] =	vst v10  }
0x84: {  	v49 =	vld [tilespmem:s29+$0xFFFFFF70];
	v56 =	vbroadcast v3, $0xA;
	v53 =	vmul.f32 v34, v45;
	[tilespmem:s29+$0xA0] =	vst v39  }
0x85: {  	v46 =	vld [tilespmem:s29+$0x30];
	v13 =	vmul.f32 v36, v52;
	[tilespmem:s29+$0x70] =	vst v18  }
0x86: {  	v50 =	vld [tilespmem:s29+$0xFFFFFF80];
	v58 =	vmul.f32 v40, v56;
	[tilespmem:s29+$0xFFFFFFB0] =	vst v53  }
0x87: {  	v44 =	vld [tilespmem:s29+$0x20];
	v8 =	vmul.f32 v38, v47;
	[tilespmem:s29+$0xFFFFFF20] =	vst v13  }
0x88: {  	v57 =	vld [tilespmem:s29+$0xFFFFFF30];
	v60 =	vbroadcast v3, $0x9;
	v1 =	vmul.f32 v55, v5;
	[tilespmem:s29+$0x40] =	vst v58  }
0x89: {  	v42 =	vld [tilespmem:s29+$0x50];
	v61 =	vmul.f32 v49, v54;
	[tilespmem:s29+$0xFFFFFFE0] =	vst v8  }
0x8a: {  	v48 =	vld [tilespmem:s29+$0x0];
	v2 =	vmul.f32 v46, v60;
	[tilespmem:s29+$0xF0] =	vst v1  }
0x8b: {  	v51 =	vld [tilespmem:s29+$0x10];
	v62 =	vmul.f32 v50, v59;
	[tilespmem:s29+$0xFFFFFF70] =	vst v61  }
0x8c: {  	v1 =	vmul.f32 v44, v60;
	[tilespmem:s29+$0x30] =	vst v2  }
0x8d: {  	v3 =	vbroadcast v3, $0x8;
	v63 =	vmul.f32 v57, v52;
	[tilespmem:s29+$0xFFFFFF80] =	vst v62  }
0x8e: {  	[tilespmem:s29+$0x20] =	vst v1;
	v1 =	vmul.f32 v42, v56  }
0x8f: {  	v2 =	vmul.f32 v48, v3;
	[tilespmem:s29+$0xFFFFFF30] =	vst v63  }
0x90: {  	s28 =	sadd.s32 $0x1, s28;
	[tilespmem:s29+$0x50] =	vst v1;
	v1 =	vmul.f32 v51, v3  }
0x91: {  	p0 =	sne.s32 s28, $0x187;
	[tilespmem:s29+$0x0] =	vst v2  }
.Ltmp1:
0x92: {  	[tilespmem:s29+$0x10] =	vst v1;
	(pc) =	sbr.rel @p0 .LBB2_2-.Ltmp1, $4  }
0x93: {  	[spmem:s3] =	stream.indirect.scatter.add.f32 [tilespmem:s22], [sflag:$0x2], $0x20, s18, s21, $0xb8;
	[tilespmem:$0x1B760] =	vst v63  }
0x94: {  	_ =	swait.ge [sflag:s17], $0x1000  }
0x95: {  	[sflag:s17] =	ssyncset.done $0x0  }
0x96: {  	[sflag:s17] =	ssyncadd.s32 $0xFFFFF000  }
0x97: {  	[bflag:$0x0] =	sbarrier.arrive $0xFFFF;
	s0 =	simm.s32 $0x0;
	s28 =	simm.s32 $0x0  }
.LBB2_6:
0x98: {  	s29 =	smul.u32 $0x7D, s28;
	_ =	sdelay $0x1  }
0x99: {  	s29 =	sadd.s32 s12, s29  }
0x9a: {  	s30 =	sshll.u32 s29, $0x5  }
0x9b: {  	s30 =	sand.u32 $0x3FFFFFE0, s30  }
0x9c: {  	s30 =	sadd.s32 s30, s3  }
0x9d: {  	[tilespmem:s24], [sflag:$0x2] =	stream.linear.gather [spmem:s30], $0xFA0, $0x38;
	[tilespmem:$0x1B760] =	vst v63  }
0x9e: {  	s29 =	sadd.s32 s11, s29;
	_ =	swait.ge [sflag:s17], $0xFA0  }
0x9f: {  	s29 =	sshll.u32 s29, $0x2;
	[sflag:s17] =	ssyncset.done $0x0  }
0xa0: {  	s30 =	sadd.s32 s6, s29;
	[sflag:s17] =	ssyncadd.s32 $0xFFFFF060  }
0xa1: {  	[tilespmem:s25], [sflag:$0x2] =	stream.linear.gather [hbm4b:s30+s0], $0xFA0, $0x38;
	[tilespmem:$0x1B760] =	vst v63  }
0xa2: {  	_ =	swait.ge [sflag:s17], $0xFA0  }
0xa3: {  	[sflag:s17] =	ssyncset.done $0x0  }
0xa4: {  	s30 =	simm.s32 $0x0;
	[sflag:s17] =	ssyncadd.s32 $0xFFFFF060  }
0xa5: {  	v1 =	vld [tilespmem:s30+$0x19820]  }
0xa6: {  	v2 =	vld [tilespmem:s30+$0x19830]  }
0xa7: {  	s31 =	simm.s32 $0x80;
	v3 =	vld [tilespmem:s30+$0x1A7C0]  }
.LBB2_7:
0xa8: {  	p0 =	sne.s32 s31, $0x3E00;
	v4 =	vld [tilespmem:s30+$0x1A7D0];
	_ =	sdelay $0x2  }
.Ltmp2:
0xa9: {  	(pc) =	sbr.rel @p0 .LBB2_7-.Ltmp2, $4  }
0xaa: {  	s5 =	sshra.s32 s31, $0x2;
	v3 =	vadd.f32 v1, v3  }
0xab: {  	v1 =	vld [tilespmem:s5+$0x19820];
	v4 =	vadd.f32 v2, v4  }
0xac: {  	v2 =	vld [tilespmem:s5+$0x19830];
	[tilespmem:s30+$0x1A7C0] =	vst v3  }
0xad: {  	s31 =	sadd.s32 $0x80, s31;
	v3 =	vld [tilespmem:s5+$0x1A7C0];
	[tilespmem:s30+$0x1A7D0] =	vst v4;
	s30 =	smov.u32 s5  }
0xae: {  	v4 =	vld [tilespmem:s30+$0x1A7D0];
	_ =	sdelay $0x3  }
0xaf: {  	v1 =	vadd.f32 v1, v3  }
0xb0: {  	v2 =	vadd.f32 v2, v4  }
0xb1: {  	[tilespmem:s30+$0x1A7C0] =	vst v1  }
0xb2: {  	s5 =	sadd.s32 s9, s29;
	[tilespmem:s30+$0x1A7D0] =	vst v2  }
0xb3: {  	[hbm4b:s5+s4] =	stream.linear.scatter [tilespmem:s24], [sflag:$0x2], $0xFA0, $0x38;
	[tilespmem:$0x1B760] =	vst v63  }
0xb4: {  	s28 =	sadd.s32 $0x1, s28;
	_ =	swait.ge [sflag:s17], $0xFA0  }
0xb5: {  	p0 =	sne.s32 s28, $0x19;
	[sflag:s17] =	ssyncset.done $0x0  }
.Ltmp3:
0xb6: {  	s31 =	sadd.s32 s10, s29;
	[sflag:s17] =	ssyncadd.s32 $0xFFFFF060;
	(pc) =	sbr.rel @p0 .LBB2_6-.Ltmp3, $4  }
0xb7: {  	[hbm4b:s31+s4] =	stream.linear.scatter [tilespmem:s25], [sflag:$0x2], $0xFA0, $0x38;
	[tilespmem:$0x1B760] =	vst v63  }
0xb8: {  	_ =	swait.ge [sflag:s17], $0xFA0  }
0xb9: {  	[sflag:s17] =	ssyncset.done $0x0  }
0xba: {  	[sflag:s17] =	ssyncadd.s32 $0xFFFFF060  }
0xbb: {  	s26 =	sadd.s32 $0x1, s26  }
0xbc: {  	p0 =	sne.s32 s26, s15  }
.Ltmp4:
0xbd: {  	_ = 	snop;
	(pc) =	sbr.rel @p0 .LBB2_1-.Ltmp4, $1  }
0xbe: {  	_ =	sdelay $0x3  }
0xbf: {  	_ =	sfence.sel $0x180000  }
0xc0: {  	[bflag:$0x0] =	sbarrier.arrive $0xFFFF  }
0xc1: {  	_ =	strace $0x90000047  }
0xc2: {  	s0 =	stileid.u32;
	[bflag:$0x2] =	sbarrier.arrive $0xFFFF  }
0xc3: {  	p0 =	sne.s32 s0, $0x0;
	s0 =	rddreg [dreg:$0x4]  }
0xc4: {  	s0 =	sadd.s32 @!p0 $0x100000, s0  }
0xc5: {  	[sflag:s0] =	ssyncadd.tile.s32 @!p0 $0x1;
	_ =	shalt  }
.Lfunc_end2:
_tile_overlayer_lowered:
.L_overlay_start_2:
0xc6: {  	(tag) =	ssettag $0x2  }
0xc7: {  	s0 =	rddreg [dreg:$0x0];
	s2 =	stileid.u32  }
0xc8: {  	s1 =	rddreg [dreg:$0x1];
	p0 =	sne.s32 s2, $0x0  }
0xc9: {  	s3 =	rddreg [dreg:$0x2];
	[bflag:$0x3] =	sbarrier.arrive $0xFFFF;
	s2 =	simm.s32 @!p0 $0x1C02  }
0xca: {  	[timem:s3], [sflag:s2] =	dma.local @!p0 [hbm:s0], s1  }
0xcb: {  	s0 =	simm.s32 @!p0 $0x2  }
0xcc: {  	_ =	swait.ge @!p0 [sflag:s0], s1  }
0xcd: {  	s1 =	ssub.s32 @!p0 $0x0, s1;
	[sflag:s0] =	ssyncset.done @!p0 $0x0  }
0xce: {  	[sflag:s0] =	ssyncadd.s32 @!p0 s1  }
0xcf: {  	[bflag:$0x3] =	sbarrier.arrive $0xFFFF  }
0xd0: {  	_ =	shalt  }

// kernel: lightgcn_layer_m100.7.cloned.1.call-start
scs
__scs_entry_jumppad:
0x0: {  	(pc) =	sbr.rel $0x88, $3  }
0x1: {  	(tag) =	ssettag $0x0;
	lr =	simm.s32 $0x1  }
0x2: {  	[smem:$0x3F9D] =	sst lr;
	_ =	strace $0xD0000000  }
0x3: {  	_ = 	snop  }
0x4: {  	_ = 	snop  }
0x5: {  	_ = 	snop  }
0x6: {  	_ = 	snop  }
0x7: {  	_ = 	snop  }
__scs_overlays_trampoline_lowered:
0x8: {  	[smem:$0x3FAC] =	sst s0  }
0x9: {  	[smem:$0x3FAD] =	sst s1  }
0xa: {  	[smem:$0x3FAE] =	sst s2  }
0xb: {  	[smem:$0x3FAF] =	sst s3  }
0xc: {  	[smem:$0x3FB0] =	sst s4  }
0xd: {  	[smem:$0x3FB1] =	sst s5  }
0xe: {  	[smem:$0x3FB2] =	sst s6  }
0xf: {  	[smem:$0x3FB3] =	sst s7  }
0x10: {  	[smem:$0x3FB4] =	sst s8  }
0x11: {  	[smem:$0x3FB5] =	sst s9;
	s0 =	simm.s32 @!p0 $0x0  }
0x12: {  	s1 =	sld [smem:$0x3F9B];
	s0 =	simm.s32 @p0 $0x1  }
0x13: {  	[smem:$0x3FB6] =	sst s0;
	s0 =	simm.s32 @!p1 $0x0  }
0x14: {  	s2 =	sld [smem:$0x3F9A];
	s0 =	simm.s32 @p1 $0x1  }
0x15: {  	[smem:$0x3FB7] =	sst s0;
	s0 =	simm.s32 @!p2 $0x0  }
0x16: {  	s3 =	sld [smem:$0x3FDB];
	s0 =	simm.s32 @p2 $0x1  }
0x17: {  	s4 =	simm.s32 $0x1BF5;
	[smem:$0x3FB9] =	sst s0  }
0x18: {  	s0 =	sld [smem:$0x3F9C];
	_ =	swait.ge [sflag:s4], $0x0  }
0x19: {  	s7 =	sld [smem:$0x3F9D]  }
0x1a: {  	s8 =	sadd.s32 $0xFFFFE003, lr  }
0x1b: {  	s9 =	sadd.s32 $0xFFFFFEF7, lr;
	s5 =	simm.s32 $0xFFFFFFFF;
	p2 =	slt.u32 s8, $0xFFFFF086  }
0x1c: {  	p1 =	slt.u32 s9, $0xF7A;
	s5 =	simm.s32 @!p2 $0x0  }
0x1d: {  	s5 =	simm.s32 @p1 $0x1;
	p0 =	seq.s32 s7, s2  }
0x1e: {  	s7 =	smul.u32 @!p0 $0xF7A, s2;
	p2 =	seq.s32 @!p0 s5, $0x0  }
0x1f: {  	s9 =	smul.u32 $0xF7A, s1;
	s8 =	simm.s32 @!p0 $0x1BF5;
	p2 =	por !p2, p0  }
0x20: {  	[sflag:s8] =	ssyncset.s32 @!p0 $0xFFFFF086;
	s6 =	sadd.s32 @!p0 s3, s7;
	s7 =	simm.s32 @!p0 $0x108  }
0x21: {  	s3 =	sadd.s32 s3, s9;
	s6 =	sadd.s32 @!p0 $0x88, s6;
	s7 =	simm.s32 @p2 $0x1082  }
0x22: {  	[simem:s7], [sflag:s8] =	dma.local @!p0 [hbm:s6], $0xF7A  }
0x23: {  	s9 =	sor.u32 $0xD0000000, s2;
	s6 =	simm.s32 $0x108;
	_ =	swait.ge @!p0 [sflag:s8], $0x0  }
0x24: {  	s3 =	sadd.s32 $0x88, s3;
	s6 =	simm.s32 @!p1 $0x1082;
	[sflag:s4] =	ssyncset.s32 $0xFFFFF086  }
0x25: {  	[simem:s6], [sflag:s4] =	dma.local [hbm:s3], $0xF7A  }
0x26: {  	[smem:$0x3F9D] =	sst s1;
	(tag) =	ssettag s2;
	_ =	strace s9  }
0x27: {  	s1 =	sld [smem:$0x3FAD]  }
0x28: {  	s2 =	sld [smem:$0x3FAE]  }
0x29: {  	s4 =	sld [smem:$0x3FB0]  }
0x2a: {  	p0 =	seq.s32 s5, $0x0;
	s5 =	sld [smem:$0x3FB1]  }
0x2b: {  	s6 =	sld [smem:$0x3FB2]  }
0x2c: {  	s7 =	sld [smem:$0x3FB3]  }
0x2d: {  	s3 =	simm.s32 $0x108;
	s8 =	sld [smem:$0x3FB4]  }
0x2e: {  	s3 =	simm.s32 @!p0 $0x1082;
	s9 =	sld [smem:$0x3FB5]  }
0x2f: {  	lr =	sadd.s32 s0, s3;
	s0 =	sld [smem:$0x3FAC]  }
0x30: {  	s3 =	sld [smem:$0x3FAF]  }
0x31: {  	[smem:$0x3FB8] =	sst s10  }
0x32: {  	s10 =	sld [smem:$0x3FB6];
	_ =	sdelay $0x3  }
0x33: {  	p0 =	seq.s32 s10, $0x1;
	s10 =	sld [smem:$0x3FB8];
	_ =	sdelay $0x3  }
0x34: {  	[smem:$0x3FB8] =	sst s10  }
0x35: {  	s10 =	sld [smem:$0x3FB7];
	_ =	sdelay $0x3  }
0x36: {  	p1 =	seq.s32 s10, $0x1;
	s10 =	sld [smem:$0x3FB8];
	_ =	sdelay $0x3  }
0x37: {  	[smem:$0x3FB8] =	sst s10  }
0x38: {  	s10 =	sld [smem:$0x3FB9]  }
0x39: {  	_ = 	snop;
	(pc) =	sbr.ind lr, $3  }
0x3a: {  	_ = 	snop  }
0x3b: {  	_ = 	snop  }
0x3c: {  	p2 =	seq.s32 s10, $0x1;
	s10 =	sld [smem:$0x3FB8]  }
0x3d: {  	_ =	shalt  }
0x3e: {  	_ =	shalt  }
0x3f: {  	_ =	shalt  }
0x40: {  	_ =	shalt  }
0x41: {  	_ =	shalt  }
0x42: {  	_ =	shalt  }
0x43: {  	_ =	shalt  }
0x44: {  	_ =	shalt  }
0x45: {  	_ =	shalt  }
0x46: {  	_ =	shalt  }
0x47: {  	_ =	shalt  }
0x48: {  	_ =	shalt  }
0x49: {  	_ =	shalt  }
0x4a: {  	_ =	shalt  }
0x4b: {  	_ =	shalt  }
0x4c: {  	_ =	shalt  }
0x4d: {  	_ =	shalt  }
0x4e: {  	_ =	shalt  }
0x4f: {  	_ =	shalt  }
0x50: {  	_ =	shalt  }
0x51: {  	_ =	shalt  }
0x52: {  	_ =	shalt  }
0x53: {  	_ =	shalt  }
0x54: {  	_ =	shalt  }
0x55: {  	_ =	shalt  }
0x56: {  	_ =	shalt  }
0x57: {  	_ =	shalt  }
0x58: {  	_ =	shalt  }
0x59: {  	_ =	shalt  }
0x5a: {  	_ =	shalt  }
0x5b: {  	_ =	shalt  }
0x5c: {  	_ =	shalt  }
0x5d: {  	_ =	shalt  }
0x5e: {  	_ =	shalt  }
0x5f: {  	_ =	shalt  }
0x60: {  	_ =	shalt  }
0x61: {  	_ =	shalt  }
0x62: {  	_ =	shalt  }
0x63: {  	_ =	shalt  }
0x64: {  	_ =	shalt  }
0x65: {  	_ =	shalt  }
0x66: {  	_ =	shalt  }
0x67: {  	_ =	shalt  }
0x68: {  	_ =	shalt  }
0x69: {  	_ =	shalt  }
0x6a: {  	_ =	shalt  }
0x6b: {  	_ =	shalt  }
0x6c: {  	_ =	shalt  }
0x6d: {  	_ =	shalt  }
0x6e: {  	_ =	shalt  }
0x6f: {  	_ =	shalt  }
0x70: {  	_ =	shalt  }
0x71: {  	_ =	shalt  }
0x72: {  	_ =	shalt  }
0x73: {  	_ =	shalt  }
0x74: {  	_ =	shalt  }
0x75: {  	_ =	shalt  }
0x76: {  	_ =	shalt  }
0x77: {  	_ =	shalt  }
0x78: {  	_ =	shalt  }
0x79: {  	_ =	shalt  }
0x7a: {  	_ =	shalt  }
0x7b: {  	_ =	shalt  }
0x7c: {  	_ =	shalt  }
0x7d: {  	_ =	shalt  }
0x7e: {  	_ =	shalt  }
0x7f: {  	_ =	shalt  }
0x80: {  	_ =	shalt  }
0x81: {  	_ =	shalt  }
0x82: {  	_ =	shalt  }
0x83: {  	_ =	shalt  }
0x84: {  	_ =	shalt  }
0x85: {  	_ =	shalt  }
0x86: {  	_ =	shalt  }
0x87: {  	_ =	shalt  }
.Lfunc_end0:
.L_simem_size_0:
called_computation.1_lowered:
.L_overlay_start_0:
0x88: {  	s2 =	sld [smem:$0x3FD9]  }
0x89: {  	s3 =	sld [smem:$0x3FFE];
	_ =	sdelay $0x1  }
0x8a: {  	s1 =	srdreg.scid  }
0x8b: {  	s0 =	sand.u32 $0x1, s1  }
0x8c: {  	s14 =	sshll.u32 s0, $0xA;
	s2 =	sadd.s32 s3, s2  }
0x8d: {  	s2 =	sadd.s32 s2, s14  }
0x8e: {  	[smem:$0x3FC4] =	sst s2  }
0x8f: {  	_ = 	snop  }
0x90: {  	s2 =	sld [smem:$0x3FD0];
	_ =	sdelay $0x2  }
0x91: {  	s15 =	simm.s32 $0xA;
	s4 =	simm.s32 $0x10  }
0x92: {  	[smem:s4], [sflag:s15] =	dma.local [hbm:s2], $0x1  }
0x93: {  	_ =	swait.eq [sflag:s15], $0x1  }
0x94: {  	[sflag:s15] =	ssyncset.done $0x0  }
0x95: {  	s16 =	sld [smem:$0x10];
	[sflag:s15] =	ssyncadd.s32 $0xFFFFFFFF  }
0x96: {  	s17 =	sld [smem:$0x11];
	(tm) =	ssettm $0x1  }
0x97: {  	s18 =	sld [smem:$0x3FFB];
	_ =	sdelay $0x3  }
0x98: {  	_ =	strace s18  }
0x99: {  	s4 =	sld [smem:$0x3FFC];
	_ =	sdelay $0x3  }
0x9a: {  	_ =	strace s4  }
0x9b: {  	s4 =	sld [smem:$0x3FFD];
	_ =	sdelay $0x3  }
0x9c: {  	_ =	strace s4  }
0x9d: {  	_ =	strace $0x8FFFFFFF  }
0x9e: {  	s19 =	sld [smem:$0x3FDB];
	_ =	sdelay $0x1  }
0x9f: {  	s5 =	simm.s32 $_scs_section_size  }
0xa0: {  	s6 =	simm.s32 $_size__tile_overlayer_lowered;
	s7 =	simm.s32 $_tile_overlayer_lowered  }
0xa1: {  	s22 =	simm.s32 $0x1BFF;
	s21 =	sshll.u32 s7, $0x1;
	s4 =	sadd.s32 s5, s19  }
0xa2: {  	s8 =	simm.s32 $0x0;
	s20 =	sshll.u32 s6, $0x1;
	s6 =	sadd.s32 s21, s4  }
0xa3: {  	[timem:s8], [sflag:s22] =	dma.local [hbm:s6], s20  }
0xa4: {  	_ =	swait.ge [sflag:s22], s20  }
0xa5: {  	s5 =	ssub.s32 $0x0, s20;
	[sflag:s22] =	ssyncset.done $0x0  }
0xa6: {  	[sflag:s22] =	ssyncadd.s32 s5;
	_ =	sdelay $0x1  }
0xa7: {  	s23 =	simm.s32 $0x1B8B  }
0xa8: {  	_ =	swait.ge [sflag:s23], $0x1  }
0xa9: {  	[sflag:s23] =	ssyncset.done $0x0  }
0xaa: {  	s25 =	simm.s32 $0x1B8E;
	s24 =	sld [smem:$0x3FFE];
	[sflag:s23] =	ssyncadd.s32 $0xFFFFFFFF  }
0xab: {  	s26 =	simm.s32 $execute0_lowered;
	[smem:$0x3FD2] =	sst s25  }
0xac: {  	s6 =	sshll.u32 s26, $0x1;
	_ =	strace $0x80000049;
	[dreg:$0x1] =	wrdreg $0xFFFFFFFF  }
0xad: {  	s28 =	simm.s32 $_size_execute0_lowered;
	s4 =	sadd.s32 s4, s6;
	[dreg:$0x0] =	wrdreg $0x0  }
0xae: {  	s6 =	sshll.u32 s28, $0x1;
	[dreg:$0x2] =	wrdreg s4  }
0xaf: {  	[dreg:$0x3] =	wrdreg s6  }
0xb0: {  	[dreg:$0x4] =	wrdreg $0xC0  }
0xb1: {  	_ =	task [dreg:s8], $0x5FFFF  }
0xb2: {  	[dreg:$0x1] =	wrdreg $0xFFFFFFFF  }
0xb3: {  	[dreg:$0x0] =	wrdreg $0x60  }
0xb4: {  	[dreg:$0x2] =	wrdreg s24  }
0xb5: {  	[dreg:$0x3] =	wrdreg s17  }
0xb6: {  	[dreg:$0x4] =	wrdreg s16  }
0xb7: {  	[dreg:$0x5] =	wrdreg $0x0  }
0xb8: {  	[dreg:$0x6] =	wrdreg $0x9  }
0xb9: {  	_ =	task.clear_ibuf [dreg:s8], $0x7FFFF;
	_ =	strace $0x90000049  }
0xba: {  	s29 =	simm.s32 $0x9;
	_ =	strace $0x8000004B  }
0xbb: {  	_ =	swait.ge [sflag:s29], $0x1  }
0xbc: {  	[sflag:s29] =	ssyncadd.s32 $0xFFFFFFFF  }
0xbd: {  	_ =	strace $0x9000004B  }
0xbe: {  	_ =	sfence  }
0xbf: {  	s30 =	sld [smem:$0x0];
	_ =	sdelay $0x2  }
0xc0: {  	s31 =	sshll.u32 s1, $0xD;
	s1 =	sshrl.u32 s1, $0x2  }
0xc1: {  	s3 =	sand.u32 $0x4000, s31;
	s1 =	sadd.s32 s1, s30  }
0xc2: {  	s0 =	sor.u32 s3, s0;
	s1 =	sshll.u32 s1, $0x11  }
0xc3: {  	s0 =	sor.u32 s1, s0  }
0xc4: {  	s0 =	sadd.s32 $0x8F2B, s0  }
0xc5: {  	[sflag:s0] =	ssyncadd.remote.s32 $0x1  }
0xc6: {  	_ =	sfence.sel $0xFFFF  }
0xc7: {  	[dreg:$0x0] =	wrdreg $0xFFFFFFFF;
	(pc) =	sbr.abs _section_cstart, $3  }
0xc8: {  	[dreg:$0x1] =	wrdreg $0xFFFFFFFF  }
0xc9: {  	_ =	task.clear_ibuf [dreg:s8], $0x2FFFF;
	_ =	strace $0x9FFFFFFF  }
0xca: {  	(tm) =	ssettm $0x7FFFFFFF  }
0xcb: {  	_ =	shalt  }
tec
execute0_lowered:
.L_overlay_start_1:
0x0: {  	(tag) =	ssettag $0x1  }
0x1: {  	s0 =	rddreg [dreg:$0x0]  }
0x2: {  	s1 =	rddreg [dreg:$0x1]  }
0x3: {  	s2 =	rddreg [dreg:$0x2]  }
0x4: {  	s3 =	rddreg [dreg:$0x3]  }
0x5: {  	s4 =	simm.s32 $0x0;
	s6 =	srdreg.scid;
	s26 =	stileid.u32  }
0x6: {  	s18 =	simm.s32 $0x2;
	s19 =	simm.s32 $0x186A0;
	s20 =	simm.s32 $0x18720  }
0x7: {  	s21 =	simm.s32 $0x187A0;
	s22 =	simm.s32 $0x80;
	s23 =	simm.s32 $0x18820  }
0x8: {  	s24 =	simm.s32 $0x1;
	s25 =	simm.s32 $0x19820;
	s28 =	simm.s32 $0x0  }
0x9: {  	[smem:$0x7FF] =	sst s4;
	s5 =	sadd.s32 $0x1D600, s0;
	s7 =	sadd.s32 $0x1C00, s0  }
0xa: {  	s8 =	sadd.s32 $0x7F200, s0;
	s6 =	sand.u32 $0x1, s6;
	s9 =	sadd.s32 $0x1A400, s0  }
0xb: {  	s10 =	sadd.s32 $0xE0E00, s0;
	s14 =	smul.u32 $0x61A80, s26;
	s11 =	sadd.s32 $0x142A00, s0  }
0xc: {  	s31 =	sshll.u32 s26, $0x6;
	s15 =	smul.u32 $0xC380, s26;
	s12 =	ssub.s32 $0x2, s6  }
0xd: {  	_ =	strace $0x8000004A;
	[dreg:$0x5] =	wrdreg s9;
	s13 =	sshrl.u32 s12, $0x1  }
0xe: {  	s30 =	sshrl.u32 s14, $0x2;
	s29 =	ssub.s32 s12, s13;
	s12 =	smul.u32 $0xC350, s6  }
0xf: {  	s14 =	sor.u32 $0x1C02, s31;
	s13 =	smul.u32 $0xC35, s26;
	s6 =	sadd.s32 s30, s3  }
0x10: {  	s26 =	simm.s32 $0x1A7C0;
	s16 =	smax.u32 s29, $0x1;
	s17 =	sshrl.u32 s6, $0x3;
	v0 =	vmov s12  }
.LBB2_1:
0x11: {  	s0 =	rddreg [dreg:$0x5]  }
0x12: {  	[spmem:s17], [sflag:s14] =	dma.local [hbm:s0], $0x30D4  }
0x13: {  	_ =	swait.ge [sflag:s18], $0x30D4  }
0x14: {  	[sflag:s18] =	ssyncset.done $0x0  }
0x15: {  	[sflag:s18] =	ssyncadd.s32 $0xFFFFCF2C  }
0x16: {  	s29 =	simm.s32 $0x0;
	[bflag:$0x0] =	sbarrier.arrive $0xFFFF  }
.LBB2_2:
0x17: {  	s0 =	sshll.u32 s29, $0x7  }
0x18: {  	s0 =	sadd.s32 s15, s0  }
0x19: {  	s0 =	sshrl.u32 s0, $0x3  }
0x1a: {  	s30 =	simm.s32 $0x0;
	s6 =	sadd.s32 s1, s0  }
0x1b: {  	[tilespmem:s19], [sflag:$0x2] =	stream.linear.gather [hbm4b:s6+s30], $0x80, $0x38;
	[tilespmem:$0x1B760] =	vst v63  }
0x1c: {  	_ =	swait.ge [sflag:s18], $0x80  }
0x1d: {  	[sflag:s18] =	ssyncset.done $0x0  }
0x1e: {  	s9 =	sadd.s32 s2, s0;
	[sflag:s18] =	ssyncadd.s32 $0xFFFFFF80  }
0x1f: {  	[tilespmem:s20], [sflag:$0x2] =	stream.linear.gather [hbm4b:s9+s30], $0x80, $0x38;
	[tilespmem:$0x1B760] =	vst v63  }
0x20: {  	_ =	swait.ge [sflag:s18], $0x80  }
0x21: {  	[sflag:s18] =	ssyncset.done $0x0  }
0x22: {  	s0 =	sadd.s32 s7, s0;
	[sflag:s18] =	ssyncadd.s32 $0xFFFFFF80  }
0x23: {  	[tilespmem:s21], [sflag:$0x2] =	stream.linear.gather [hbm4b:s0+s30], $0x80, $0x38;
	[tilespmem:$0x1B760] =	vst v63  }
0x24: {  	_ =	swait.ge [sflag:s18], $0x80  }
0x25: {  	[sflag:s18] =	ssyncset.done $0x0  }
0x26: {  	[sflag:s18] =	ssyncadd.s32 $0xFFFFFF80  }
0x27: {  	v1 =	vld [tilespmem:$0x18720]  }
0x28: {  	v2 =	vld [tilespmem:$0x18730]  }
0x29: {  	v3 =	vld [tilespmem:$0x18740]  }
0x2a: {  	v4 =	vld [tilespmem:$0x18750]  }
0x2b: {  	v5 =	vld [tilespmem:$0x18760]  }
0x2c: {  	v6 =	vld [tilespmem:$0x18770];
	v1 =	vadd.s32 v0, v1  }
0x2d: {  	[tilespmem:$0x18720] =	vst v1;
	v1 =	vadd.s32 v0, v2;
	v2 =	vld [tilespmem:$0x18780]  }
0x2e: {  	[tilespmem:$0x18730] =	vst v1;
	v1 =	vadd.s32 v0, v3;
	v3 =	vld [tilespmem:$0x18790]  }
0x2f: {  	[tilespmem:$0x18740] =	vst v1;
	v1 =	vadd.s32 v0, v4  }
0x30: {  	[tilespmem:$0x18750] =	vst v1;
	v1 =	vadd.s32 v0, v5  }
0x31: {  	[tilespmem:$0x18760] =	vst v1;
	v1 =	vadd.s32 v0, v6  }
0x32: {  	[tilespmem:$0x18770] =	vst v1;
	v1 =	vadd.s32 v0, v2  }
0x33: {  	[tilespmem:$0x18780] =	vst v1;
	v1 =	vadd.s32 v0, v3  }
0x34: {  	[tilespmem:$0x18790] =	vst v1  }
0x35: {  	[tilespmem:s23], [sflag:$0x1] =	stream.indirect.gather [hbm4b:s5+s22], $0x20, s20, s22, $0xb8;
	[tilespmem:$0x1B760] =	vst v63  }
0x36: {  	_ =	swait.ge [sflag:s24], $0x1000  }
0x37: {  	[sflag:s24] =	ssyncset.done $0x0  }
0x38: {  	s30 =	simm.s32 $0x18920;
	[sflag:s24] =	ssyncadd.s32 $0xFFFFF000  }
0x39: {  	v6 =	vld [tilespmem:s30+$0xFFFFFFA0]  }
0x3a: {  	v4 =	vld [tilespmem:s30+$0xFFFFFFF0]  }
0x3b: {  	v1 =	vld [tilespmem:s30+$0xFFFFFF60]  }
0x3c: {  	v7 =	vld [tilespmem:s30+$0xFFFFFFD0]  }
0x3d: {  	v8 =	vld [tilespmem:s30+$0x80]  }
0x3e: {  	v11 =	vld [tilespmem:s30+$0xFFFFFF10]  }
0x3f: {  	v15 =	vld [tilespmem:s30+$0xE0]  }
0x40: {  	v10 =	vld [tilespmem:s30+$0xFFFFFF40]  }
0x41: {  	s9 =	simm.s32 $0x0;
	v2 =	vld [tilespmem:s30+$0xFFFFFF90]  }
0x42: {  	v3 =	vld [tilespmem:s9+$0x187A0]  }
0x43: {  	v9 =	vld [tilespmem:s30+$0xFFFFFFC0]  }
0x44: {  	v12 =	vld [tilespmem:s30+$0xFFFFFF00]  }
0x45: {  	v13 =	vld [tilespmem:s30+$0xD0]  }
0x46: {  	v22 =	vld [tilespmem:s30+$0xC0]  }
0x47: {  	v20 =	vld [tilespmem:s30+$0x90];
	v18 =	vbroadcast v3, $0x0;
	v5 =	vbroadcast v3, $0xF  }
0x48: {  	v21 =	vld [tilespmem:s30+$0xFFFFFF50];
	v19 =	vbroadcast v3, $0x2;
	v17 =	vbroadcast v3, $0xE  }
0x49: {  	v16 =	vld [tilespmem:s30+$0xB0];
	v14 =	vbroadcast v3, $0xC;
	v24 =	vmul.f32 v18, v12  }
0x4a: {  	s31 =	simm.s32 $0x40;
	s0 =	simm.s32 $0x18920;
	v12 =	vbroadcast v3, $0xD;
	v23 =	vmul.f32 v10, v19;
	v10 =	vld [tilespmem:s30+$0x60]  }
.LBB2_3:
0x4b: {  	p0 =	sne.s32 s31, $0x1C0  }
0x4c: {  	[tilespmem:s30+$0xFFFFFF00] =	vst v24;
	v24 =	vld [tilespmem:s30+$0xFFFFFFB0];
	v22 =	vmul.f32 v22, v17;
	v15 =	vmul.f32 v15, v5;
	s0 =	sadd.s32 $0x200, s0;
	s6 =	smov.u32 s31;
	s31 =	sadd.s32 $0x40, s31  }
0x4d: {  	[tilespmem:s30+$0xFFFFFF40] =	vst v23;
	v23 =	vbroadcast v3, $0xA;
	v20 =	vmul.f32 v20, v14;
	v25 =	vld [tilespmem:s30+$0xA0]  }
0x4e: {  	v11 =	vmul.f32 v11, v18;
	v18 =	vmul.f32 v21, v19;
	v19 =	vld [tilespmem:s30+$0x70];
	[tilespmem:s30+$0xE0] =	vst v15  }
0x4f: {  	v15 =	vbroadcast v3, $0x5;
	v21 =	vld [tilespmem:s30+$0xFFFFFFE0];
	v16 =	vmul.f32 v16, v12;
	[tilespmem:s30+$0xC0] =	vst v22  }
0x50: {  	v13 =	vmul.f32 v13, v17;
	[tilespmem:s30+$0xFFFFFF10] =	vst v11;
	v11 =	vbroadcast v3, $0x6;
	v22 =	vld [tilespmem:s30+$0x40]  }
0x51: {  	v26 =	vbroadcast v3, $0xB;
	v6 =	vmul.f32 v6, v15;
	v17 =	vld [tilespmem:s30+$0xFFFFFF20];
	[tilespmem:s30+$0x90] =	vst v20  }
0x52: {  	v20 =	vbroadcast v3, $0x9;
	[tilespmem:s30+$0xFFFFFF50] =	vst v18;
	v18 =	vld [tilespmem:s30+$0x20];
	v12 =	vmul.f32 v25, v12  }
0x53: {  	v15 =	vmul.f32 v24, v15;
	v24 =	vld [tilespmem:s30+$0x50];
	v19 =	vmul.f32 v19, v26;
	[tilespmem:s30+$0xD0] =	vst v13  }
0x54: {  	v8 =	vmul.f32 v8, v14;
	v13 =	vbroadcast v3, $0x7;
	v25 =	vld [tilespmem:s30+$0x30];
	[tilespmem:s30+$0xA0] =	vst v12  }
0x55: {  	v9 =	vmul.f32 v9, v11;
	v12 =	vbroadcast v3, $0x3;
	v14 =	vld [tilespmem:s30+$0x0];
	[tilespmem:s30+$0x70] =	vst v19  }
0x56: {  	v10 =	vmul.f32 v10, v26;
	v7 =	vmul.f32 v7, v11;
	v11 =	vld [tilespmem:s30+$0x10];
	[tilespmem:s30+$0x80] =	vst v8  }
0x57: {  	v19 =	vbroadcast v3, $0x8;
	v22 =	vmul.f32 v22, v23;
	v8 =	vld [tilespmem:s30+$0xFFFFFF30];
	[tilespmem:s30+$0xB0] =	vst v16  }
0x58: {  	v16 =	vbroadcast v3, $0x1;
	v26 =	vld [tilespmem:s30+$0xFFFFFF70];
	[tilespmem:s30+$0xFFFFFFD0] =	vst v7;
	v23 =	vmul.f32 v24, v23  }
0x59: {  	v4 =	vmul.f32 v4, v13;
	v7 =	vmul.f32 v21, v13;
	[tilespmem:s30+$0xFFFFFFC0] =	vst v9;
	v9 =	vld [tilespmem:s30+$0xF0]  }
0x5a: {  	v21 =	vmul.f32 v25, v20;
	v13 =	vld [tilespmem:s30+$0xFFFFFF80];
	[tilespmem:s30+$0xFFFFFFA0] =	vst v6;
	v14 =	vmul.f32 v14, v19  }
0x5b: {  	v6 =	vld [tilespmem:s0+$0xFFFFFFA0];
	[tilespmem:s30+$0xFFFFFFF0] =	vst v4;
	v19 =	vmul.f32 v11, v19;
	v11 =	vmul.f32 v18, v20  }
0x5c: {  	v4 =	vmul.f32 v17, v16;
	v16 =	vmul.f32 v8, v16;
	[tilespmem:s30+$0x60] =	vst v10  }
0x5d: {  	v1 =	vmul.f32 v1, v12;
	v8 =	vmul.f32 v26, v12;
	[tilespmem:s30+$0xFFFFFFB0] =	vst v15  }
0x5e: {  	v3 =	vbroadcast v3, $0x4;
	[tilespmem:s30+$0xFFFFFF20] =	vst v4;
	v4 =	vmul.f32 v9, v5  }
0x5f: {  	[tilespmem:s30+$0xFFFFFF60] =	vst v1  }
0x60: {  	v5 =	vmul.f32 v13, v3;
	v1 =	vmul.f32 v2, v3;
	[tilespmem:s30+$0x40] =	vst v22  }
0x61: {  	[tilespmem:s30+$0xFFFFFFE0] =	vst v7  }
0x62: {  	[tilespmem:s30+$0xF0] =	vst v4  }
0x63: {  	[tilespmem:s30+$0xFFFFFF90] =	vst v1  }
0x64: {  	v4 =	vld [tilespmem:s0+$0xFFFFFFF0];
	[tilespmem:s30+$0xFFFFFF70] =	vst v8  }
0x65: {  	v1 =	vld [tilespmem:s0+$0xFFFFFF60];
	[tilespmem:s30+$0x20] =	vst v11  }
0x66: {  	v7 =	vld [tilespmem:s0+$0xFFFFFFD0];
	[tilespmem:s30+$0x30] =	vst v21  }
0x67: {  	v8 =	vld [tilespmem:s0+$0x80];
	[tilespmem:s30+$0xFFFFFF80] =	vst v5  }
0x68: {  	v11 =	vld [tilespmem:s0+$0xFFFFFF10];
	[tilespmem:s30+$0x50] =	vst v23  }
0x69: {  	v15 =	vld [tilespmem:s0+$0xE0];
	[tilespmem:s30+$0x0] =	vst v14  }
0x6a: {  	v10 =	vld [tilespmem:s0+$0xFFFFFF40];
	[tilespmem:s30+$0xFFFFFF30] =	vst v16  }
0x6b: {  	s6 =	sshra.s32 s6, $0x2;
	v2 =	vld [tilespmem:s0+$0xFFFFFF90];
	[tilespmem:s30+$0x10] =	vst v19;
	s30 =	smov.u32 s0  }
0x6c: {  	v3 =	vld [tilespmem:s6+$0x187A0]  }
0x6d: {  	v9 =	vld [tilespmem:s0+$0xFFFFFFC0]  }
0x6e: {  	v12 =	vld [tilespmem:s0+$0xFFFFFF00]  }
0x6f: {  	v13 =	vld [tilespmem:s0+$0xD0]  }
.Ltmp0:
0x70: {  	v22 =	vld [tilespmem:s0+$0xC0];
	(pc) =	sbr.rel @p0 .LBB2_3-.Ltmp0, $4  }
0x71: {  	v18 =	vbroadcast v3, $0x0;
	v20 =	vld [tilespmem:s0+$0x90];
	v5 =	vbroadcast v3, $0xF  }
0x72: {  	v19 =	vbroadcast v3, $0x2;
	v17 =	vbroadcast v3, $0xE;
	v21 =	vld [tilespmem:s0+$0xFFFFFF50]  }
0x73: {  	v24 =	vmul.f32 v18, v12;
	v12 =	vbroadcast v3, $0xD;
	v16 =	vld [tilespmem:s0+$0xB0]  }
0x74: {  	v14 =	vbroadcast v3, $0xC;
	v23 =	vmul.f32 v10, v19;
	v10 =	vld [tilespmem:s0+$0x60]  }
0x75: {  	[tilespmem:s30+$0xFFFFFF00] =	vst v24;
	v15 =	vmul.f32 v15, v5  }
0x76: {  	v22 =	vmul.f32 v22, v17;
	[tilespmem:s30+$0xFFFFFF40] =	vst v23  }
0x77: {  	v11 =	vmul.f32 v11, v18;
	[tilespmem:s30+$0xE0] =	vst v15  }
0x78: {  	v35 =	vmul.f32 v13, v17;
	[tilespmem:s30+$0xC0] =	vst v22  }
0x79: {  	v33 =	vmul.f32 v20, v14;
	[tilespmem:s30+$0xFFFFFF10] =	vst v11  }
0x7a: {  	v41 =	vbroadcast v3, $0x6;
	v8 =	vmul.f32 v8, v14;
	[tilespmem:s30+$0xD0] =	vst v35  }
0x7b: {  	v19 =	vmul.f32 v21, v19;
	[tilespmem:s30+$0x90] =	vst v33  }
0x7c: {  	v45 =	vbroadcast v3, $0x5;
	v7 =	vmul.f32 v7, v41;
	[tilespmem:s30+$0x80] =	vst v8  }
0x7d: {  	v47 =	vbroadcast v3, $0x7;
	v9 =	vmul.f32 v9, v41;
	[tilespmem:s30+$0xFFFFFF50] =	vst v19  }
0x7e: {  	v54 =	vbroadcast v3, $0x3;
	v6 =	vmul.f32 v6, v45;
	[tilespmem:s30+$0xFFFFFFD0] =	vst v7  }
0x7f: {  	v31 =	vld [tilespmem:s30+$0xA0];
	v59 =	vbroadcast v3, $0x4;
	v4 =	vmul.f32 v4, v47;
	[tilespmem:s30+$0xFFFFFFC0] =	vst v9  }
0x80: {  	v32 =	vld [tilespmem:s30+$0x70];
	v1 =	vmul.f32 v1, v54;
	[tilespmem:s30+$0xFFFFFFA0] =	vst v6  }
0x81: {  	v34 =	vld [tilespmem:s30+$0xFFFFFFB0];
	v37 =	vbroadcast v3, $0xB;
	v2 =	vmul.f32 v2, v59;
	[tilespmem:s30+$0xFFFFFFF0] =	vst v4  }
0x82: {  	v36 =	vld [tilespmem:s30+$0xFFFFFF20];
	v43 =	vmul.f32 v16, v12;
	[tilespmem:s30+$0xFFFFFF60] =	vst v1  }
0x83: {  	v40 =	vld [tilespmem:s30+$0x40];
	v10 =	vmul.f32 v10, v37;
	[tilespmem:s30+$0xFFFFFF90] =	vst v2  }
0x84: {  	v38 =	vld [tilespmem:s30+$0xFFFFFFE0];
	v39 =	vmul.f32 v31, v12;
	[tilespmem:s30+$0xB0] =	vst v43  }
0x85: {  	v52 =	vbroadcast v3, $0x1;
	v55 =	vld [tilespmem:s30+$0xF0];
	v18 =	vmul.f32 v32, v37;
	[tilespmem:s30+$0x60] =	vst v10  }
0x86: {  	v49 =	vld [tilespmem:s30+$0xFFFFFF70];
	v56 =	vbroadcast v3, $0xA;
	v53 =	vmul.f32 v34, v45;
	[tilespmem:s30+$0xA0] =	vst v39  }
0x87: {  	v46 =	vld [tilespmem:s30+$0x30];
	v13 =	vmul.f32 v36, v52;
	[tilespmem:s30+$0x70] =	vst v18  }
0x88: {  	v50 =	vld [tilespmem:s30+$0xFFFFFF80];
	v58 =	vmul.f32 v40, v56;
	[tilespmem:s30+$0xFFFFFFB0] =	vst v53  }
0x89: {  	v44 =	vld [tilespmem:s30+$0x20];
	v8 =	vmul.f32 v38, v47;
	[tilespmem:s30+$0xFFFFFF20] =	vst v13  }
0x8a: {  	v57 =	vld [tilespmem:s30+$0xFFFFFF30];
	v60 =	vbroadcast v3, $0x9;
	v1 =	vmul.f32 v55, v5;
	[tilespmem:s30+$0x40] =	vst v58  }
0x8b: {  	v42 =	vld [tilespmem:s30+$0x50];
	v61 =	vmul.f32 v49, v54;
	[tilespmem:s30+$0xFFFFFFE0] =	vst v8  }
0x8c: {  	v48 =	vld [tilespmem:s30+$0x0];
	v2 =	vmul.f32 v46, v60;
	[tilespmem:s30+$0xF0] =	vst v1  }
0x8d: {  	v51 =	vld [tilespmem:s30+$0x10];
	v62 =	vmul.f32 v50, v59;
	[tilespmem:s30+$0xFFFFFF70] =	vst v61  }
0x8e: {  	v1 =	vmul.f32 v44, v60;
	[tilespmem:s30+$0x30] =	vst v2  }
0x8f: {  	v3 =	vbroadcast v3, $0x8;
	v63 =	vmul.f32 v57, v52;
	[tilespmem:s30+$0xFFFFFF80] =	vst v62  }
0x90: {  	[tilespmem:s30+$0x20] =	vst v1;
	v1 =	vmul.f32 v42, v56  }
0x91: {  	v2 =	vmul.f32 v48, v3;
	[tilespmem:s30+$0xFFFFFF30] =	vst v63  }
0x92: {  	s29 =	sadd.s32 $0x1, s29;
	[tilespmem:s30+$0x50] =	vst v1;
	v1 =	vmul.f32 v51, v3  }
0x93: {  	p0 =	sne.s32 s29, $0x187;
	[tilespmem:s30+$0x0] =	vst v2  }
.Ltmp1:
0x94: {  	[tilespmem:s30+$0x10] =	vst v1;
	(pc) =	sbr.rel @p0 .LBB2_2-.Ltmp1, $4  }
0x95: {  	[spmem:s3] =	stream.indirect.scatter.add.f32 [tilespmem:s23], [sflag:$0x2], $0x20, s19, s22, $0xb8;
	[tilespmem:$0x1B760] =	vst v63  }
0x96: {  	_ =	swait.ge [sflag:s18], $0x1000  }
0x97: {  	[sflag:s18] =	ssyncset.done $0x0  }
0x98: {  	[sflag:s18] =	ssyncadd.s32 $0xFFFFF000  }
0x99: {  	[bflag:$0x0] =	sbarrier.arrive $0xFFFF;
	s0 =	simm.s32 $0x0;
	s6 =	simm.s32 $0x0  }
.LBB2_6:
0x9a: {  	s29 =	smul.u32 $0x7D, s6;
	_ =	sdelay $0x1  }
0x9b: {  	s29 =	sadd.s32 s13, s29  }
0x9c: {  	s30 =	sshll.u32 s29, $0x5  }
0x9d: {  	s30 =	sand.u32 $0x3FFFFFE0, s30  }
0x9e: {  	s30 =	sadd.s32 s30, s3  }
0x9f: {  	[tilespmem:s25], [sflag:$0x2] =	stream.linear.gather [spmem:s30], $0xFA0, $0x38;
	[tilespmem:$0x1B760] =	vst v63  }
0xa0: {  	s29 =	sadd.s32 s12, s29;
	_ =	swait.ge [sflag:s18], $0xFA0  }
0xa1: {  	s29 =	sshll.u32 s29, $0x2;
	[sflag:s18] =	ssyncset.done $0x0  }
0xa2: {  	s30 =	sadd.s32 s8, s29;
	[sflag:s18] =	ssyncadd.s32 $0xFFFFF060  }
0xa3: {  	[tilespmem:s26], [sflag:$0x2] =	stream.linear.gather [hbm4b:s30+s0], $0xFA0, $0x38;
	[tilespmem:$0x1B760] =	vst v63  }
0xa4: {  	_ =	swait.ge [sflag:s18], $0xFA0  }
0xa5: {  	[sflag:s18] =	ssyncset.done $0x0  }
0xa6: {  	s30 =	simm.s32 $0x0;
	[sflag:s18] =	ssyncadd.s32 $0xFFFFF060  }
0xa7: {  	v1 =	vld [tilespmem:s30+$0x19820]  }
0xa8: {  	v2 =	vld [tilespmem:s30+$0x19830]  }
0xa9: {  	s31 =	simm.s32 $0x80;
	v3 =	vld [tilespmem:s30+$0x1A7C0]  }
.LBB2_7:
0xaa: {  	p0 =	sne.s32 s31, $0x3E00;
	v4 =	vld [tilespmem:s30+$0x1A7D0];
	_ =	sdelay $0x2  }
.Ltmp2:
0xab: {  	(pc) =	sbr.rel @p0 .LBB2_7-.Ltmp2, $4  }
0xac: {  	s9 =	sshra.s32 s31, $0x2;
	v3 =	vadd.f32 v1, v3  }
0xad: {  	v1 =	vld [tilespmem:s9+$0x19820];
	v4 =	vadd.f32 v2, v4  }
0xae: {  	v2 =	vld [tilespmem:s9+$0x19830];
	[tilespmem:s30+$0x1A7C0] =	vst v3  }
0xaf: {  	s31 =	sadd.s32 $0x80, s31;
	v3 =	vld [tilespmem:s9+$0x1A7C0];
	[tilespmem:s30+$0x1A7D0] =	vst v4;
	s30 =	smov.u32 s9  }
0xb0: {  	v4 =	vld [tilespmem:s30+$0x1A7D0];
	_ =	sdelay $0x3  }
0xb1: {  	v1 =	vadd.f32 v1, v3  }
0xb2: {  	v2 =	vadd.f32 v2, v4  }
0xb3: {  	[tilespmem:s30+$0x1A7C0] =	vst v1  }
0xb4: {  	s9 =	sadd.s32 s10, s29;
	[tilespmem:s30+$0x1A7D0] =	vst v2  }
0xb5: {  	[hbm4b:s9+s4] =	stream.linear.scatter [tilespmem:s25], [sflag:$0x2], $0xFA0, $0x38;
	[tilespmem:$0x1B760] =	vst v63  }
0xb6: {  	s6 =	sadd.s32 $0x1, s6;
	_ =	swait.ge [sflag:s18], $0xFA0  }
0xb7: {  	p0 =	sne.s32 s6, $0x19;
	[sflag:s18] =	ssyncset.done $0x0  }
.Ltmp3:
0xb8: {  	s31 =	sadd.s32 s11, s29;
	[sflag:s18] =	ssyncadd.s32 $0xFFFFF060;
	(pc) =	sbr.rel @p0 .LBB2_6-.Ltmp3, $4  }
0xb9: {  	[hbm4b:s31+s4] =	stream.linear.scatter [tilespmem:s26], [sflag:$0x2], $0xFA0, $0x38;
	[tilespmem:$0x1B760] =	vst v63  }
0xba: {  	_ =	swait.ge [sflag:s18], $0xFA0  }
0xbb: {  	[sflag:s18] =	ssyncset.done $0x0  }
0xbc: {  	[sflag:s18] =	ssyncadd.s32 $0xFFFFF060  }
0xbd: {  	s28 =	sadd.s32 $0x1, s28  }
0xbe: {  	p0 =	sne.s32 s28, s16  }
.Ltmp4:
0xbf: {  	_ = 	snop;
	(pc) =	sbr.rel @p0 .LBB2_1-.Ltmp4, $1  }
0xc0: {  	_ =	sdelay $0x3  }
0xc1: {  	_ =	sfence.sel $0x180000  }
0xc2: {  	[bflag:$0x0] =	sbarrier.arrive $0xFFFF  }
0xc3: {  	_ =	strace $0x9000004A  }
0xc4: {  	s0 =	stileid.u32;
	[bflag:$0x2] =	sbarrier.arrive $0xFFFF  }
0xc5: {  	p0 =	sne.s32 s0, $0x0;
	s0 =	rddreg [dreg:$0x4]  }
0xc6: {  	s0 =	sadd.s32 @!p0 $0x100000, s0  }
0xc7: {  	[sflag:s0] =	ssyncadd.tile.s32 @!p0 $0x1;
	_ =	shalt  }
.Lfunc_end2:
_tile_overlayer_lowered:
.L_overlay_start_2:
0xc8: {  	(tag) =	ssettag $0x2  }
0xc9: {  	s0 =	rddreg [dreg:$0x0];
	s2 =	stileid.u32  }
0xca: {  	s1 =	rddreg [dreg:$0x1];
	p0 =	sne.s32 s2, $0x0  }
0xcb: {  	s3 =	rddreg [dreg:$0x2];
	[bflag:$0x3] =	sbarrier.arrive $0xFFFF;
	s2 =	simm.s32 @!p0 $0x1C02  }
0xcc: {  	[timem:s3], [sflag:s2] =	dma.local @!p0 [hbm:s0], s1  }
0xcd: {  	s0 =	simm.s32 @!p0 $0x2  }
0xce: {  	_ =	swait.ge @!p0 [sflag:s0], s1  }
0xcf: {  	s1 =	ssub.s32 @!p0 $0x0, s1;
	[sflag:s0] =	ssyncset.done @!p0 $0x0  }
0xd0: {  	[sflag:s0] =	ssyncadd.s32 @!p0 s1  }
0xd1: {  	[bflag:$0x3] =	sbarrier.arrive $0xFFFF  }
0xd2: {  	_ =	shalt  }

// kernel: lightgcn_layer_m25.3.cloned.1.call-start
scs
__scs_entry_jumppad:
0x0: {  	(pc) =	sbr.rel $0x88, $3  }
0x1: {  	(tag) =	ssettag $0x0;
	lr =	simm.s32 $0x1  }
0x2: {  	[smem:$0x3F9D] =	sst lr;
	_ =	strace $0xD0000000  }
0x3: {  	_ = 	snop  }
0x4: {  	_ = 	snop  }
0x5: {  	_ = 	snop  }
0x6: {  	_ = 	snop  }
0x7: {  	_ = 	snop  }
__scs_overlays_trampoline_lowered:
0x8: {  	[smem:$0x3FAC] =	sst s0  }
0x9: {  	[smem:$0x3FAD] =	sst s1  }
0xa: {  	[smem:$0x3FAE] =	sst s2  }
0xb: {  	[smem:$0x3FAF] =	sst s3  }
0xc: {  	[smem:$0x3FB0] =	sst s4  }
0xd: {  	[smem:$0x3FB1] =	sst s5  }
0xe: {  	[smem:$0x3FB2] =	sst s6  }
0xf: {  	[smem:$0x3FB3] =	sst s7  }
0x10: {  	[smem:$0x3FB4] =	sst s8  }
0x11: {  	[smem:$0x3FB5] =	sst s9;
	s0 =	simm.s32 @!p0 $0x0  }
0x12: {  	s1 =	sld [smem:$0x3F9B];
	s0 =	simm.s32 @p0 $0x1  }
0x13: {  	[smem:$0x3FB6] =	sst s0;
	s0 =	simm.s32 @!p1 $0x0  }
0x14: {  	s2 =	sld [smem:$0x3F9A];
	s0 =	simm.s32 @p1 $0x1  }
0x15: {  	[smem:$0x3FB7] =	sst s0;
	s0 =	simm.s32 @!p2 $0x0  }
0x16: {  	s3 =	sld [smem:$0x3FDB];
	s0 =	simm.s32 @p2 $0x1  }
0x17: {  	s4 =	simm.s32 $0x1BF5;
	[smem:$0x3FB9] =	sst s0  }
0x18: {  	s0 =	sld [smem:$0x3F9C];
	_ =	swait.ge [sflag:s4], $0x0  }
0x19: {  	s7 =	sld [smem:$0x3F9D]  }
0x1a: {  	s8 =	sadd.s32 $0xFFFFE003, lr  }
0x1b: {  	s9 =	sadd.s32 $0xFFFFFEF7, lr;
	s5 =	simm.s32 $0xFFFFFFFF;
	p2 =	slt.u32 s8, $0xFFFFF086  }
0x1c: {  	p1 =	slt.u32 s9, $0xF7A;
	s5 =	simm.s32 @!p2 $0x0  }
0x1d: {  	s5 =	simm.s32 @p1 $0x1;
	p0 =	seq.s32 s7, s2  }
0x1e: {  	s7 =	smul.u32 @!p0 $0xF7A, s2;
	p2 =	seq.s32 @!p0 s5, $0x0  }
0x1f: {  	s9 =	smul.u32 $0xF7A, s1;
	s8 =	simm.s32 @!p0 $0x1BF5;
	p2 =	por !p2, p0  }
0x20: {  	[sflag:s8] =	ssyncset.s32 @!p0 $0xFFFFF086;
	s6 =	sadd.s32 @!p0 s3, s7;
	s7 =	simm.s32 @!p0 $0x108  }
0x21: {  	s3 =	sadd.s32 s3, s9;
	s6 =	sadd.s32 @!p0 $0x88, s6;
	s7 =	simm.s32 @p2 $0x1082  }
0x22: {  	[simem:s7], [sflag:s8] =	dma.local @!p0 [hbm:s6], $0xF7A  }
0x23: {  	s9 =	sor.u32 $0xD0000000, s2;
	s6 =	simm.s32 $0x108;
	_ =	swait.ge @!p0 [sflag:s8], $0x0  }
0x24: {  	s3 =	sadd.s32 $0x88, s3;
	s6 =	simm.s32 @!p1 $0x1082;
	[sflag:s4] =	ssyncset.s32 $0xFFFFF086  }
0x25: {  	[simem:s6], [sflag:s4] =	dma.local [hbm:s3], $0xF7A  }
0x26: {  	[smem:$0x3F9D] =	sst s1;
	(tag) =	ssettag s2;
	_ =	strace s9  }
0x27: {  	s1 =	sld [smem:$0x3FAD]  }
0x28: {  	s2 =	sld [smem:$0x3FAE]  }
0x29: {  	s4 =	sld [smem:$0x3FB0]  }
0x2a: {  	p0 =	seq.s32 s5, $0x0;
	s5 =	sld [smem:$0x3FB1]  }
0x2b: {  	s6 =	sld [smem:$0x3FB2]  }
0x2c: {  	s7 =	sld [smem:$0x3FB3]  }
0x2d: {  	s3 =	simm.s32 $0x108;
	s8 =	sld [smem:$0x3FB4]  }
0x2e: {  	s3 =	simm.s32 @!p0 $0x1082;
	s9 =	sld [smem:$0x3FB5]  }
0x2f: {  	lr =	sadd.s32 s0, s3;
	s0 =	sld [smem:$0x3FAC]  }
0x30: {  	s3 =	sld [smem:$0x3FAF]  }
0x31: {  	[smem:$0x3FB8] =	sst s10  }
0x32: {  	s10 =	sld [smem:$0x3FB6];
	_ =	sdelay $0x3  }
0x33: {  	p0 =	seq.s32 s10, $0x1;
	s10 =	sld [smem:$0x3FB8];
	_ =	sdelay $0x3  }
0x34: {  	[smem:$0x3FB8] =	sst s10  }
0x35: {  	s10 =	sld [smem:$0x3FB7];
	_ =	sdelay $0x3  }
0x36: {  	p1 =	seq.s32 s10, $0x1;
	s10 =	sld [smem:$0x3FB8];
	_ =	sdelay $0x3  }
0x37: {  	[smem:$0x3FB8] =	sst s10  }
0x38: {  	s10 =	sld [smem:$0x3FB9]  }
0x39: {  	_ = 	snop;
	(pc) =	sbr.ind lr, $3  }
0x3a: {  	_ = 	snop  }
0x3b: {  	_ = 	snop  }
0x3c: {  	p2 =	seq.s32 s10, $0x1;
	s10 =	sld [smem:$0x3FB8]  }
0x3d: {  	_ =	shalt  }
0x3e: {  	_ =	shalt  }
0x3f: {  	_ =	shalt  }
0x40: {  	_ =	shalt  }
0x41: {  	_ =	shalt  }
0x42: {  	_ =	shalt  }
0x43: {  	_ =	shalt  }
0x44: {  	_ =	shalt  }
0x45: {  	_ =	shalt  }
0x46: {  	_ =	shalt  }
0x47: {  	_ =	shalt  }
0x48: {  	_ =	shalt  }
0x49: {  	_ =	shalt  }
0x4a: {  	_ =	shalt  }
0x4b: {  	_ =	shalt  }
0x4c: {  	_ =	shalt  }
0x4d: {  	_ =	shalt  }
0x4e: {  	_ =	shalt  }
0x4f: {  	_ =	shalt  }
0x50: {  	_ =	shalt  }
0x51: {  	_ =	shalt  }
0x52: {  	_ =	shalt  }
0x53: {  	_ =	shalt  }
0x54: {  	_ =	shalt  }
0x55: {  	_ =	shalt  }
0x56: {  	_ =	shalt  }
0x57: {  	_ =	shalt  }
0x58: {  	_ =	shalt  }
0x59: {  	_ =	shalt  }
0x5a: {  	_ =	shalt  }
0x5b: {  	_ =	shalt  }
0x5c: {  	_ =	shalt  }
0x5d: {  	_ =	shalt  }
0x5e: {  	_ =	shalt  }
0x5f: {  	_ =	shalt  }
0x60: {  	_ =	shalt  }
0x61: {  	_ =	shalt  }
0x62: {  	_ =	shalt  }
0x63: {  	_ =	shalt  }
0x64: {  	_ =	shalt  }
0x65: {  	_ =	shalt  }
0x66: {  	_ =	shalt  }
0x67: {  	_ =	shalt  }
0x68: {  	_ =	shalt  }
0x69: {  	_ =	shalt  }
0x6a: {  	_ =	shalt  }
0x6b: {  	_ =	shalt  }
0x6c: {  	_ =	shalt  }
0x6d: {  	_ =	shalt  }
0x6e: {  	_ =	shalt  }
0x6f: {  	_ =	shalt  }
0x70: {  	_ =	shalt  }
0x71: {  	_ =	shalt  }
0x72: {  	_ =	shalt  }
0x73: {  	_ =	shalt  }
0x74: {  	_ =	shalt  }
0x75: {  	_ =	shalt  }
0x76: {  	_ =	shalt  }
0x77: {  	_ =	shalt  }
0x78: {  	_ =	shalt  }
0x79: {  	_ =	shalt  }
0x7a: {  	_ =	shalt  }
0x7b: {  	_ =	shalt  }
0x7c: {  	_ =	shalt  }
0x7d: {  	_ =	shalt  }
0x7e: {  	_ =	shalt  }
0x7f: {  	_ =	shalt  }
0x80: {  	_ =	shalt  }
0x81: {  	_ =	shalt  }
0x82: {  	_ =	shalt  }
0x83: {  	_ =	shalt  }
0x84: {  	_ =	shalt  }
0x85: {  	_ =	shalt  }
0x86: {  	_ =	shalt  }
0x87: {  	_ =	shalt  }
.Lfunc_end0:
.L_simem_size_0:
called_computation.2_lowered:
.L_overlay_start_0:
0x88: {  	s2 =	sld [smem:$0x3FD9]  }
0x89: {  	s3 =	sld [smem:$0x3FFE];
	_ =	sdelay $0x1  }
0x8a: {  	s1 =	srdreg.scid  }
0x8b: {  	s0 =	sand.u32 $0x1, s1  }
0x8c: {  	s14 =	sshll.u32 s0, $0xA;
	s2 =	sadd.s32 s3, s2  }
0x8d: {  	s2 =	sadd.s32 s2, s14  }
0x8e: {  	[smem:$0x3FC4] =	sst s2  }
0x8f: {  	_ = 	snop  }
0x90: {  	s2 =	sld [smem:$0x3FD0];
	_ =	sdelay $0x2  }
0x91: {  	s15 =	simm.s32 $0xA;
	s4 =	simm.s32 $0x10  }
0x92: {  	[smem:s4], [sflag:s15] =	dma.local [hbm:s2], $0x1  }
0x93: {  	_ =	swait.eq [sflag:s15], $0x1  }
0x94: {  	[sflag:s15] =	ssyncset.done $0x0  }
0x95: {  	s16 =	sld [smem:$0x10];
	[sflag:s15] =	ssyncadd.s32 $0xFFFFFFFF  }
0x96: {  	s17 =	sld [smem:$0x11];
	(tm) =	ssettm $0x1  }
0x97: {  	s18 =	sld [smem:$0x3FFB];
	_ =	sdelay $0x3  }
0x98: {  	_ =	strace s18  }
0x99: {  	s4 =	sld [smem:$0x3FFC];
	_ =	sdelay $0x3  }
0x9a: {  	_ =	strace s4  }
0x9b: {  	s4 =	sld [smem:$0x3FFD];
	_ =	sdelay $0x3  }
0x9c: {  	_ =	strace s4  }
0x9d: {  	_ =	strace $0x8FFFFFFF  }
0x9e: {  	s19 =	sld [smem:$0x3FDB];
	_ =	sdelay $0x1  }
0x9f: {  	s5 =	simm.s32 $_scs_section_size  }
0xa0: {  	s6 =	simm.s32 $_size__tile_overlayer_lowered;
	s7 =	simm.s32 $_tile_overlayer_lowered  }
0xa1: {  	s22 =	simm.s32 $0x1BFF;
	s21 =	sshll.u32 s7, $0x1;
	s4 =	sadd.s32 s5, s19  }
0xa2: {  	s8 =	simm.s32 $0x0;
	s20 =	sshll.u32 s6, $0x1;
	s6 =	sadd.s32 s21, s4  }
0xa3: {  	[timem:s8], [sflag:s22] =	dma.local [hbm:s6], s20  }
0xa4: {  	_ =	swait.ge [sflag:s22], s20  }
0xa5: {  	s5 =	ssub.s32 $0x0, s20;
	[sflag:s22] =	ssyncset.done $0x0  }
0xa6: {  	[sflag:s22] =	ssyncadd.s32 s5;
	_ =	sdelay $0x1  }
0xa7: {  	s23 =	simm.s32 $0x1B8B  }
0xa8: {  	_ =	swait.ge [sflag:s23], $0x1  }
0xa9: {  	[sflag:s23] =	ssyncset.done $0x0  }
0xaa: {  	s25 =	simm.s32 $0x1B8E;
	s24 =	sld [smem:$0x3FFE];
	[sflag:s23] =	ssyncadd.s32 $0xFFFFFFFF  }
0xab: {  	s26 =	simm.s32 $execute0_lowered;
	[smem:$0x3FD2] =	sst s25  }
0xac: {  	s6 =	sshll.u32 s26, $0x1;
	_ =	strace $0x8000004C;
	[dreg:$0x1] =	wrdreg $0xFFFFFFFF  }
0xad: {  	s28 =	simm.s32 $_size_execute0_lowered;
	s4 =	sadd.s32 s4, s6;
	[dreg:$0x0] =	wrdreg $0x0  }
0xae: {  	s6 =	sshll.u32 s28, $0x1;
	[dreg:$0x2] =	wrdreg s4  }
0xaf: {  	[dreg:$0x3] =	wrdreg s6  }
0xb0: {  	[dreg:$0x4] =	wrdreg $0xC0  }
0xb1: {  	_ =	task [dreg:s8], $0x5FFFF  }
0xb2: {  	[dreg:$0x1] =	wrdreg $0xFFFFFFFF  }
0xb3: {  	[dreg:$0x0] =	wrdreg $0x60  }
0xb4: {  	[dreg:$0x2] =	wrdreg s24  }
0xb5: {  	[dreg:$0x3] =	wrdreg s17  }
0xb6: {  	[dreg:$0x4] =	wrdreg s16  }
0xb7: {  	[dreg:$0x5] =	wrdreg $0x0  }
0xb8: {  	[dreg:$0x6] =	wrdreg $0x9  }
0xb9: {  	_ =	task.clear_ibuf [dreg:s8], $0x7FFFF;
	_ =	strace $0x9000004C  }
0xba: {  	s29 =	simm.s32 $0x9;
	_ =	strace $0x8000004E  }
0xbb: {  	_ =	swait.ge [sflag:s29], $0x1  }
0xbc: {  	[sflag:s29] =	ssyncadd.s32 $0xFFFFFFFF  }
0xbd: {  	_ =	strace $0x9000004E  }
0xbe: {  	_ =	sfence  }
0xbf: {  	s30 =	sld [smem:$0x0];
	_ =	sdelay $0x2  }
0xc0: {  	s31 =	sshll.u32 s1, $0xD;
	s1 =	sshrl.u32 s1, $0x2  }
0xc1: {  	s3 =	sand.u32 $0x4000, s31;
	s1 =	sadd.s32 s1, s30  }
0xc2: {  	s0 =	sor.u32 s3, s0;
	s1 =	sshll.u32 s1, $0x11  }
0xc3: {  	s0 =	sor.u32 s1, s0  }
0xc4: {  	s0 =	sadd.s32 $0x8F2B, s0  }
0xc5: {  	[sflag:s0] =	ssyncadd.remote.s32 $0x1  }
0xc6: {  	_ =	sfence.sel $0xFFFF  }
0xc7: {  	[dreg:$0x0] =	wrdreg $0xFFFFFFFF;
	(pc) =	sbr.abs _section_cstart, $3  }
0xc8: {  	[dreg:$0x1] =	wrdreg $0xFFFFFFFF  }
0xc9: {  	_ =	task.clear_ibuf [dreg:s8], $0x2FFFF;
	_ =	strace $0x9FFFFFFF  }
0xca: {  	(tm) =	ssettm $0x7FFFFFFF  }
0xcb: {  	_ =	shalt  }
tec
execute0_lowered:
.L_overlay_start_1:
0x0: {  	(tag) =	ssettag $0x1  }
0x1: {  	s0 =	rddreg [dreg:$0x0]  }
0x2: {  	s1 =	rddreg [dreg:$0x1]  }
0x3: {  	s2 =	rddreg [dreg:$0x2]  }
0x4: {  	s3 =	rddreg [dreg:$0x3]  }
0x5: {  	s4 =	simm.s32 $0x0;
	s6 =	srdreg.scid;
	s26 =	stileid.u32  }
0x6: {  	s18 =	simm.s32 $0x2;
	s19 =	simm.s32 $0x186A0;
	s20 =	simm.s32 $0x18720  }
0x7: {  	s21 =	simm.s32 $0x187A0;
	s22 =	simm.s32 $0x80;
	s23 =	simm.s32 $0x18820  }
0x8: {  	s24 =	simm.s32 $0x1;
	s25 =	simm.s32 $0x19820;
	s28 =	simm.s32 $0x0  }
0x9: {  	[smem:$0x7FF] =	sst s4;
	s5 =	sadd.s32 $0xE0E00, s0;
	s7 =	sadd.s32 $0x1C00, s0  }
0xa: {  	s8 =	sadd.s32 $0x142A00, s0;
	s6 =	sand.u32 $0x1, s6;
	s9 =	sadd.s32 $0x1A400, s0  }
0xb: {  	s10 =	sadd.s32 $0x1D600, s0;
	s14 =	smul.u32 $0x61A80, s26;
	s11 =	sadd.s32 $0x7F200, s0  }
0xc: {  	s31 =	sshll.u32 s26, $0x6;
	s15 =	smul.u32 $0xC380, s26;
	s12 =	ssub.s32 $0x2, s6  }
0xd: {  	_ =	strace $0x8000004D;
	[dreg:$0x5] =	wrdreg s9;
	s13 =	sshrl.u32 s12, $0x1  }
0xe: {  	s30 =	sshrl.u32 s14, $0x2;
	s29 =	ssub.s32 s12, s13;
	s12 =	smul.u32 $0xC350, s6  }
0xf: {  	s14 =	sor.u32 $0x1C02, s31;
	s13 =	smul.u32 $0xC35, s26;
	s6 =	sadd.s32 s30, s3  }
0x10: {  	s26 =	simm.s32 $0x1A7C0;
	s16 =	smax.u32 s29, $0x1;
	s17 =	sshrl.u32 s6, $0x3;
	v0 =	vmov s12  }
.LBB2_1:
0x11: {  	s0 =	rddreg [dreg:$0x5]  }
0x12: {  	[spmem:s17], [sflag:s14] =	dma.local [hbm:s0], $0x30D4  }
0x13: {  	_ =	swait.ge [sflag:s18], $0x30D4  }
0x14: {  	[sflag:s18] =	ssyncset.done $0x0  }
0x15: {  	[sflag:s18] =	ssyncadd.s32 $0xFFFFCF2C  }
0x16: {  	s29 =	simm.s32 $0x0;
	[bflag:$0x0] =	sbarrier.arrive $0xFFFF  }
.LBB2_2:
0x17: {  	s0 =	sshll.u32 s29, $0x7  }
0x18: {  	s0 =	sadd.s32 s15, s0  }
0x19: {  	s0 =	sshrl.u32 s0, $0x3  }
0x1a: {  	s30 =	simm.s32 $0x0;
	s6 =	sadd.s32 s1, s0  }
0x1b: {  	[tilespmem:s19], [sflag:$0x2] =	stream.linear.gather [hbm4b:s6+s30], $0x80, $0x38;
	[tilespmem:$0x1B760] =	vst v63  }
0x1c: {  	_ =	swait.ge [sflag:s18], $0x80  }
0x1d: {  	[sflag:s18] =	ssyncset.done $0x0  }
0x1e: {  	s9 =	sadd.s32 s2, s0;
	[sflag:s18] =	ssyncadd.s32 $0xFFFFFF80  }
0x1f: {  	[tilespmem:s20], [sflag:$0x2] =	stream.linear.gather [hbm4b:s9+s30], $0x80, $0x38;
	[tilespmem:$0x1B760] =	vst v63  }
0x20: {  	_ =	swait.ge [sflag:s18], $0x80  }
0x21: {  	[sflag:s18] =	ssyncset.done $0x0  }
0x22: {  	s0 =	sadd.s32 s7, s0;
	[sflag:s18] =	ssyncadd.s32 $0xFFFFFF80  }
0x23: {  	[tilespmem:s21], [sflag:$0x2] =	stream.linear.gather [hbm4b:s0+s30], $0x80, $0x38;
	[tilespmem:$0x1B760] =	vst v63  }
0x24: {  	_ =	swait.ge [sflag:s18], $0x80  }
0x25: {  	[sflag:s18] =	ssyncset.done $0x0  }
0x26: {  	[sflag:s18] =	ssyncadd.s32 $0xFFFFFF80  }
0x27: {  	v1 =	vld [tilespmem:$0x18720]  }
0x28: {  	v2 =	vld [tilespmem:$0x18730]  }
0x29: {  	v3 =	vld [tilespmem:$0x18740]  }
0x2a: {  	v4 =	vld [tilespmem:$0x18750]  }
0x2b: {  	v5 =	vld [tilespmem:$0x18760]  }
0x2c: {  	v6 =	vld [tilespmem:$0x18770];
	v1 =	vadd.s32 v0, v1  }
0x2d: {  	[tilespmem:$0x18720] =	vst v1;
	v1 =	vadd.s32 v0, v2;
	v2 =	vld [tilespmem:$0x18780]  }
0x2e: {  	[tilespmem:$0x18730] =	vst v1;
	v1 =	vadd.s32 v0, v3;
	v3 =	vld [tilespmem:$0x18790]  }
0x2f: {  	[tilespmem:$0x18740] =	vst v1;
	v1 =	vadd.s32 v0, v4  }
0x30: {  	[tilespmem:$0x18750] =	vst v1;
	v1 =	vadd.s32 v0, v5  }
0x31: {  	[tilespmem:$0x18760] =	vst v1;
	v1 =	vadd.s32 v0, v6  }
0x32: {  	[tilespmem:$0x18770] =	vst v1;
	v1 =	vadd.s32 v0, v2  }
0x33: {  	[tilespmem:$0x18780] =	vst v1;
	v1 =	vadd.s32 v0, v3  }
0x34: {  	[tilespmem:$0x18790] =	vst v1  }
0x35: {  	[tilespmem:s23], [sflag:$0x1] =	stream.indirect.gather [hbm4b:s5+s22], $0x20, s20, s22, $0xb8;
	[tilespmem:$0x1B760] =	vst v63  }
0x36: {  	_ =	swait.ge [sflag:s24], $0x1000  }
0x37: {  	[sflag:s24] =	ssyncset.done $0x0  }
0x38: {  	s30 =	simm.s32 $0x18920;
	[sflag:s24] =	ssyncadd.s32 $0xFFFFF000  }
0x39: {  	v6 =	vld [tilespmem:s30+$0xFFFFFFA0]  }
0x3a: {  	v4 =	vld [tilespmem:s30+$0xFFFFFFF0]  }
0x3b: {  	v1 =	vld [tilespmem:s30+$0xFFFFFF60]  }
0x3c: {  	v7 =	vld [tilespmem:s30+$0xFFFFFFD0]  }
0x3d: {  	v8 =	vld [tilespmem:s30+$0x80]  }
0x3e: {  	v11 =	vld [tilespmem:s30+$0xFFFFFF10]  }
0x3f: {  	v15 =	vld [tilespmem:s30+$0xE0]  }
0x40: {  	v10 =	vld [tilespmem:s30+$0xFFFFFF40]  }
0x41: {  	s9 =	simm.s32 $0x0;
	v2 =	vld [tilespmem:s30+$0xFFFFFF90]  }
0x42: {  	v3 =	vld [tilespmem:s9+$0x187A0]  }
0x43: {  	v9 =	vld [tilespmem:s30+$0xFFFFFFC0]  }
0x44: {  	v12 =	vld [tilespmem:s30+$0xFFFFFF00]  }
0x45: {  	v13 =	vld [tilespmem:s30+$0xD0]  }
0x46: {  	v22 =	vld [tilespmem:s30+$0xC0]  }
0x47: {  	v20 =	vld [tilespmem:s30+$0x90];
	v18 =	vbroadcast v3, $0x0;
	v5 =	vbroadcast v3, $0xF  }
0x48: {  	v21 =	vld [tilespmem:s30+$0xFFFFFF50];
	v19 =	vbroadcast v3, $0x2;
	v17 =	vbroadcast v3, $0xE  }
0x49: {  	v16 =	vld [tilespmem:s30+$0xB0];
	v14 =	vbroadcast v3, $0xC;
	v24 =	vmul.f32 v18, v12  }
0x4a: {  	s31 =	simm.s32 $0x40;
	s0 =	simm.s32 $0x18920;
	v12 =	vbroadcast v3, $0xD;
	v23 =	vmul.f32 v10, v19;
	v10 =	vld [tilespmem:s30+$0x60]  }
.LBB2_3:
0x4b: {  	p0 =	sne.s32 s31, $0x1C0  }
0x4c: {  	[tilespmem:s30+$0xFFFFFF00] =	vst v24;
	v24 =	vld [tilespmem:s30+$0xFFFFFFB0];
	v22 =	vmul.f32 v22, v17;
	v15 =	vmul.f32 v15, v5;
	s0 =	sadd.s32 $0x200, s0;
	s6 =	smov.u32 s31;
	s31 =	sadd.s32 $0x40, s31  }
0x4d: {  	[tilespmem:s30+$0xFFFFFF40] =	vst v23;
	v23 =	vbroadcast v3, $0xA;
	v20 =	vmul.f32 v20, v14;
	v25 =	vld [tilespmem:s30+$0xA0]  }
0x4e: {  	v11 =	vmul.f32 v11, v18;
	v18 =	vmul.f32 v21, v19;
	v19 =	vld [tilespmem:s30+$0x70];
	[tilespmem:s30+$0xE0] =	vst v15  }
0x4f: {  	v15 =	vbroadcast v3, $0x5;
	v21 =	vld [tilespmem:s30+$0xFFFFFFE0];
	v16 =	vmul.f32 v16, v12;
	[tilespmem:s30+$0xC0] =	vst v22  }
0x50: {  	v13 =	vmul.f32 v13, v17;
	[tilespmem:s30+$0xFFFFFF10] =	vst v11;
	v11 =	vbroadcast v3, $0x6;
	v22 =	vld [tilespmem:s30+$0x40]  }
0x51: {  	v26 =	vbroadcast v3, $0xB;
	v6 =	vmul.f32 v6, v15;
	v17 =	vld [tilespmem:s30+$0xFFFFFF20];
	[tilespmem:s30+$0x90] =	vst v20  }
0x52: {  	v20 =	vbroadcast v3, $0x9;
	[tilespmem:s30+$0xFFFFFF50] =	vst v18;
	v18 =	vld [tilespmem:s30+$0x20];
	v12 =	vmul.f32 v25, v12  }
0x53: {  	v15 =	vmul.f32 v24, v15;
	v24 =	vld [tilespmem:s30+$0x50];
	v19 =	vmul.f32 v19, v26;
	[tilespmem:s30+$0xD0] =	vst v13  }
0x54: {  	v8 =	vmul.f32 v8, v14;
	v13 =	vbroadcast v3, $0x7;
	v25 =	vld [tilespmem:s30+$0x30];
	[tilespmem:s30+$0xA0] =	vst v12  }
0x55: {  	v9 =	vmul.f32 v9, v11;
	v12 =	vbroadcast v3, $0x3;
	v14 =	vld [tilespmem:s30+$0x0];
	[tilespmem:s30+$0x70] =	vst v19  }
0x56: {  	v10 =	vmul.f32 v10, v26;
	v7 =	vmul.f32 v7, v11;
	v11 =	vld [tilespmem:s30+$0x10];
	[tilespmem:s30+$0x80] =	vst v8  }
0x57: {  	v19 =	vbroadcast v3, $0x8;
	v22 =	vmul.f32 v22, v23;
	v8 =	vld [tilespmem:s30+$0xFFFFFF30];
	[tilespmem:s30+$0xB0] =	vst v16  }
0x58: {  	v16 =	vbroadcast v3, $0x1;
	v26 =	vld [tilespmem:s30+$0xFFFFFF70];
	[tilespmem:s30+$0xFFFFFFD0] =	vst v7;
	v23 =	vmul.f32 v24, v23  }
0x59: {  	v4 =	vmul.f32 v4, v13;
	v7 =	vmul.f32 v21, v13;
	[tilespmem:s30+$0xFFFFFFC0] =	vst v9;
	v9 =	vld [tilespmem:s30+$0xF0]  }
0x5a: {  	v21 =	vmul.f32 v25, v20;
	v13 =	vld [tilespmem:s30+$0xFFFFFF80];
	[tilespmem:s30+$0xFFFFFFA0] =	vst v6;
	v14 =	vmul.f32 v14, v19  }
0x5b: {  	v6 =	vld [tilespmem:s0+$0xFFFFFFA0];
	[tilespmem:s30+$0xFFFFFFF0] =	vst v4;
	v19 =	vmul.f32 v11, v19;
	v11 =	vmul.f32 v18, v20  }
0x5c: {  	v4 =	vmul.f32 v17, v16;
	v16 =	vmul.f32 v8, v16;
	[tilespmem:s30+$0x60] =	vst v10  }
0x5d: {  	v1 =	vmul.f32 v1, v12;
	v8 =	vmul.f32 v26, v12;
	[tilespmem:s30+$0xFFFFFFB0] =	vst v15  }
0x5e: {  	v3 =	vbroadcast v3, $0x4;
	[tilespmem:s30+$0xFFFFFF20] =	vst v4;
	v4 =	vmul.f32 v9, v5  }
0x5f: {  	[tilespmem:s30+$0xFFFFFF60] =	vst v1  }
0x60: {  	v5 =	vmul.f32 v13, v3;
	v1 =	vmul.f32 v2, v3;
	[tilespmem:s30+$0x40] =	vst v22  }
0x61: {  	[tilespmem:s30+$0xFFFFFFE0] =	vst v7  }
0x62: {  	[tilespmem:s30+$0xF0] =	vst v4  }
0x63: {  	[tilespmem:s30+$0xFFFFFF90] =	vst v1  }
0x64: {  	v4 =	vld [tilespmem:s0+$0xFFFFFFF0];
	[tilespmem:s30+$0xFFFFFF70] =	vst v8  }
0x65: {  	v1 =	vld [tilespmem:s0+$0xFFFFFF60];
	[tilespmem:s30+$0x20] =	vst v11  }
0x66: {  	v7 =	vld [tilespmem:s0+$0xFFFFFFD0];
	[tilespmem:s30+$0x30] =	vst v21  }
0x67: {  	v8 =	vld [tilespmem:s0+$0x80];
	[tilespmem:s30+$0xFFFFFF80] =	vst v5  }
0x68: {  	v11 =	vld [tilespmem:s0+$0xFFFFFF10];
	[tilespmem:s30+$0x50] =	vst v23  }
0x69: {  	v15 =	vld [tilespmem:s0+$0xE0];
	[tilespmem:s30+$0x0] =	vst v14  }
0x6a: {  	v10 =	vld [tilespmem:s0+$0xFFFFFF40];
	[tilespmem:s30+$0xFFFFFF30] =	vst v16  }
0x6b: {  	s6 =	sshra.s32 s6, $0x2;
	v2 =	vld [tilespmem:s0+$0xFFFFFF90];
	[tilespmem:s30+$0x10] =	vst v19;
	s30 =	smov.u32 s0  }
0x6c: {  	v3 =	vld [tilespmem:s6+$0x187A0]  }
0x6d: {  	v9 =	vld [tilespmem:s0+$0xFFFFFFC0]  }
0x6e: {  	v12 =	vld [tilespmem:s0+$0xFFFFFF00]  }
0x6f: {  	v13 =	vld [tilespmem:s0+$0xD0]  }
.Ltmp0:
0x70: {  	v22 =	vld [tilespmem:s0+$0xC0];
	(pc) =	sbr.rel @p0 .LBB2_3-.Ltmp0, $4  }
0x71: {  	v18 =	vbroadcast v3, $0x0;
	v20 =	vld [tilespmem:s0+$0x90];
	v5 =	vbroadcast v3, $0xF  }
0x72: {  	v19 =	vbroadcast v3, $0x2;
	v17 =	vbroadcast v3, $0xE;
	v21 =	vld [tilespmem:s0+$0xFFFFFF50]  }
0x73: {  	v24 =	vmul.f32 v18, v12;
	v12 =	vbroadcast v3, $0xD;
	v16 =	vld [tilespmem:s0+$0xB0]  }
0x74: {  	v14 =	vbroadcast v3, $0xC;
	v23 =	vmul.f32 v10, v19;
	v10 =	vld [tilespmem:s0+$0x60]  }
0x75: {  	[tilespmem:s30+$0xFFFFFF00] =	vst v24;
	v15 =	vmul.f32 v15, v5  }
0x76: {  	v22 =	vmul.f32 v22, v17;
	[tilespmem:s30+$0xFFFFFF40] =	vst v23  }
0x77: {  	v11 =	vmul.f32 v11, v18;
	[tilespmem:s30+$0xE0] =	vst v15  }
0x78: {  	v35 =	vmul.f32 v13, v17;
	[tilespmem:s30+$0xC0] =	vst v22  }
0x79: {  	v33 =	vmul.f32 v20, v14;
	[tilespmem:s30+$0xFFFFFF10] =	vst v11  }
0x7a: {  	v41 =	vbroadcast v3, $0x6;
	v8 =	vmul.f32 v8, v14;
	[tilespmem:s30+$0xD0] =	vst v35  }
0x7b: {  	v19 =	vmul.f32 v21, v19;
	[tilespmem:s30+$0x90] =	vst v33  }
0x7c: {  	v45 =	vbroadcast v3, $0x5;
	v7 =	vmul.f32 v7, v41;
	[tilespmem:s30+$0x80] =	vst v8  }
0x7d: {  	v47 =	vbroadcast v3, $0x7;
	v9 =	vmul.f32 v9, v41;
	[tilespmem:s30+$0xFFFFFF50] =	vst v19  }
0x7e: {  	v54 =	vbroadcast v3, $0x3;
	v6 =	vmul.f32 v6, v45;
	[tilespmem:s30+$0xFFFFFFD0] =	vst v7  }
0x7f: {  	v31 =	vld [tilespmem:s30+$0xA0];
	v59 =	vbroadcast v3, $0x4;
	v4 =	vmul.f32 v4, v47;
	[tilespmem:s30+$0xFFFFFFC0] =	vst v9  }
0x80: {  	v32 =	vld [tilespmem:s30+$0x70];
	v1 =	vmul.f32 v1, v54;
	[tilespmem:s30+$0xFFFFFFA0] =	vst v6  }
0x81: {  	v34 =	vld [tilespmem:s30+$0xFFFFFFB0];
	v37 =	vbroadcast v3, $0xB;
	v2 =	vmul.f32 v2, v59;
	[tilespmem:s30+$0xFFFFFFF0] =	vst v4  }
0x82: {  	v36 =	vld [tilespmem:s30+$0xFFFFFF20];
	v43 =	vmul.f32 v16, v12;
	[tilespmem:s30+$0xFFFFFF60] =	vst v1  }
0x83: {  	v40 =	vld [tilespmem:s30+$0x40];
	v10 =	vmul.f32 v10, v37;
	[tilespmem:s30+$0xFFFFFF90] =	vst v2  }
0x84: {  	v38 =	vld [tilespmem:s30+$0xFFFFFFE0];
	v39 =	vmul.f32 v31, v12;
	[tilespmem:s30+$0xB0] =	vst v43  }
0x85: {  	v52 =	vbroadcast v3, $0x1;
	v55 =	vld [tilespmem:s30+$0xF0];
	v18 =	vmul.f32 v32, v37;
	[tilespmem:s30+$0x60] =	vst v10  }
0x86: {  	v49 =	vld [tilespmem:s30+$0xFFFFFF70];
	v56 =	vbroadcast v3, $0xA;
	v53 =	vmul.f32 v34, v45;
	[tilespmem:s30+$0xA0] =	vst v39  }
0x87: {  	v46 =	vld [tilespmem:s30+$0x30];
	v13 =	vmul.f32 v36, v52;
	[tilespmem:s30+$0x70] =	vst v18  }
0x88: {  	v50 =	vld [tilespmem:s30+$0xFFFFFF80];
	v58 =	vmul.f32 v40, v56;
	[tilespmem:s30+$0xFFFFFFB0] =	vst v53  }
0x89: {  	v44 =	vld [tilespmem:s30+$0x20];
	v8 =	vmul.f32 v38, v47;
	[tilespmem:s30+$0xFFFFFF20] =	vst v13  }
0x8a: {  	v57 =	vld [tilespmem:s30+$0xFFFFFF30];
	v60 =	vbroadcast v3, $0x9;
	v1 =	vmul.f32 v55, v5;
	[tilespmem:s30+$0x40] =	vst v58  }
0x8b: {  	v42 =	vld [tilespmem:s30+$0x50];
	v61 =	vmul.f32 v49, v54;
	[tilespmem:s30+$0xFFFFFFE0] =	vst v8  }
0x8c: {  	v48 =	vld [tilespmem:s30+$0x0];
	v2 =	vmul.f32 v46, v60;
	[tilespmem:s30+$0xF0] =	vst v1  }
0x8d: {  	v51 =	vld [tilespmem:s30+$0x10];
	v62 =	vmul.f32 v50, v59;
	[tilespmem:s30+$0xFFFFFF70] =	vst v61  }
0x8e: {  	v1 =	vmul.f32 v44, v60;
	[tilespmem:s30+$0x30] =	vst v2  }
0x8f: {  	v3 =	vbroadcast v3, $0x8;
	v63 =	vmul.f32 v57, v52;
	[tilespmem:s30+$0xFFFFFF80] =	vst v62  }
0x90: {  	[tilespmem:s30+$0x20] =	vst v1;
	v1 =	vmul.f32 v42, v56  }
0x91: {  	v2 =	vmul.f32 v48, v3;
	[tilespmem:s30+$0xFFFFFF30] =	vst v63  }
0x92: {  	s29 =	sadd.s32 $0x1, s29;
	[tilespmem:s30+$0x50] =	vst v1;
	v1 =	vmul.f32 v51, v3  }
0x93: {  	p0 =	sne.s32 s29, $0x187;
	[tilespmem:s30+$0x0] =	vst v2  }
.Ltmp1:
0x94: {  	[tilespmem:s30+$0x10] =	vst v1;
	(pc) =	sbr.rel @p0 .LBB2_2-.Ltmp1, $4  }
0x95: {  	[spmem:s3] =	stream.indirect.scatter.add.f32 [tilespmem:s23], [sflag:$0x2], $0x20, s19, s22, $0xb8;
	[tilespmem:$0x1B760] =	vst v63  }
0x96: {  	_ =	swait.ge [sflag:s18], $0x1000  }
0x97: {  	[sflag:s18] =	ssyncset.done $0x0  }
0x98: {  	[sflag:s18] =	ssyncadd.s32 $0xFFFFF000  }
0x99: {  	[bflag:$0x0] =	sbarrier.arrive $0xFFFF;
	s0 =	simm.s32 $0x0;
	s6 =	simm.s32 $0x0  }
.LBB2_6:
0x9a: {  	s29 =	smul.u32 $0x7D, s6;
	_ =	sdelay $0x1  }
0x9b: {  	s29 =	sadd.s32 s13, s29  }
0x9c: {  	s30 =	sshll.u32 s29, $0x5  }
0x9d: {  	s30 =	sand.u32 $0x3FFFFFE0, s30  }
0x9e: {  	s30 =	sadd.s32 s30, s3  }
0x9f: {  	[tilespmem:s25], [sflag:$0x2] =	stream.linear.gather [spmem:s30], $0xFA0, $0x38;
	[tilespmem:$0x1B760] =	vst v63  }
0xa0: {  	s29 =	sadd.s32 s12, s29;
	_ =	swait.ge [sflag:s18], $0xFA0  }
0xa1: {  	s29 =	sshll.u32 s29, $0x2;
	[sflag:s18] =	ssyncset.done $0x0  }
0xa2: {  	s30 =	sadd.s32 s8, s29;
	[sflag:s18] =	ssyncadd.s32 $0xFFFFF060  }
0xa3: {  	[tilespmem:s26], [sflag:$0x2] =	stream.linear.gather [hbm4b:s30+s0], $0xFA0, $0x38;
	[tilespmem:$0x1B760] =	vst v63  }
0xa4: {  	_ =	swait.ge [sflag:s18], $0xFA0  }
0xa5: {  	[sflag:s18] =	ssyncset.done $0x0  }
0xa6: {  	s30 =	simm.s32 $0x0;
	[sflag:s18] =	ssyncadd.s32 $0xFFFFF060  }
0xa7: {  	v1 =	vld [tilespmem:s30+$0x19820]  }
0xa8: {  	v2 =	vld [tilespmem:s30+$0x19830]  }
0xa9: {  	s31 =	simm.s32 $0x80;
	v3 =	vld [tilespmem:s30+$0x1A7C0]  }
.LBB2_7:
0xaa: {  	p0 =	sne.s32 s31, $0x3E00;
	v4 =	vld [tilespmem:s30+$0x1A7D0];
	_ =	sdelay $0x3  }
0xab: {  	v1 =	vadd.f32 v1, v3  }
.Ltmp2:
0xac: {  	v2 =	vadd.f32 v2, v4;
	(pc) =	sbr.rel @p0 .LBB2_7-.Ltmp2, $4  }
0xad: {  	s9 =	sshra.s32 s31, $0x2;
	v3 =	vmul.f32 $2.500000000e-01, v1  }
0xae: {  	v1 =	vld [tilespmem:s9+$0x19820];
	v4 =	vmul.f32 $2.500000000e-01, v2  }
0xaf: {  	v2 =	vld [tilespmem:s9+$0x19830];
	[tilespmem:s30+$0x1A7C0] =	vst v3  }
0xb0: {  	s31 =	sadd.s32 $0x80, s31;
	v3 =	vld [tilespmem:s9+$0x1A7C0];
	[tilespmem:s30+$0x1A7D0] =	vst v4;
	s30 =	smov.u32 s9  }
0xb1: {  	v4 =	vld [tilespmem:s30+$0x1A7D0];
	_ =	sdelay $0x3  }
0xb2: {  	v1 =	vadd.f32 v1, v3  }
0xb3: {  	v2 =	vadd.f32 v2, v4  }
0xb4: {  	v1 =	vmul.f32 $2.500000000e-01, v1  }
0xb5: {  	v2 =	vmul.f32 $2.500000000e-01, v2  }
0xb6: {  	[tilespmem:s30+$0x1A7C0] =	vst v1  }
0xb7: {  	s9 =	sadd.s32 s10, s29;
	[tilespmem:s30+$0x1A7D0] =	vst v2  }
0xb8: {  	[hbm4b:s9+s4] =	stream.linear.scatter [tilespmem:s25], [sflag:$0x2], $0xFA0, $0x38;
	[tilespmem:$0x1B760] =	vst v63  }
0xb9: {  	s6 =	sadd.s32 $0x1, s6;
	_ =	swait.ge [sflag:s18], $0xFA0  }
0xba: {  	p0 =	sne.s32 s6, $0x19;
	[sflag:s18] =	ssyncset.done $0x0  }
.Ltmp3:
0xbb: {  	s31 =	sadd.s32 s11, s29;
	[sflag:s18] =	ssyncadd.s32 $0xFFFFF060;
	(pc) =	sbr.rel @p0 .LBB2_6-.Ltmp3, $4  }
0xbc: {  	[hbm4b:s31+s4] =	stream.linear.scatter [tilespmem:s26], [sflag:$0x2], $0xFA0, $0x38;
	[tilespmem:$0x1B760] =	vst v63  }
0xbd: {  	_ =	swait.ge [sflag:s18], $0xFA0  }
0xbe: {  	[sflag:s18] =	ssyncset.done $0x0  }
0xbf: {  	[sflag:s18] =	ssyncadd.s32 $0xFFFFF060  }
0xc0: {  	s28 =	sadd.s32 $0x1, s28  }
0xc1: {  	p0 =	sne.s32 s28, s16  }
.Ltmp4:
0xc2: {  	_ = 	snop;
	(pc) =	sbr.rel @p0 .LBB2_1-.Ltmp4, $1  }
0xc3: {  	_ =	sdelay $0x3  }
0xc4: {  	_ =	sfence.sel $0x180000  }
0xc5: {  	[bflag:$0x0] =	sbarrier.arrive $0xFFFF  }
0xc6: {  	_ =	strace $0x9000004D  }
0xc7: {  	s0 =	stileid.u32;
	[bflag:$0x2] =	sbarrier.arrive $0xFFFF  }
0xc8: {  	p0 =	sne.s32 s0, $0x0;
	s0 =	rddreg [dreg:$0x4]  }
0xc9: {  	s0 =	sadd.s32 @!p0 $0x100000, s0  }
0xca: {  	[sflag:s0] =	ssyncadd.tile.s32 @!p0 $0x1;
	_ =	shalt  }
.Lfunc_end2:
_tile_overlayer_lowered:
.L_overlay_start_2:
0xcb: {  	(tag) =	ssettag $0x2  }
0xcc: {  	s0 =	rddreg [dreg:$0x0];
	s2 =	stileid.u32  }
0xcd: {  	s1 =	rddreg [dreg:$0x1];
	p0 =	sne.s32 s2, $0x0  }
0xce: {  	s3 =	rddreg [dreg:$0x2];
	[bflag:$0x3] =	sbarrier.arrive $0xFFFF;
	s2 =	simm.s32 @!p0 $0x1C02  }
0xcf: {  	[timem:s3], [sflag:s2] =	dma.local @!p0 [hbm:s0], s1  }
0xd0: {  	s0 =	simm.s32 @!p0 $0x2  }
0xd1: {  	_ =	swait.ge @!p0 [sflag:s0], s1  }
0xd2: {  	s1 =	ssub.s32 @!p0 $0x0, s1;
	[sflag:s0] =	ssyncset.done @!p0 $0x0  }
0xd3: {  	[sflag:s0] =	ssyncadd.s32 @!p0 s1  }
0xd4: {  	[bflag:$0x3] =	sbarrier.arrive $0xFFFF  }
0xd5: {  	_ =	shalt  }

</sc_bundles>
